<compile_context>
chip_gen: v7x
topology: tpu7x:2x2x1
jax: 0.10.2.dev20260603
libtpu: 0.0.44.dev20260713+nightly
codegen_flags: <defaults>
</compile_context>

<pallas_src>
import functools

import jax
import jax.numpy as jnp
from jax import lax
from jax.experimental import pallas as pl
from jax.experimental.pallas import tpu as pltpu
from jax.experimental.pallas import tpu_sc as plsc

F32 = jnp.float32
_SC_CORES = 2
_SC_SUBCORES = 16
_SC_WORKERS = _SC_CORES * _SC_SUBCORES


def _fps_body(xt_ref, out_ref, lane_ref, col_ref):
  B, _, N = xt_ref.shape
  M = out_ref.shape[1]
  xs = xt_ref[:, 0, :]
  ys = xt_ref[:, 1, :]
  zs = xt_ref[:, 2, :]
  lane_ref[...] = lax.broadcasted_iota(jnp.int32, (B, N), 1)
  col_ref[...] = lax.broadcasted_iota(jnp.int32, (B, M), 1)
  lane = lane_ref[...]
  col = col_ref[...]

  def step(s, carry):
    far, dists, out = carry
    sel = (col == s).astype(jnp.int32)
    out = out + sel * (far - out)
    oh = (lane == far).astype(F32)
    cx = jnp.sum(xs * oh, axis=1, keepdims=True)
    cy = jnp.sum(ys * oh, axis=1, keepdims=True)
    cz = jnp.sum(zs * oh, axis=1, keepdims=True)
    d = (xs - cx) ** 2 + (ys - cy) ** 2 + (zs - cz) ** 2
    dists = jnp.minimum(dists, d)
    mx = jnp.max(dists, axis=1, keepdims=True)
    far = jnp.min(lane + (dists != mx).astype(jnp.int32) * N,
                  axis=1, keepdims=True)
    return far, dists, out

  far0 = col[:, :1] * 0
  d0 = jnp.maximum(xs * 0.0, 1e10)
  out0 = col * 0
  _, _, out = lax.fori_loop(0, M, step, (far0, d0, out0))
  col_ref[...] = lax.broadcasted_iota(jnp.int32, (B, M), 0)
  out_ref[...] = out + col_ref[...] * N


def _fps(xt, m):
  B, _, N = xt.shape
  return pl.pallas_call(
      _fps_body,
      out_shape=jax.ShapeDtypeStruct((B, m), jnp.int32),
      scratch_shapes=[
          pltpu.VMEM((B, N), jnp.int32),
          pltpu.VMEM((B, m), jnp.int32),
      ],
  )(xt)


def _bq_body(k, r2, xt_ref, c_ref, out_ref, lane_ref):
  N = xt_ref.shape[2]
  Mb = c_ref.shape[1]
  b = pl.program_id(0)
  xs = xt_ref[0, 0, :][None, :]
  ys = xt_ref[0, 1, :][None, :]
  zs = xt_ref[0, 2, :][None, :]
  cx = c_ref[0, :, 0:1]
  cy = c_ref[0, :, 1:2]
  cz = c_ref[0, :, 2:3]
  d = (cx - xs) ** 2 + (cy - ys) ** 2 + (cz - zs) ** 2
  lane_ref[...] = lax.broadcasted_iota(jnp.int32, (Mb, N), 1)
  lane = lane_ref[...].astype(F32)
  midx = lane + (d > r2).astype(F32) * N
  big = 3.0 * N
  cur = jnp.min(midx, axis=1, keepdims=True)
  cols = [cur]
  for _ in range(k - 1):
    cur = jnp.min(jnp.where(midx > cur, midx, big), axis=1, keepdims=True)
    cols.append(cur)
  idx = jnp.concatenate(cols, axis=1)
  pad = (idx >= N).astype(F32)
  idx = idx + pad * (idx[:, 0:1] - idx)
  out_ref[0] = idx.astype(jnp.int32) + b * N


def _ball_query(xt, c, k, r2, mb):
  B, _, N = xt.shape
  M = c.shape[1]
  Dc = c.shape[2]
  body = functools.partial(_bq_body, k, r2)
  return pl.pallas_call(
      body,
      grid=(B, M // mb),
      in_specs=[
          pl.BlockSpec((1, 3, N), lambda b, m: (b, 0, 0)),
          pl.BlockSpec((1, mb, Dc), lambda b, m: (b, m, 0)),
      ],
      out_specs=pl.BlockSpec((1, mb, k), lambda b, m: (b, m, 0)),
      out_shape=jax.ShapeDtypeStruct((B, M, k), jnp.int32),
      scratch_shapes=[pltpu.VMEM((mb, N), jnp.int32)],
      compiler_params=pltpu.CompilerParams(
          dimension_semantics=("parallel", "parallel")),
  )(xt, c)


def _sc_gather(table, idx):
  R = idx.shape[0]
  D = table.shape[1]
  bpw = R // _SC_WORKERS
  ch = min(bpw, 128)
  nch = bpw // ch
  mesh = plsc.VectorSubcoreMesh(core_axis_name="c", subcore_axis_name="s")

  @functools.partial(
      pl.kernel,
      mesh=mesh,
      out_type=jax.ShapeDtypeStruct((R, D), F32),
      scratch_types=[
          pltpu.VMEM((ch,), jnp.int32),
          pltpu.VMEM((ch, D), F32),
          pltpu.SemaphoreType.DMA,
      ],
  )
  def k(table_hbm, idx_hbm, out_hbm, idx_v, rows_v, sem):
    wid = lax.axis_index("s") * _SC_CORES + lax.axis_index("c")
    base = wid * bpw

    def body(i, carry):
      off = pl.multiple_of(base + i * ch, 8)
      pltpu.sync_copy(idx_hbm.at[pl.ds(off, ch)], idx_v)
      pltpu.async_copy(table_hbm.at[idx_v], rows_v, sem).wait()
      pltpu.sync_copy(rows_v, out_hbm.at[pl.ds(off, ch)])
      return carry

    lax.fori_loop(0, nch, body, 0)

  return k(table, idx)


def _dot_t(x, w):
  return lax.dot_general(x, w, (((1,), (1,)), ((), ())))


def _relu(x):
  return jnp.maximum(x, 0.0)


def _mlp_pool_body(g_ref, c_ref, w0_ref, b0_ref, w1_ref, b1_ref, w2_ref,
                   b2_ref, out_ref, *, in_dim, out_pad):
  Mb, K, Dg = g_ref.shape[1], g_ref.shape[2], g_ref.shape[3]
  g = g_ref[0]
  cc = c_ref[0][:, :3]
  coords = g[:, :, :3] - cc[:, None, :]
  if in_dim > 3:
    feats = g[:, :, 3:in_dim]
    x = jnp.concatenate([coords, feats], axis=-1)
  else:
    x = coords
  x = x.reshape(Mb * K, in_dim)
  h = _relu(_dot_t(x, w0_ref[...]) + b0_ref[...])
  h = _relu(_dot_t(h, w1_ref[...]) + b1_ref[...])
  h = _relu(_dot_t(h, w2_ref[...]) + b2_ref[...])
  f = jnp.max(h.reshape(Mb, K, h.shape[-1]), axis=1)
  if out_pad:
    out = jnp.concatenate(
        [cc, f, jnp.zeros((Mb, out_pad), F32)], axis=-1)
  else:
    out = f
  out_ref[0] = out


def _mlp_pool(g, c, params, in_dim, out_pad, mb):
  B, M, K, Dg = g.shape
  Dc = c.shape[2]
  w0, b0, w1, b1, w2, b2 = params
  o = w2.shape[0]
  dout = (3 + o + out_pad) if out_pad else o
  body = functools.partial(_mlp_pool_body, in_dim=in_dim, out_pad=out_pad)
  wspec = lambda a: pl.BlockSpec(a.shape, lambda b, m: (0,) * a.ndim)
  return pl.pallas_call(
      body,
      grid=(B, M // mb),
      in_specs=[
          pl.BlockSpec((1, mb, K, Dg), lambda b, m: (b, m, 0, 0)),
          pl.BlockSpec((1, mb, Dc), lambda b, m: (b, m, 0)),
          wspec(w0), wspec(b0), wspec(w1), wspec(b1), wspec(w2), wspec(b2),
      ],
      out_specs=pl.BlockSpec((1, mb, dout), lambda b, m: (b, m, 0)),
      out_shape=jax.ShapeDtypeStruct((B, M, dout), F32),
      compiler_params=pltpu.CompilerParams(
          dimension_semantics=("parallel", "parallel")),
  )(g, c, w0, b0, w1, b1, w2, b2)


def _global_mlp_body(c_ref, f_ref, w0_ref, b0_ref, w1_ref, b1_ref, w2_ref,
                     b2_ref, out_ref):
  x = jnp.concatenate([c_ref[0][:, :3], f_ref[0]], axis=-1)
  h = _relu(_dot_t(x, w0_ref[...]) + b0_ref[...])
  h = _relu(_dot_t(h, w1_ref[...]) + b1_ref[...])
  h = _relu(_dot_t(h, w2_ref[...]) + b2_ref[...])
  out_ref[0, 0] = jnp.max(h, axis=0)


def _global_mlp(c, f, params):
  B, M, Dc = c.shape
  Fd = f.shape[2]
  w0, b0, w1, b1, w2, b2 = params
  o = w2.shape[0]
  wspec = lambda a: pl.BlockSpec(a.shape, lambda b: (0,) * a.ndim)
  return pl.pallas_call(
      _global_mlp_body,
      grid=(B,),
      in_specs=[
          pl.BlockSpec((1, M, Dc), lambda b: (b, 0, 0)),
          pl.BlockSpec((1, M, Fd), lambda b: (b, 0, 0)),
          wspec(w0), wspec(b0), wspec(w1), wspec(b1), wspec(w2), wspec(b2),
      ],
      out_specs=pl.BlockSpec((1, 1, o), lambda b: (b, 0, 0)),
      out_shape=jax.ShapeDtypeStruct((B, 1, o), F32),
      compiler_params=pltpu.CompilerParams(
          dimension_semantics=("parallel",)),
  )(c, f, w0, b0, w1, b1, w2, b2).reshape(B, o)


def kernel(x, sa1_W0, sa1_b0, sa1_W1, sa1_b1, sa1_W2, sa1_b2,
           sa2_W0, sa2_b0, sa2_W1, sa2_b1, sa2_W2, sa2_b2,
           sa3_W0, sa3_b0, sa3_W1, sa3_b1, sa3_W2, sa3_b2):
  B, N, _ = x.shape
  M1, K1, M2, K2 = 512, 32, 128, 64
  r1sq, r2sq = 0.2 * 0.2, 0.4 * 0.4

  p1 = (sa1_W0, sa1_b0.reshape(1, -1), sa1_W1, sa1_b1.reshape(1, -1),
        sa1_W2, sa1_b2.reshape(1, -1))
  p2 = (sa2_W0, sa2_b0.reshape(1, -1), sa2_W1, sa2_b1.reshape(1, -1),
        sa2_W2, sa2_b2.reshape(1, -1))
  p3 = (sa3_W0, sa3_b0.reshape(1, -1), sa3_W1, sa3_b1.reshape(1, -1),
        sa3_W2, sa3_b2.reshape(1, -1))

  xt = jnp.transpose(x, (0, 2, 1))
  x_pad = jnp.pad(x, ((0, 0), (0, 0), (0, 125))).reshape(B * N, 128)

  i1 = _fps(xt, M1)
  c1 = _sc_gather(x_pad, i1.reshape(-1))
  c1r = c1.reshape(B, M1, 128)
  idx1 = _ball_query(xt, c1r, K1, r1sq, 128)
  g1 = _sc_gather(x_pad, idx1.reshape(-1))
  g1 = g1.reshape(B, M1, K1, 128)
  cf1 = _mlp_pool(g1, c1r, p1, in_dim=3, out_pad=125, mb=128)
  cf1_flat = cf1.reshape(B * M1, 256)

  c1t = jnp.transpose(c1r[:, :, :3], (0, 2, 1))
  i2 = _fps(c1t, M2)
  c2 = _sc_gather(cf1_flat, i2.reshape(-1))
  c2r = c2.reshape(B, M2, 256)
  idx2 = _ball_query(c1t, c2r, K2, r2sq, 128)
  g2 = _sc_gather(cf1_flat, idx2.reshape(-1))
  g2 = g2.reshape(B, M2, K2, 256)
  f2 = _mlp_pool(g2, c2r, p2, in_dim=131, out_pad=0, mb=128)

  return _global_mlp(c2r, f2, p3)

# --- scband reference (transcript-rebuilt; emitter-appended) ---
"""Pipeline reference for scband-point-net2-encoder-36094905156308 (READ-ONLY COPY).

The authoritative reference and input builder live on the scoring server;
editing this copy changes nothing except your own understanding.
"""

import jax, jax.numpy as jnp
import numpy as np


def fps(points, M):
    pts = jax.lax.stop_gradient(points)
    B, N, _ = pts.shape

    def step(carry, _):
        dists, farthest = carry
        centroid = jnp.take_along_axis(pts, farthest[:, None, None], axis=1)
        d = jnp.sum((pts - centroid) ** 2, axis=-1)
        dists = jnp.minimum(dists, d)
        nxt = jnp.argmax(dists, axis=-1).astype(jnp.int32)
        return (dists, nxt), farthest

    init = (jnp.full((B, N), 1e10, dtype=pts.dtype), jnp.zeros((B,), jnp.int32))
    _, idxs = jax.lax.scan(step, init, None, length=M)
    idxs = jnp.transpose(idxs)  # [B, M]
    return jnp.take_along_axis(points, idxs[:, :, None], axis=1)


def ball_group(points, centers, r, k):
    pts = jax.lax.stop_gradient(points)
    ctr = jax.lax.stop_gradient(centers)
    N = pts.shape[1]
    sqr = jnp.sum((ctr[:, :, None, :] - pts[:, None, :, :]) ** 2, axis=-1)  # [B,M,N]
    idx = jnp.broadcast_to(jnp.arange(N), sqr.shape)
    idx = jnp.where(sqr > r * r, N, idx)
    idx = jnp.sort(idx, axis=-1)[..., :k]
    first = idx[..., :1]
    idx = jnp.where(idx == N, first, idx)
    return idx


def group_points(vals, idx):
    return jax.vmap(lambda v, i: v[i])(vals, idx)


def apply_mlp(x, params):
    for W, b in params:
        x = jax.nn.relu(x @ W.T + b)
    return x


def setup_inputs(seed: int = 0):
    key = jax.random.key(seed)
    ks = jax.random.split(key, 20)
    inp = {"x": jax.random.uniform(ks[0], (8, 8192, 3), dtype=jnp.float32)}
    i = 1
    for name, dims in [("sa1", [3, 64, 64, 128]), ("sa2", [131, 128, 128, 256]), ("sa3", [259, 256, 512, 1024])]:
        for j in range(3):
            inp[f"{name}_W{j}"] = jax.random.normal(ks[i], (dims[j + 1], dims[j]), dtype=jnp.float32) * (1.0 / np.sqrt(dims[j]))
            inp[f"{name}_b{j}"] = jnp.zeros((dims[j + 1],), dtype=jnp.float32)
            i += 1
    return inp


def reference(x, sa1_W0, sa1_b0, sa1_W1, sa1_b1, sa1_W2, sa1_b2,
              sa2_W0, sa2_b0, sa2_W1, sa2_b1, sa2_W2, sa2_b2,
              sa3_W0, sa3_b0, sa3_W1, sa3_b1, sa3_W2, sa3_b2):
    mlp1 = [(sa1_W0, sa1_b0), (sa1_W1, sa1_b1), (sa1_W2, sa1_b2)]
    mlp2 = [(sa2_W0, sa2_b0), (sa2_W1, sa2_b1), (sa2_W2, sa2_b2)]
    mlp3 = [(sa3_W0, sa3_b0), (sa3_W1, sa3_b1), (sa3_W2, sa3_b2)]
    # SA layer 1: 512 groups, radius 0.2, group size 32, feats=None
    c1 = fps(x, 512)
    idx1 = ball_group(x, c1, 0.2, 32)
    npts1 = group_points(x, idx1) - c1[:, :, None, :]  # [B,512,32,3]
    f1 = jnp.max(apply_mlp(npts1, mlp1), axis=2)  # [B,512,128]
    # SA layer 2: 128 groups, radius 0.4, group size 64
    c2 = fps(c1, 128)
    idx2 = ball_group(c1, c2, 0.4, 64)
    npts2 = group_points(c1, idx2) - c2[:, :, None, :]  # [B,128,64,3]
    nfeat2 = group_points(f1, idx2)  # [B,128,64,128]
    g2 = jnp.concatenate([npts2, nfeat2], axis=-1)  # [B,128,64,131]
    f2 = jnp.max(apply_mlp(g2, mlp2), axis=2)  # [B,128,256]
    # Global SA
    x3 = jnp.concatenate([c2, f2], axis=-1)  # [B,128,259]
    return jnp.max(apply_mlp(x3, mlp3), axis=1)  # [B,1024]

if __name__ == "__main__":
    import jax
    _d = setup_inputs()
    print(jax.jit(kernel)(*tuple(_d.values())))

</pallas_src>

<mosaic_0001>
#map = affine_map<(d0, d1) -> (0, 0)>
#map1 = affine_map<(d0, d1) -> (0)>
module attributes {stable_mosaic.version = 14 : i64} {
  func.func @k(%arg0: i32, %arg1: i32, %arg2: memref<65536x128xf32, #tpu.memory_space<hbm>>, %arg3: memref<131072xi32, #tpu.memory_space<hbm>>, %arg4: memref<131072x128xf32, #tpu.memory_space<hbm>>, %arg5: memref<128xi32, #tpu.memory_space<vmem>>, %arg6: memref<128x128xf32, #tpu.memory_space<vmem>>, %arg7: memref<!tpu.dma_semaphore, #tpu.memory_space<semaphore_mem>>) attributes {dimension_semantics = [#tpu.dimension_semantics<core_parallel>, #tpu.dimension_semantics<subcore_parallel>], iteration_bounds = array<i64: 2, 16>, scalar_prefetch = 0 : i64, scratch_operands = 3 : i64, tpu.core_type = #tpu.core_type<sc_vector_subcore>, window_params = [{transform_indices = #map}, {transform_indices = #map1}, {transform_indices = #map}]} {
    %mul3A = arith.constant 2 : i32
    %mul3A_0 = arith.muli %arg1, %mul3A : i32
    %add3A = arith.addi %mul3A_0, %arg0 : i32
    %mul3A_1 = arith.constant 4096 : i32
    %mul3A_2 = arith.muli %add3A, %mul3A_1 : i32
    %scan3A = arith.constant 0 : i32
    %scan3A_3 = arith.constant 0 : i32
    %scan3A_4 = arith.constant 32 : i32
    %scan3A_5 = arith.addi %scan3A_3, %scan3A_4 : i32
    %scan3A_6 = arith.constant 1 : i32
    scf.for %scan3A_8 = %scan3A_3 to %scan3A_5 step %scan3A_6  : i32 {
      %mul3A_9 = arith.constant 128 : i32
      %mul3A_10 = arith.muli %scan3A_8, %mul3A_9 : i32
      %add3A_11 = arith.addi %mul3A_2, %mul3A_10 : i32
      %multiple_of3A = tpu.assume_multiple %add3A_11, 8 : i32
      "tpu.region"() ({
        %run_scoped3A = tpu.sem_alloc : memref<!tpu.dma_semaphore, #tpu.memory_space<semaphore_mem>>
        %dma_start3A_16 = tpu.memref_slice %arg3[%multiple_of3A] : memref<131072xi32, #tpu.memory_space<hbm>> -> memref<128xi32, #tpu.memory_space<hbm>>
        %dma_start3A_17 = tpu.memref_slice %arg3[%multiple_of3A] : memref<131072xi32, #tpu.memory_space<hbm>> -> memref<128xi32, #tpu.memory_space<hbm>>
        tpu.enqueue_dma source(%dma_start3A_17 : memref<128xi32, #tpu.memory_space<hbm>>) target(%arg5 : memref<128xi32, #tpu.memory_space<vmem>>) target_semaphore(%run_scoped3A : memref<!tpu.dma_semaphore, #tpu.memory_space<semaphore_mem>>)
        %dma_wait3A_18 = tpu.memref_slice %arg3[%multiple_of3A] : memref<131072xi32, #tpu.memory_space<hbm>> -> memref<128xi32, #tpu.memory_space<hbm>>
        %dma_wait3A_19 = tpu.memref_slice %arg3[%multiple_of3A] : memref<131072xi32, #tpu.memory_space<hbm>> -> memref<128xi32, #tpu.memory_space<hbm>>
        tpu.wait_dma2 semaphore(%run_scoped3A : memref<!tpu.dma_semaphore, #tpu.memory_space<semaphore_mem>>) src(%dma_wait3A_19 : memref<128xi32, #tpu.memory_space<hbm>>) dst(%arg5 : memref<128xi32, #tpu.memory_space<vmem>>)
        tpu.yield
      }) : () -> ()
      %dma_start3A = arith.constant 0 : i32
      %dma_start3A_12 = arith.constant 0 : i32
      %dma_start3A_13 = tpu.memref_slice %arg2[%dma_start3A, %dma_start3A_12] : memref<65536x128xf32, #tpu.memory_space<hbm>> -> memref<65536x128xf32, #tpu.memory_space<hbm>>
      tpu.enqueue_indirect_dma source(%dma_start3A_13 : memref<65536x128xf32, #tpu.memory_space<hbm>>) target(%arg6 : memref<128x128xf32, #tpu.memory_space<vmem>>) offsets(%arg5 : memref<128xi32, #tpu.memory_space<vmem>>) semaphore(%arg7 : memref<!tpu.dma_semaphore, #tpu.memory_space<semaphore_mem>>)
      %dma_wait3A = arith.constant 0 : i32
      %dma_wait3A_14 = arith.constant 0 : i32
      %dma_wait3A_15 = tpu.memref_slice %arg2[%dma_wait3A, %dma_wait3A_14] : memref<65536x128xf32, #tpu.memory_space<hbm>> -> memref<65536x128xf32, #tpu.memory_space<hbm>>
      tpu.wait_indirect_dma semaphore(%arg7 : memref<!tpu.dma_semaphore, #tpu.memory_space<semaphore_mem>>) src(%dma_wait3A_15 : memref<65536x128xf32, #tpu.memory_space<hbm>>) dst(%arg6 : memref<128x128xf32, #tpu.memory_space<vmem>>)
      "tpu.region"() ({
        %run_scoped3A = tpu.sem_alloc : memref<!tpu.dma_semaphore, #tpu.memory_space<semaphore_mem>>
        %dma_start3A_16 = arith.constant 0 : i32
        %dma_start3A_17 = tpu.memref_slice %arg4[%multiple_of3A, %dma_start3A_16] : memref<131072x128xf32, #tpu.memory_space<hbm>> -> memref<128x128xf32, #tpu.memory_space<hbm>>
        %dma_start3A_18 = arith.constant 0 : i32
        %dma_start3A_19 = tpu.memref_slice %arg4[%multiple_of3A, %dma_start3A_18] : memref<131072x128xf32, #tpu.memory_space<hbm>> -> memref<128x128xf32, #tpu.memory_space<hbm>>
        tpu.enqueue_dma source(%arg6 : memref<128x128xf32, #tpu.memory_space<vmem>>) target(%dma_start3A_19 : memref<128x128xf32, #tpu.memory_space<hbm>>) target_semaphore(%run_scoped3A : memref<!tpu.dma_semaphore, #tpu.memory_space<semaphore_mem>>)
        %dma_wait3A_20 = arith.constant 0 : i32
        %dma_wait3A_21 = tpu.memref_slice %arg4[%multiple_of3A, %dma_wait3A_20] : memref<131072x128xf32, #tpu.memory_space<hbm>> -> memref<128x128xf32, #tpu.memory_space<hbm>>
        %dma_wait3A_22 = arith.constant 0 : i32
        %dma_wait3A_23 = tpu.memref_slice %arg4[%multiple_of3A, %dma_wait3A_22] : memref<131072x128xf32, #tpu.memory_space<hbm>> -> memref<128x128xf32, #tpu.memory_space<hbm>>
        tpu.wait_dma2 semaphore(%run_scoped3A : memref<!tpu.dma_semaphore, #tpu.memory_space<semaphore_mem>>) src(%arg6 : memref<128x128xf32, #tpu.memory_space<vmem>>) dst(%dma_wait3A_23 : memref<128x128xf32, #tpu.memory_space<hbm>>)
        tpu.yield
      }) : () -> ()
    }
    %scan3A_7 = arith.constant 32 : i32
    return
  }
}

#map = affine_map<(d0, d1) -> (0, 0)>
#map1 = affine_map<(d0, d1) -> (0)>
module attributes {stable_mosaic.version = 14 : i64} {
  func.func @k(%arg0: i32, %arg1: i32, %arg2: memref<65536x128xf32, #tpu.memory_space<hbm>>, %arg3: memref<4096xi32, #tpu.memory_space<hbm>>, %arg4: memref<4096x128xf32, #tpu.memory_space<hbm>>, %arg5: memref<128xi32, #tpu.memory_space<vmem>>, %arg6: memref<128x128xf32, #tpu.memory_space<vmem>>, %arg7: memref<!tpu.dma_semaphore, #tpu.memory_space<semaphore_mem>>) attributes {dimension_semantics = [#tpu.dimension_semantics<core_parallel>, #tpu.dimension_semantics<subcore_parallel>], iteration_bounds = array<i64: 2, 16>, scalar_prefetch = 0 : i64, scratch_operands = 3 : i64, tpu.core_type = #tpu.core_type<sc_vector_subcore>, window_params = [{transform_indices = #map}, {transform_indices = #map1}, {transform_indices = #map}]} {
    %mul3A = arith.constant 2 : i32
    %mul3A_0 = arith.muli %arg1, %mul3A : i32
    %add3A = arith.addi %mul3A_0, %arg0 : i32
    %mul3A_1 = arith.constant 128 : i32
    %mul3A_2 = arith.muli %add3A, %mul3A_1 : i32
    %scan3A = arith.constant 0 : i32
    %scan3A_3 = arith.constant 0 : i32
    %mul3A_4 = arith.constant 128 : i32
    %mul3A_5 = arith.muli %scan3A_3, %mul3A_4 : i32
    %add3A_6 = arith.addi %mul3A_2, %mul3A_5 : i32
    %multiple_of3A = tpu.assume_multiple %add3A_6, 8 : i32
    "tpu.region"() ({
      %run_scoped3A = tpu.sem_alloc : memref<!tpu.dma_semaphore, #tpu.memory_space<semaphore_mem>>
      %dma_start3A_12 = tpu.memref_slice %arg3[%multiple_of3A] : memref<4096xi32, #tpu.memory_space<hbm>> -> memref<128xi32, #tpu.memory_space<hbm>>
      %dma_start3A_13 = tpu.memref_slice %arg3[%multiple_of3A] : memref<4096xi32, #tpu.memory_space<hbm>> -> memref<128xi32, #tpu.memory_space<hbm>>
      tpu.enqueue_dma source(%dma_start3A_13 : memref<128xi32, #tpu.memory_space<hbm>>) target(%arg5 : memref<128xi32, #tpu.memory_space<vmem>>) target_semaphore(%run_scoped3A : memref<!tpu.dma_semaphore, #tpu.memory_space<semaphore_mem>>)
      %dma_wait3A_14 = tpu.memref_slice %arg3[%multiple_of3A] : memref<4096xi32, #tpu.memory_space<hbm>> -> memref<128xi32, #tpu.memory_space<hbm>>
      %dma_wait3A_15 = tpu.memref_slice %arg3[%multiple_of3A] : memref<4096xi32, #tpu.memory_space<hbm>> -> memref<128xi32, #tpu.memory_space<hbm>>
      tpu.wait_dma2 semaphore(%run_scoped3A : memref<!tpu.dma_semaphore, #tpu.memory_space<semaphore_mem>>) src(%dma_wait3A_15 : memref<128xi32, #tpu.memory_space<hbm>>) dst(%arg5 : memref<128xi32, #tpu.memory_space<vmem>>)
      tpu.yield
    }) : () -> ()
    %dma_start3A = arith.constant 0 : i32
    %dma_start3A_7 = arith.constant 0 : i32
    %dma_start3A_8 = tpu.memref_slice %arg2[%dma_start3A, %dma_start3A_7] : memref<65536x128xf32, #tpu.memory_space<hbm>> -> memref<65536x128xf32, #tpu.memory_space<hbm>>
    tpu.enqueue_indirect_dma source(%dma_start3A_8 : memref<65536x128xf32, #tpu.memory_space<hbm>>) target(%arg6 : memref<128x128xf32, #tpu.memory_space<vmem>>) offsets(%arg5 : memref<128xi32, #tpu.memory_space<vmem>>) semaphore(%arg7 : memref<!tpu.dma_semaphore, #tpu.memory_space<semaphore_mem>>)
    %dma_wait3A = arith.constant 0 : i32
    %dma_wait3A_9 = arith.constant 0 : i32
    %dma_wait3A_10 = tpu.memref_slice %arg2[%dma_wait3A, %dma_wait3A_9] : memref<65536x128xf32, #tpu.memory_space<hbm>> -> memref<65536x128xf32, #tpu.memory_space<hbm>>
    tpu.wait_indirect_dma semaphore(%arg7 : memref<!tpu.dma_semaphore, #tpu.memory_space<semaphore_mem>>) src(%dma_wait3A_10 : memref<65536x128xf32, #tpu.memory_space<hbm>>) dst(%arg6 : memref<128x128xf32, #tpu.memory_space<vmem>>)
    "tpu.region"() ({
      %run_scoped3A = tpu.sem_alloc : memref<!tpu.dma_semaphore, #tpu.memory_space<semaphore_mem>>
      %dma_start3A_12 = arith.constant 0 : i32
      %dma_start3A_13 = tpu.memref_slice %arg4[%multiple_of3A, %dma_start3A_12] : memref<4096x128xf32, #tpu.memory_space<hbm>> -> memref<128x128xf32, #tpu.memory_space<hbm>>
      %dma_start3A_14 = arith.constant 0 : i32
      %dma_start3A_15 = tpu.memref_slice %arg4[%multiple_of3A, %dma_start3A_14] : memref<4096x128xf32, #tpu.memory_space<hbm>> -> memref<128x128xf32, #tpu.memory_space<hbm>>
      tpu.enqueue_dma source(%arg6 : memref<128x128xf32, #tpu.memory_space<vmem>>) target(%dma_start3A_15 : memref<128x128xf32, #tpu.memory_space<hbm>>) target_semaphore(%run_scoped3A : memref<!tpu.dma_semaphore, #tpu.memory_space<semaphore_mem>>)
      %dma_wait3A_16 = arith.constant 0 : i32
      %dma_wait3A_17 = tpu.memref_slice %arg4[%multiple_of3A, %dma_wait3A_16] : memref<4096x128xf32, #tpu.memory_space<hbm>> -> memref<128x128xf32, #tpu.memory_space<hbm>>
      %dma_wait3A_18 = arith.constant 0 : i32
      %dma_wait3A_19 = tpu.memref_slice %arg4[%multiple_of3A, %dma_wait3A_18] : memref<4096x128xf32, #tpu.memory_space<hbm>> -> memref<128x128xf32, #tpu.memory_space<hbm>>
      tpu.wait_dma2 semaphore(%run_scoped3A : memref<!tpu.dma_semaphore, #tpu.memory_space<semaphore_mem>>) src(%arg6 : memref<128x128xf32, #tpu.memory_space<vmem>>) dst(%dma_wait3A_19 : memref<128x128xf32, #tpu.memory_space<hbm>>)
      tpu.yield
    }) : () -> ()
    %scan3A_11 = arith.constant 1 : i32
    return
  }
}

#map = affine_map<(d0, d1) -> (0, 0)>
#map1 = affine_map<(d0, d1) -> (0)>
module attributes {stable_mosaic.version = 14 : i64} {
  func.func @k(%arg0: i32, %arg1: i32, %arg2: memref<4096x256xf32, #tpu.memory_space<hbm>>, %arg3: memref<1024xi32, #tpu.memory_space<hbm>>, %arg4: memref<1024x256xf32, #tpu.memory_space<hbm>>, %arg5: memref<32xi32, #tpu.memory_space<vmem>>, %arg6: memref<32x256xf32, #tpu.memory_space<vmem>>, %arg7: memref<!tpu.dma_semaphore, #tpu.memory_space<semaphore_mem>>) attributes {dimension_semantics = [#tpu.dimension_semantics<core_parallel>, #tpu.dimension_semantics<subcore_parallel>], iteration_bounds = array<i64: 2, 16>, scalar_prefetch = 0 : i64, scratch_operands = 3 : i64, tpu.core_type = #tpu.core_type<sc_vector_subcore>, window_params = [{transform_indices = #map}, {transform_indices = #map1}, {transform_indices = #map}]} {
    %mul3A = arith.constant 2 : i32
    %mul3A_0 = arith.muli %arg1, %mul3A : i32
    %add3A = arith.addi %mul3A_0, %arg0 : i32
    %mul3A_1 = arith.constant 32 : i32
    %mul3A_2 = arith.muli %add3A, %mul3A_1 : i32
    %scan3A = arith.constant 0 : i32
    %scan3A_3 = arith.constant 0 : i32
    %mul3A_4 = arith.constant 32 : i32
    %mul3A_5 = arith.muli %scan3A_3, %mul3A_4 : i32
    %add3A_6 = arith.addi %mul3A_2, %mul3A_5 : i32
    %multiple_of3A = tpu.assume_multiple %add3A_6, 8 : i32
    "tpu.region"() ({
      %run_scoped3A = tpu.sem_alloc : memref<!tpu.dma_semaphore, #tpu.memory_space<semaphore_mem>>
      %dma_start3A_12 = tpu.memref_slice %arg3[%multiple_of3A] : memref<1024xi32, #tpu.memory_space<hbm>> -> memref<32xi32, #tpu.memory_space<hbm>>
      %dma_start3A_13 = tpu.memref_slice %arg3[%multiple_of3A] : memref<1024xi32, #tpu.memory_space<hbm>> -> memref<32xi32, #tpu.memory_space<hbm>>
      tpu.enqueue_dma source(%dma_start3A_13 : memref<32xi32, #tpu.memory_space<hbm>>) target(%arg5 : memref<32xi32, #tpu.memory_space<vmem>>) target_semaphore(%run_scoped3A : memref<!tpu.dma_semaphore, #tpu.memory_space<semaphore_mem>>)
      %dma_wait3A_14 = tpu.memref_slice %arg3[%multiple_of3A] : memref<1024xi32, #tpu.memory_space<hbm>> -> memref<32xi32, #tpu.memory_space<hbm>>
      %dma_wait3A_15 = tpu.memref_slice %arg3[%multiple_of3A] : memref<1024xi32, #tpu.memory_space<hbm>> -> memref<32xi32, #tpu.memory_space<hbm>>
      tpu.wait_dma2 semaphore(%run_scoped3A : memref<!tpu.dma_semaphore, #tpu.memory_space<semaphore_mem>>) src(%dma_wait3A_15 : memref<32xi32, #tpu.memory_space<hbm>>) dst(%arg5 : memref<32xi32, #tpu.memory_space<vmem>>)
      tpu.yield
    }) : () -> ()
    %dma_start3A = arith.constant 0 : i32
    %dma_start3A_7 = arith.constant 0 : i32
    %dma_start3A_8 = tpu.memref_slice %arg2[%dma_start3A, %dma_start3A_7] : memref<4096x256xf32, #tpu.memory_space<hbm>> -> memref<4096x256xf32, #tpu.memory_space<hbm>>
    tpu.enqueue_indirect_dma source(%dma_start3A_8 : memref<4096x256xf32, #tpu.memory_space<hbm>>) target(%arg6 : memref<32x256xf32, #tpu.memory_space<vmem>>) offsets(%arg5 : memref<32xi32, #tpu.memory_space<vmem>>) semaphore(%arg7 : memref<!tpu.dma_semaphore, #tpu.memory_space<semaphore_mem>>)
    %dma_wait3A = arith.constant 0 : i32
    %dma_wait3A_9 = arith.constant 0 : i32
    %dma_wait3A_10 = tpu.memref_slice %arg2[%dma_wait3A, %dma_wait3A_9] : memref<4096x256xf32, #tpu.memory_space<hbm>> -> memref<4096x256xf32, #tpu.memory_space<hbm>>
    tpu.wait_indirect_dma semaphore(%arg7 : memref<!tpu.dma_semaphore, #tpu.memory_space<semaphore_mem>>) src(%dma_wait3A_10 : memref<4096x256xf32, #tpu.memory_space<hbm>>) dst(%arg6 : memref<32x256xf32, #tpu.memory_space<vmem>>)
    "tpu.region"() ({
      %run_scoped3A = tpu.sem_alloc : memref<!tpu.dma_semaphore, #tpu.memory_space<semaphore_mem>>
      %dma_start3A_12 = arith.constant 0 : i32
      %dma_start3A_13 = tpu.memref_slice %arg4[%multiple_of3A, %dma_start3A_12] : memref<1024x256xf32, #tpu.memory_space<hbm>> -> memref<32x256xf32, #tpu.memory_space<hbm>>
      %dma_start3A_14 = arith.constant 0 : i32
      %dma_start3A_15 = tpu.memref_slice %arg4[%multiple_of3A, %dma_start3A_14] : memref<1024x256xf32, #tpu.memory_space<hbm>> -> memref<32x256xf32, #tpu.memory_space<hbm>>
      tpu.enqueue_dma source(%arg6 : memref<32x256xf32, #tpu.memory_space<vmem>>) target(%dma_start3A_15 : memref<32x256xf32, #tpu.memory_space<hbm>>) target_semaphore(%run_scoped3A : memref<!tpu.dma_semaphore, #tpu.memory_space<semaphore_mem>>)
      %dma_wait3A_16 = arith.constant 0 : i32
      %dma_wait3A_17 = tpu.memref_slice %arg4[%multiple_of3A, %dma_wait3A_16] : memref<1024x256xf32, #tpu.memory_space<hbm>> -> memref<32x256xf32, #tpu.memory_space<hbm>>
      %dma_wait3A_18 = arith.constant 0 : i32
      %dma_wait3A_19 = tpu.memref_slice %arg4[%multiple_of3A, %dma_wait3A_18] : memref<1024x256xf32, #tpu.memory_space<hbm>> -> memref<32x256xf32, #tpu.memory_space<hbm>>
      tpu.wait_dma2 semaphore(%run_scoped3A : memref<!tpu.dma_semaphore, #tpu.memory_space<semaphore_mem>>) src(%arg6 : memref<32x256xf32, #tpu.memory_space<vmem>>) dst(%dma_wait3A_19 : memref<32x256xf32, #tpu.memory_space<hbm>>)
      tpu.yield
    }) : () -> ()
    %scan3A_11 = arith.constant 1 : i32
    return
  }
}

#map = affine_map<(d0, d1) -> (0, 0)>
#map1 = affine_map<(d0, d1) -> (0)>
module attributes {stable_mosaic.version = 14 : i64} {
  func.func @k(%arg0: i32, %arg1: i32, %arg2: memref<4096x256xf32, #tpu.memory_space<hbm>>, %arg3: memref<65536xi32, #tpu.memory_space<hbm>>, %arg4: memref<65536x256xf32, #tpu.memory_space<hbm>>, %arg5: memref<128xi32, #tpu.memory_space<vmem>>, %arg6: memref<128x256xf32, #tpu.memory_space<vmem>>, %arg7: memref<!tpu.dma_semaphore, #tpu.memory_space<semaphore_mem>>) attributes {dimension_semantics = [#tpu.dimension_semantics<core_parallel>, #tpu.dimension_semantics<subcore_parallel>], iteration_bounds = array<i64: 2, 16>, scalar_prefetch = 0 : i64, scratch_operands = 3 : i64, tpu.core_type = #tpu.core_type<sc_vector_subcore>, window_params = [{transform_indices = #map}, {transform_indices = #map1}, {transform_indices = #map}]} {
    %mul3A = arith.constant 2 : i32
    %mul3A_0 = arith.muli %arg1, %mul3A : i32
    %add3A = arith.addi %mul3A_0, %arg0 : i32
    %mul3A_1 = arith.constant 2048 : i32
    %mul3A_2 = arith.muli %add3A, %mul3A_1 : i32
    %scan3A = arith.constant 0 : i32
    %scan3A_3 = arith.constant 0 : i32
    %scan3A_4 = arith.constant 16 : i32
    %scan3A_5 = arith.addi %scan3A_3, %scan3A_4 : i32
    %scan3A_6 = arith.constant 1 : i32
    scf.for %scan3A_8 = %scan3A_3 to %scan3A_5 step %scan3A_6  : i32 {
      %mul3A_9 = arith.constant 128 : i32
      %mul3A_10 = arith.muli %scan3A_8, %mul3A_9 : i32
      %add3A_11 = arith.addi %mul3A_2, %mul3A_10 : i32
      %multiple_of3A = tpu.assume_multiple %add3A_11, 8 : i32
      "tpu.region"() ({
        %run_scoped3A = tpu.sem_alloc : memref<!tpu.dma_semaphore, #tpu.memory_space<semaphore_mem>>
        %dma_start3A_16 = tpu.memref_slice %arg3[%multiple_of3A] : memref<65536xi32, #tpu.memory_space<hbm>> -> memref<128xi32, #tpu.memory_space<hbm>>
        %dma_start3A_17 = tpu.memref_slice %arg3[%multiple_of3A] : memref<65536xi32, #tpu.memory_space<hbm>> -> memref<128xi32, #tpu.memory_space<hbm>>
        tpu.enqueue_dma source(%dma_start3A_17 : memref<128xi32, #tpu.memory_space<hbm>>) target(%arg5 : memref<128xi32, #tpu.memory_space<vmem>>) target_semaphore(%run_scoped3A : memref<!tpu.dma_semaphore, #tpu.memory_space<semaphore_mem>>)
        %dma_wait3A_18 = tpu.memref_slice %arg3[%multiple_of3A] : memref<65536xi32, #tpu.memory_space<hbm>> -> memref<128xi32, #tpu.memory_space<hbm>>
        %dma_wait3A_19 = tpu.memref_slice %arg3[%multiple_of3A] : memref<65536xi32, #tpu.memory_space<hbm>> -> memref<128xi32, #tpu.memory_space<hbm>>
        tpu.wait_dma2 semaphore(%run_scoped3A : memref<!tpu.dma_semaphore, #tpu.memory_space<semaphore_mem>>) src(%dma_wait3A_19 : memref<128xi32, #tpu.memory_space<hbm>>) dst(%arg5 : memref<128xi32, #tpu.memory_space<vmem>>)
        tpu.yield
      }) : () -> ()
      %dma_start3A = arith.constant 0 : i32
      %dma_start3A_12 = arith.constant 0 : i32
      %dma_start3A_13 = tpu.memref_slice %arg2[%dma_start3A, %dma_start3A_12] : memref<4096x256xf32, #tpu.memory_space<hbm>> -> memref<4096x256xf32, #tpu.memory_space<hbm>>
      tpu.enqueue_indirect_dma source(%dma_start3A_13 : memref<4096x256xf32, #tpu.memory_space<hbm>>) target(%arg6 : memref<128x256xf32, #tpu.memory_space<vmem>>) offsets(%arg5 : memref<128xi32, #tpu.memory_space<vmem>>) semaphore(%arg7 : memref<!tpu.dma_semaphore, #tpu.memory_space<semaphore_mem>>)
      %dma_wait3A = arith.constant 0 : i32
      %dma_wait3A_14 = arith.constant 0 : i32
      %dma_wait3A_15 = tpu.memref_slice %arg2[%dma_wait3A, %dma_wait3A_14] : memref<4096x256xf32, #tpu.memory_space<hbm>> -> memref<4096x256xf32, #tpu.memory_space<hbm>>
      tpu.wait_indirect_dma semaphore(%arg7 : memref<!tpu.dma_semaphore, #tpu.memory_space<semaphore_mem>>) src(%dma_wait3A_15 : memref<4096x256xf32, #tpu.memory_space<hbm>>) dst(%arg6 : memref<128x256xf32, #tpu.memory_space<vmem>>)
      "tpu.region"() ({
        %run_scoped3A = tpu.sem_alloc : memref<!tpu.dma_semaphore, #tpu.memory_space<semaphore_mem>>
        %dma_start3A_16 = arith.constant 0 : i32
        %dma_start3A_17 = tpu.memref_slice %arg4[%multiple_of3A, %dma_start3A_16] : memref<65536x256xf32, #tpu.memory_space<hbm>> -> memref<128x256xf32, #tpu.memory_space<hbm>>
        %dma_start3A_18 = arith.constant 0 : i32
        %dma_start3A_19 = tpu.memref_slice %arg4[%multiple_of3A, %dma_start3A_18] : memref<65536x256xf32, #tpu.memory_space<hbm>> -> memref<128x256xf32, #tpu.memory_space<hbm>>
        tpu.enqueue_dma source(%arg6 : memref<128x256xf32, #tpu.memory_space<vmem>>) target(%dma_start3A_19 : memref<128x256xf32, #tpu.memory_space<hbm>>) target_semaphore(%run_scoped3A : memref<!tpu.dma_semaphore, #tpu.memory_space<semaphore_mem>>)
        %dma_wait3A_20 = arith.constant 0 : i32
        %dma_wait3A_21 = tpu.memref_slice %arg4[%multiple_of3A, %dma_wait3A_20] : memref<65536x256xf32, #tpu.memory_space<hbm>> -> memref<128x256xf32, #tpu.memory_space<hbm>>
        %dma_wait3A_22 = arith.constant 0 : i32
        %dma_wait3A_23 = tpu.memref_slice %arg4[%multiple_of3A, %dma_wait3A_22] : memref<65536x256xf32, #tpu.memory_space<hbm>> -> memref<128x256xf32, #tpu.memory_space<hbm>>
        tpu.wait_dma2 semaphore(%run_scoped3A : memref<!tpu.dma_semaphore, #tpu.memory_space<semaphore_mem>>) src(%arg6 : memref<128x256xf32, #tpu.memory_space<vmem>>) dst(%dma_wait3A_23 : memref<128x256xf32, #tpu.memory_space<hbm>>)
        tpu.yield
      }) : () -> ()
    }
    %scan3A_7 = arith.constant 16 : i32
    return
  }
}

module attributes {stable_mosaic.version = 14 : i64} {
  func.func @_fps_body(%arg0: memref<8x3x8192xf32, #tpu.memory_space<vmem>>, %arg1: memref<8x512xi32, #tpu.memory_space<vmem>>, %arg2: memref<8x8192xi32, #tpu.memory_space<vmem>>, %arg3: memref<8x512xi32, #tpu.memory_space<vmem>>) attributes {dimension_semantics = [], scalar_prefetch = 0 : i64, scratch_operands = 2 : i64, tpu.core_type = #tpu.core_type<tc>} {
    %get3A = arith.constant 0 : index
    %get3A_0 = arith.constant 0 : index
    %get3A_1 = arith.constant 0 : index
    %get3A_2 = vector.load %arg0[%get3A, %get3A_0, %get3A_1] : memref<8x3x8192xf32, #tpu.memory_space<vmem>>, vector<8x1x8192xf32>
    %get3A_3 = vector.shape_cast %get3A_2 : vector<8x1x8192xf32> to vector<8x8192xf32>
    %get3A_4 = arith.constant 0 : index
    %get3A_5 = arith.constant 1 : index
    %get3A_6 = arith.constant 0 : index
    %get3A_7 = vector.load %arg0[%get3A_4, %get3A_5, %get3A_6] : memref<8x3x8192xf32, #tpu.memory_space<vmem>>, vector<8x1x8192xf32>
    %get3A_8 = vector.shape_cast %get3A_7 : vector<8x1x8192xf32> to vector<8x8192xf32>
    %get3A_9 = arith.constant 0 : index
    %get3A_10 = arith.constant 2 : index
    %get3A_11 = arith.constant 0 : index
    %get3A_12 = vector.load %arg0[%get3A_9, %get3A_10, %get3A_11] : memref<8x3x8192xf32, #tpu.memory_space<vmem>>, vector<8x1x8192xf32>
    %get3A_13 = vector.shape_cast %get3A_12 : vector<8x1x8192xf32> to vector<8x8192xf32>
    %iota3A = tpu.iota {dimensions = array<i32: 1>} : vector<8x8192xi32>
    %swap3A = arith.constant 0 : index
    %swap3A_14 = arith.constant 0 : index
    %swap3A_15 = vector.load %arg2[%swap3A, %swap3A_14] : memref<8x8192xi32, #tpu.memory_space<vmem>>, vector<8x8192xi32>
    tpu.vector_store %arg2[%swap3A, %swap3A_14], %iota3A {strides = array<i32>} : memref<8x8192xi32, #tpu.memory_space<vmem>>, vector<8x8192xi32>,
    %iota3A_16 = tpu.iota {dimensions = array<i32: 1>} : vector<8x512xi32>
    %swap3A_17 = arith.constant 0 : index
    %swap3A_18 = arith.constant 0 : index
    %swap3A_19 = vector.load %arg3[%swap3A_17, %swap3A_18] : memref<8x512xi32, #tpu.memory_space<vmem>>, vector<8x512xi32>
    tpu.vector_store %arg3[%swap3A_17, %swap3A_18], %iota3A_16 {strides = array<i32>} : memref<8x512xi32, #tpu.memory_space<vmem>>, vector<8x512xi32>,
    %get3A_20 = arith.constant 0 : index
    %get3A_21 = arith.constant 0 : index
    %get3A_22 = vector.load %arg2[%get3A_20, %get3A_21] : memref<8x8192xi32, #tpu.memory_space<vmem>>, vector<8x8192xi32>
    %get3A_23 = arith.constant 0 : index
    %get3A_24 = arith.constant 0 : index
    %get3A_25 = vector.load %arg3[%get3A_23, %get3A_24] : memref<8x512xi32, #tpu.memory_space<vmem>>, vector<8x512xi32>
    %slice3A = vector.extract_strided_slice %get3A_25 {offsets = [0, 0], sizes = [8, 1], strides = [1, 1]} : vector<8x512xi32> to vector<8x1xi32>
    %mul3A = arith.constant 0 : i32
    %mul3A_26 = vector.broadcast %mul3A : i32 to vector<8x1xi32>
    %mul3A_27 = arith.muli %slice3A, %mul3A_26 : vector<8x1xi32>
    %mul3A_28 = arith.constant 0.000000e+00 : f32
    %mul3A_29 = vector.broadcast %mul3A_28 : f32 to vector<8x8192xf32>
    %mul3A_30 = arith.mulf %get3A_3, %mul3A_29 : vector<8x8192xf32>
    %max3A = arith.constant 1.000000e+10 : f32
    %max3A_31 = vector.broadcast %max3A : f32 to vector<8x8192xf32>
    %max3A_32 = arith.maximumf %mul3A_30, %max3A_31 : vector<8x8192xf32>
    %mul3A_33 = arith.constant 0 : i32
    %mul3A_34 = vector.broadcast %mul3A_33 : i32 to vector<8x512xi32>
    %mul3A_35 = arith.muli %get3A_25, %mul3A_34 : vector<8x512xi32>
    %scan3A = arith.constant 0 : i32
    %scan3A_36 = arith.constant 512 : i32
    %scan3A_37 = arith.addi %scan3A, %scan3A_36 : i32
    %scan3A_38 = arith.constant 1 : i32
    %scan3A_39:3 = scf.for %scan3A_54 = %scan3A to %scan3A_37 step %scan3A_38 iter_args(%scan3A_55 = %mul3A_27, %scan3A_56 = %max3A_32, %scan3A_57 = %mul3A_35) -> (vector<8x1xi32>, vector<8x8192xf32>, vector<8x512xi32>)  : i32 {
      %eq3A = vector.broadcast %scan3A_54 : i32 to vector<8x512xi32>
      %eq3A_58 = arith.cmpi eq, %get3A_25, %eq3A : vector<8x512xi32>
      %convert_element_type3A = arith.extui %eq3A_58 : vector<8x512xi1> to vector<8x512xi32>
      %sub3A = vector.broadcast %scan3A_55 : vector<8x1xi32> to vector<8x512xi32>
      %sub3A_59 = arith.subi %sub3A, %scan3A_57 : vector<8x512xi32>
      %mul3A_60 = arith.muli %convert_element_type3A, %sub3A_59 : vector<8x512xi32>
      %add3A_61 = arith.addi %scan3A_57, %mul3A_60 : vector<8x512xi32>
      %eq3A_62 = vector.broadcast %scan3A_55 : vector<8x1xi32> to vector<8x8192xi32>
      %eq3A_63 = arith.cmpi eq, %get3A_22, %eq3A_62 : vector<8x8192xi32>
      %convert_element_type3A_64 = arith.extui %eq3A_63 : vector<8x8192xi1> to vector<8x8192xi32>
      %convert_element_type3A_65 = arith.sitofp %convert_element_type3A_64 : vector<8x8192xi32> to vector<8x8192xf32>
      %mul3A_66 = arith.mulf %get3A_3, %convert_element_type3A_65 : vector<8x8192xf32>
      %reduce_sum3A = arith.constant dense<0.000000e+00> : vector<8xf32>
      %reduce_sum3A_67 = vector.multi_reduction <add>, %mul3A_66, %reduce_sum3A [1] : vector<8x8192xf32> to vector<8xf32>
      %broadcast_in_dim3A = vector.shape_cast %reduce_sum3A_67 : vector<8xf32> to vector<8x1xf32>
      %mul3A_68 = arith.mulf %get3A_8, %convert_element_type3A_65 : vector<8x8192xf32>
      %reduce_sum3A_69 = arith.constant dense<0.000000e+00> : vector<8xf32>
      %reduce_sum3A_70 = vector.multi_reduction <add>, %mul3A_68, %reduce_sum3A_69 [1] : vector<8x8192xf32> to vector<8xf32>
      %broadcast_in_dim3A_71 = vector.shape_cast %reduce_sum3A_70 : vector<8xf32> to vector<8x1xf32>
      %mul3A_72 = arith.mulf %get3A_13, %convert_element_type3A_65 : vector<8x8192xf32>
      %reduce_sum3A_73 = arith.constant dense<0.000000e+00> : vector<8xf32>
      %reduce_sum3A_74 = vector.multi_reduction <add>, %mul3A_72, %reduce_sum3A_73 [1] : vector<8x8192xf32> to vector<8xf32>
      %broadcast_in_dim3A_75 = vector.shape_cast %reduce_sum3A_74 : vector<8xf32> to vector<8x1xf32>
      %sub3A_76 = vector.broadcast %broadcast_in_dim3A : vector<8x1xf32> to vector<8x8192xf32>
      %sub3A_77 = arith.subf %get3A_3, %sub3A_76 : vector<8x8192xf32>
      %integer_pow3A = arith.mulf %sub3A_77, %sub3A_77 : vector<8x8192xf32>
      %sub3A_78 = vector.broadcast %broadcast_in_dim3A_71 : vector<8x1xf32> to vector<8x8192xf32>
      %sub3A_79 = arith.subf %get3A_8, %sub3A_78 : vector<8x8192xf32>
      %integer_pow3A_80 = arith.mulf %sub3A_79, %sub3A_79 : vector<8x8192xf32>
      %add3A_81 = arith.addf %integer_pow3A, %integer_pow3A_80 : vector<8x8192xf32>
      %sub3A_82 = vector.broadcast %broadcast_in_dim3A_75 : vector<8x1xf32> to vector<8x8192xf32>
      %sub3A_83 = arith.subf %get3A_13, %sub3A_82 : vector<8x8192xf32>
      %integer_pow3A_84 = arith.mulf %sub3A_83, %sub3A_83 : vector<8x8192xf32>
      %add3A_85 = arith.addf %add3A_81, %integer_pow3A_84 : vector<8x8192xf32>
      %min3A = arith.minimumf %scan3A_56, %add3A_85 : vector<8x8192xf32>
      %reduce_max3A = arith.constant dense<0xFF800000> : vector<8xf32>
      %reduce_max3A_86 = vector.multi_reduction <maximumf>, %min3A, %reduce_max3A [1] : vector<8x8192xf32> to vector<8xf32>
      %broadcast_in_dim3A_87 = vector.shape_cast %reduce_max3A_86 : vector<8xf32> to vector<8x1xf32>
      %ne3A = vector.broadcast %broadcast_in_dim3A_87 : vector<8x1xf32> to vector<8x8192xf32>
      %ne3A_88 = arith.cmpf one, %min3A, %ne3A : vector<8x8192xf32>
      %convert_element_type3A_89 = arith.extui %ne3A_88 : vector<8x8192xi1> to vector<8x8192xi32>
      %mul3A_90 = arith.constant 8192 : i32
      %mul3A_91 = vector.broadcast %mul3A_90 : i32 to vector<8x8192xi32>
      %mul3A_92 = arith.muli %convert_element_type3A_89, %mul3A_91 : vector<8x8192xi32>
      %add3A_93 = arith.addi %get3A_22, %mul3A_92 : vector<8x8192xi32>
      %reduce_min3A = arith.constant dense<2147483647> : vector<8xi32>
      %reduce_min3A_94 = vector.multi_reduction <minsi>, %add3A_93, %reduce_min3A [1] : vector<8x8192xi32> to vector<8xi32>
      %broadcast_in_dim3A_95 = vector.shape_cast %reduce_min3A_94 : vector<8xi32> to vector<8x1xi32>
      scf.yield %broadcast_in_dim3A_95, %min3A, %add3A_61 : vector<8x1xi32>, vector<8x8192xf32>, vector<8x512xi32>
    }
    %scan3A_40 = arith.constant 512 : i32
    %iota3A_41 = tpu.iota {dimensions = array<i32: 0>} : vector<8x512xi32>
    %swap3A_42 = arith.constant 0 : index
    %swap3A_43 = arith.constant 0 : index
    %swap3A_44 = vector.load %arg3[%swap3A_42, %swap3A_43] : memref<8x512xi32, #tpu.memory_space<vmem>>, vector<8x512xi32>
    tpu.vector_store %arg3[%swap3A_42, %swap3A_43], %iota3A_41 {strides = array<i32>} : memref<8x512xi32, #tpu.memory_space<vmem>>, vector<8x512xi32>,
    %get3A_45 = arith.constant 0 : index
    %get3A_46 = arith.constant 0 : index
    %get3A_47 = vector.load %arg3[%get3A_45, %get3A_46] : memref<8x512xi32, #tpu.memory_space<vmem>>, vector<8x512xi32>
    %mul3A_48 = arith.constant 8192 : i32
    %mul3A_49 = vector.broadcast %mul3A_48 : i32 to vector<8x512xi32>
    %mul3A_50 = arith.muli %get3A_47, %mul3A_49 : vector<8x512xi32>
    %add3A = arith.addi %scan3A_39#2, %mul3A_50 : vector<8x512xi32>
    %swap3A_51 = arith.constant 0 : index
    %swap3A_52 = arith.constant 0 : index
    %swap3A_53 = vector.load %arg1[%swap3A_51, %swap3A_52] : memref<8x512xi32, #tpu.memory_space<vmem>>, vector<8x512xi32>
    tpu.vector_store %arg1[%swap3A_51, %swap3A_52], %add3A {strides = array<i32>} : memref<8x512xi32, #tpu.memory_space<vmem>>, vector<8x512xi32>,
    return
  }
}

module attributes {stable_mosaic.version = 14 : i64} {
  func.func @_bq_body(%arg0: i32, %arg1: i32, %arg2: memref<1x3x8192xf32, #tpu.memory_space<vmem>>, %arg3: memref<1x128x128xf32, #tpu.memory_space<vmem>>, %arg4: memref<1x128x32xi32, #tpu.memory_space<vmem>>, %arg5: memref<128x8192xi32, #tpu.memory_space<vmem>>) attributes {dimension_semantics = [#tpu.dimension_semantics<parallel>, #tpu.dimension_semantics<parallel>], iteration_bounds = array<i64: 8, 4>, scalar_prefetch = 0 : i64, scratch_operands = 1 : i64, tpu.core_type = #tpu.core_type<tc>, window_params = [{transform_indices = @transform_0, window_bounds = array<i64: 1, 3, 8192>}, {transform_indices = @transform_1, window_bounds = array<i64: 1, 128, 128>}, {transform_indices = @transform_2, window_bounds = array<i64: 1, 128, 32>}]} {
    %get3A = arith.constant 0 : index
    %get3A_0 = arith.constant 0 : index
    %get3A_1 = arith.constant 0 : index
    %get3A_2 = vector.load %arg2[%get3A, %get3A_0, %get3A_1] : memref<1x3x8192xf32, #tpu.memory_space<vmem>>, vector<1x1x8192xf32>
    %get3A_3 = vector.shape_cast %get3A_2 : vector<1x1x8192xf32> to vector<8192xf32>
    %broadcast_in_dim3A = vector.shape_cast %get3A_3 : vector<8192xf32> to vector<1x8192xf32>
    %get3A_4 = arith.constant 0 : index
    %get3A_5 = arith.constant 1 : index
    %get3A_6 = arith.constant 0 : index
    %get3A_7 = vector.load %arg2[%get3A_4, %get3A_5, %get3A_6] : memref<1x3x8192xf32, #tpu.memory_space<vmem>>, vector<1x1x8192xf32>
    %get3A_8 = vector.shape_cast %get3A_7 : vector<1x1x8192xf32> to vector<8192xf32>
    %broadcast_in_dim3A_9 = vector.shape_cast %get3A_8 : vector<8192xf32> to vector<1x8192xf32>
    %get3A_10 = arith.constant 0 : index
    %get3A_11 = arith.constant 2 : index
    %get3A_12 = arith.constant 0 : index
    %get3A_13 = vector.load %arg2[%get3A_10, %get3A_11, %get3A_12] : memref<1x3x8192xf32, #tpu.memory_space<vmem>>, vector<1x1x8192xf32>
    %get3A_14 = vector.shape_cast %get3A_13 : vector<1x1x8192xf32> to vector<8192xf32>
    %broadcast_in_dim3A_15 = vector.shape_cast %get3A_14 : vector<8192xf32> to vector<1x8192xf32>
    %get3A_16 = arith.constant 0 : index
    %get3A_17 = arith.constant 0 : index
    %get3A_18 = arith.constant 0 : index
    %get3A_19 = vector.load %arg3[%get3A_16, %get3A_17, %get3A_18] : memref<1x128x128xf32, #tpu.memory_space<vmem>>, vector<1x128x1xf32>
    %get3A_20 = vector.shape_cast %get3A_19 : vector<1x128x1xf32> to vector<128x1xf32>
    %get3A_21 = arith.constant 0 : index
    %get3A_22 = arith.constant 0 : index
    %get3A_23 = arith.constant 1 : index
    %get3A_24 = vector.load %arg3[%get3A_21, %get3A_22, %get3A_23] : memref<1x128x128xf32, #tpu.memory_space<vmem>>, vector<1x128x1xf32>
    %get3A_25 = vector.shape_cast %get3A_24 : vector<1x128x1xf32> to vector<128x1xf32>
    %get3A_26 = arith.constant 0 : index
    %get3A_27 = arith.constant 0 : index
    %get3A_28 = arith.constant 2 : index
    %get3A_29 = vector.load %arg3[%get3A_26, %get3A_27, %get3A_28] : memref<1x128x128xf32, #tpu.memory_space<vmem>>, vector<1x128x1xf32>
    %get3A_30 = vector.shape_cast %get3A_29 : vector<1x128x1xf32> to vector<128x1xf32>
    %sub3A = vector.broadcast %get3A_20 : vector<128x1xf32> to vector<128x8192xf32>
    %sub3A_31 = vector.broadcast %broadcast_in_dim3A : vector<1x8192xf32> to vector<128x8192xf32>
    %sub3A_32 = arith.subf %sub3A, %sub3A_31 : vector<128x8192xf32>
    %integer_pow3A = arith.mulf %sub3A_32, %sub3A_32 : vector<128x8192xf32>
    %sub3A_33 = vector.broadcast %get3A_25 : vector<128x1xf32> to vector<128x8192xf32>
    %sub3A_34 = vector.broadcast %broadcast_in_dim3A_9 : vector<1x8192xf32> to vector<128x8192xf32>
    %sub3A_35 = arith.subf %sub3A_33, %sub3A_34 : vector<128x8192xf32>
    %integer_pow3A_36 = arith.mulf %sub3A_35, %sub3A_35 : vector<128x8192xf32>
    %add3A = arith.addf %integer_pow3A, %integer_pow3A_36 : vector<128x8192xf32>
    %sub3A_37 = vector.broadcast %get3A_30 : vector<128x1xf32> to vector<128x8192xf32>
    %sub3A_38 = vector.broadcast %broadcast_in_dim3A_15 : vector<1x8192xf32> to vector<128x8192xf32>
    %sub3A_39 = arith.subf %sub3A_37, %sub3A_38 : vector<128x8192xf32>
    %integer_pow3A_40 = arith.mulf %sub3A_39, %sub3A_39 : vector<128x8192xf32>
    %add3A_41 = arith.addf %add3A, %integer_pow3A_40 : vector<128x8192xf32>
    %iota3A = tpu.iota {dimensions = array<i32: 1>} : vector<128x8192xi32>
    %swap3A = arith.constant 0 : index
    %swap3A_42 = arith.constant 0 : index
    %swap3A_43 = vector.load %arg5[%swap3A, %swap3A_42] : memref<128x8192xi32, #tpu.memory_space<vmem>>, vector<128x8192xi32>
    tpu.vector_store %arg5[%swap3A, %swap3A_42], %iota3A {strides = array<i32>} : memref<128x8192xi32, #tpu.memory_space<vmem>>, vector<128x8192xi32>,
    %get3A_44 = arith.constant 0 : index
    %get3A_45 = arith.constant 0 : index
    %get3A_46 = vector.load %arg5[%get3A_44, %get3A_45] : memref<128x8192xi32, #tpu.memory_space<vmem>>, vector<128x8192xi32>
    %convert_element_type3A = arith.sitofp %get3A_46 : vector<128x8192xi32> to vector<128x8192xf32>
    %gt3A = arith.constant 4.000000e-02 : f32
    %gt3A_47 = vector.broadcast %gt3A : f32 to vector<128x8192xf32>
    %gt3A_48 = arith.cmpf ogt, %add3A_41, %gt3A_47 : vector<128x8192xf32>
    %convert_element_type3A_49 = arith.extui %gt3A_48 : vector<128x8192xi1> to vector<128x8192xi32>
    %convert_element_type3A_50 = arith.sitofp %convert_element_type3A_49 : vector<128x8192xi32> to vector<128x8192xf32>
    %mul3A = arith.constant 8.192000e+03 : f32
    %mul3A_51 = vector.broadcast %mul3A : f32 to vector<128x8192xf32>
    %mul3A_52 = arith.mulf %convert_element_type3A_50, %mul3A_51 : vector<128x8192xf32>
    %add3A_53 = arith.addf %convert_element_type3A, %mul3A_52 : vector<128x8192xf32>
    %reduce_min3A = arith.constant dense<0x7F800000> : vector<128xf32>
    %reduce_min3A_54 = vector.multi_reduction <minimumf>, %add3A_53, %reduce_min3A [1] : vector<128x8192xf32> to vector<128xf32>
    %broadcast_in_dim3A_55 = vector.shape_cast %reduce_min3A_54 : vector<128xf32> to vector<128x1xf32>
    %gt3A_56 = vector.broadcast %broadcast_in_dim3A_55 : vector<128x1xf32> to vector<128x8192xf32>
    %gt3A_57 = arith.cmpf ogt, %add3A_53, %gt3A_56 : vector<128x8192xf32>
    %jit3A = arith.constant 2.457600e+04 : f32
    %broadcast_in_dim3A_58 = vector.broadcast %jit3A : f32 to vector<128x8192xf32>
    %select_n3A = arith.select %gt3A_57, %add3A_53, %broadcast_in_dim3A_58 : vector<128x8192xi1>, vector<128x8192xf32>
    %reduce_min3A_59 = arith.constant dense<0x7F800000> : vector<128xf32>
    %reduce_min3A_60 = vector.multi_reduction <minimumf>, %select_n3A, %reduce_min3A_59 [1] : vector<128x8192xf32> to vector<128xf32>
    %broadcast_in_dim3A_61 = vector.shape_cast %reduce_min3A_60 : vector<128xf32> to vector<128x1xf32>
    %gt3A_62 = vector.broadcast %broadcast_in_dim3A_61 : vector<128x1xf32> to vector<128x8192xf32>
    %gt3A_63 = arith.cmpf ogt, %add3A_53, %gt3A_62 : vector<128x8192xf32>
    %jit3A_64 = arith.constant 2.457600e+04 : f32
    %broadcast_in_dim3A_65 = vector.broadcast %jit3A_64 : f32 to vector<128x8192xf32>
    %select_n3A_66 = arith.select %gt3A_63, %add3A_53, %broadcast_in_dim3A_65 : vector<128x8192xi1>, vector<128x8192xf32>
    %reduce_min3A_67 = arith.constant dense<0x7F800000> : vector<128xf32>
    %reduce_min3A_68 = vector.multi_reduction <minimumf>, %select_n3A_66, %reduce_min3A_67 [1] : vector<128x8192xf32> to vector<128xf32>
    %broadcast_in_dim3A_69 = vector.shape_cast %reduce_min3A_68 : vector<128xf32> to vector<128x1xf32>
    %gt3A_70 = vector.broadcast %broadcast_in_dim3A_69 : vector<128x1xf32> to vector<128x8192xf32>
    %gt3A_71 = arith.cmpf ogt, %add3A_53, %gt3A_70 : vector<128x8192xf32>
    %jit3A_72 = arith.constant 2.457600e+04 : f32
    %broadcast_in_dim3A_73 = vector.broadcast %jit3A_72 : f32 to vector<128x8192xf32>
    %select_n3A_74 = arith.select %gt3A_71, %add3A_53, %broadcast_in_dim3A_73 : vector<128x8192xi1>, vector<128x8192xf32>
    %reduce_min3A_75 = arith.constant dense<0x7F800000> : vector<128xf32>
    %reduce_min3A_76 = vector.multi_reduction <minimumf>, %select_n3A_74, %reduce_min3A_75 [1] : vector<128x8192xf32> to vector<128xf32>
    %broadcast_in_dim3A_77 = vector.shape_cast %reduce_min3A_76 : vector<128xf32> to vector<128x1xf32>
    %gt3A_78 = vector.broadcast %broadcast_in_dim3A_77 : vector<128x1xf32> to vector<128x8192xf32>
    %gt3A_79 = arith.cmpf ogt, %add3A_53, %gt3A_78 : vector<128x8192xf32>
    %jit3A_80 = arith.constant 2.457600e+04 : f32
    %broadcast_in_dim3A_81 = vector.broadcast %jit3A_80 : f32 to vector<128x8192xf32>
    %select_n3A_82 = arith.select %gt3A_79, %add3A_53, %broadcast_in_dim3A_81 : vector<128x8192xi1>, vector<128x8192xf32>
    %reduce_min3A_83 = arith.constant dense<0x7F800000> : vector<128xf32>
    %reduce_min3A_84 = vector.multi_reduction <minimumf>, %select_n3A_82, %reduce_min3A_83 [1] : vector<128x8192xf32> to vector<128xf32>
    %broadcast_in_dim3A_85 = vector.shape_cast %reduce_min3A_84 : vector<128xf32> to vector<128x1xf32>
    %gt3A_86 = vector.broadcast %broadcast_in_dim3A_85 : vector<128x1xf32> to vector<128x8192xf32>
    %gt3A_87 = arith.cmpf ogt, %add3A_53, %gt3A_86 : vector<128x8192xf32>
    %jit3A_88 = arith.constant 2.457600e+04 : f32
    %broadcast_in_dim3A_89 = vector.broadcast %jit3A_88 : f32 to vector<128x8192xf32>
    %select_n3A_90 = arith.select %gt3A_87, %add3A_53, %broadcast_in_dim3A_89 : vector<128x8192xi1>, vector<128x8192xf32>
    %reduce_min3A_91 = arith.constant dense<0x7F800000> : vector<128xf32>
    %reduce_min3A_92 = vector.multi_reduction <minimumf>, %select_n3A_90, %reduce_min3A_91 [1] : vector<128x8192xf32> to vector<128xf32>
    %broadcast_in_dim3A_93 = vector.shape_cast %reduce_min3A_92 : vector<128xf32> to vector<128x1xf32>
    %gt3A_94 = vector.broadcast %broadcast_in_dim3A_93 : vector<128x1xf32> to vector<128x8192xf32>
    %gt3A_95 = arith.cmpf ogt, %add3A_53, %gt3A_94 : vector<128x8192xf32>
    %jit3A_96 = arith.constant 2.457600e+04 : f32
    %broadcast_in_dim3A_97 = vector.broadcast %jit3A_96 : f32 to vector<128x8192xf32>
    %select_n3A_98 = arith.select %gt3A_95, %add3A_53, %broadcast_in_dim3A_97 : vector<128x8192xi1>, vector<128x8192xf32>
    %reduce_min3A_99 = arith.constant dense<0x7F800000> : vector<128xf32>
    %reduce_min3A_100 = vector.multi_reduction <minimumf>, %select_n3A_98, %reduce_min3A_99 [1] : vector<128x8192xf32> to vector<128xf32>
    %broadcast_in_dim3A_101 = vector.shape_cast %reduce_min3A_100 : vector<128xf32> to vector<128x1xf32>
    %gt3A_102 = vector.broadcast %broadcast_in_dim3A_101 : vector<128x1xf32> to vector<128x8192xf32>
    %gt3A_103 = arith.cmpf ogt, %add3A_53, %gt3A_102 : vector<128x8192xf32>
    %jit3A_104 = arith.constant 2.457600e+04 : f32
    %broadcast_in_dim3A_105 = vector.broadcast %jit3A_104 : f32 to vector<128x8192xf32>
    %select_n3A_106 = arith.select %gt3A_103, %add3A_53, %broadcast_in_dim3A_105 : vector<128x8192xi1>, vector<128x8192xf32>
    %reduce_min3A_107 = arith.constant dense<0x7F800000> : vector<128xf32>
    %reduce_min3A_108 = vector.multi_reduction <minimumf>, %select_n3A_106, %reduce_min3A_107 [1] : vector<128x8192xf32> to vector<128xf32>
    %broadcast_in_dim3A_109 = vector.shape_cast %reduce_min3A_108 : vector<128xf32> to vector<128x1xf32>
    %gt3A_110 = vector.broadcast %broadcast_in_dim3A_109 : vector<128x1xf32> to vector<128x8192xf32>
    %gt3A_111 = arith.cmpf ogt, %add3A_53, %gt3A_110 : vector<128x8192xf32>
    %jit3A_112 = arith.constant 2.457600e+04 : f32
    %broadcast_in_dim3A_113 = vector.broadcast %jit3A_112 : f32 to vector<128x8192xf32>
    %select_n3A_114 = arith.select %gt3A_111, %add3A_53, %broadcast_in_dim3A_113 : vector<128x8192xi1>, vector<128x8192xf32>
    %reduce_min3A_115 = arith.constant dense<0x7F800000> : vector<128xf32>
    %reduce_min3A_116 = vector.multi_reduction <minimumf>, %select_n3A_114, %reduce_min3A_115 [1] : vector<128x8192xf32> to vector<128xf32>
    %broadcast_in_dim3A_117 = vector.shape_cast %reduce_min3A_116 : vector<128xf32> to vector<128x1xf32>
    %gt3A_118 = vector.broadcast %broadcast_in_dim3A_117 : vector<128x1xf32> to vector<128x8192xf32>
    %gt3A_119 = arith.cmpf ogt, %add3A_53, %gt3A_118 : vector<128x8192xf32>
    %jit3A_120 = arith.constant 2.457600e+04 : f32
    %broadcast_in_dim3A_121 = vector.broadcast %jit3A_120 : f32 to vector<128x8192xf32>
    %select_n3A_122 = arith.select %gt3A_119, %add3A_53, %broadcast_in_dim3A_121 : vector<128x8192xi1>, vector<128x8192xf32>
    %reduce_min3A_123 = arith.constant dense<0x7F800000> : vector<128xf32>
    %reduce_min3A_124 = vector.multi_reduction <minimumf>, %select_n3A_122, %reduce_min3A_123 [1] : vector<128x8192xf32> to vector<128xf32>
    %broadcast_in_dim3A_125 = vector.shape_cast %reduce_min3A_124 : vector<128xf32> to vector<128x1xf32>
    %gt3A_126 = vector.broadcast %broadcast_in_dim3A_125 : vector<128x1xf32> to vector<128x8192xf32>
    %gt3A_127 = arith.cmpf ogt, %add3A_53, %gt3A_126 : vector<128x8192xf32>
    %jit3A_128 = arith.constant 2.457600e+04 : f32
    %broadcast_in_dim3A_129 = vector.broadcast %jit3A_128 : f32 to vector<128x8192xf32>
    %select_n3A_130 = arith.select %gt3A_127, %add3A_53, %broadcast_in_dim3A_129 : vector<128x8192xi1>, vector<128x8192xf32>
    %reduce_min3A_131 = arith.constant dense<0x7F800000> : vector<128xf32>
    %reduce_min3A_132 = vector.multi_reduction <minimumf>, %select_n3A_130, %reduce_min3A_131 [1] : vector<128x8192xf32> to vector<128xf32>
    %broadcast_in_dim3A_133 = vector.shape_cast %reduce_min3A_132 : vector<128xf32> to vector<128x1xf32>
    %gt3A_134 = vector.broadcast %broadcast_in_dim3A_133 : vector<128x1xf32> to vector<128x8192xf32>
    %gt3A_135 = arith.cmpf ogt, %add3A_53, %gt3A_134 : vector<128x8192xf32>
    %jit3A_136 = arith.constant 2.457600e+04 : f32
    %broadcast_in_dim3A_137 = vector.broadcast %jit3A_136 : f32 to vector<128x8192xf32>
    %select_n3A_138 = arith.select %gt3A_135, %add3A_53, %broadcast_in_dim3A_137 : vector<128x8192xi1>, vector<128x8192xf32>
    %reduce_min3A_139 = arith.constant dense<0x7F800000> : vector<128xf32>
    %reduce_min3A_140 = vector.multi_reduction <minimumf>, %select_n3A_138, %reduce_min3A_139 [1] : vector<128x8192xf32> to vector<128xf32>
    %broadcast_in_dim3A_141 = vector.shape_cast %reduce_min3A_140 : vector<128xf32> to vector<128x1xf32>
    %gt3A_142 = vector.broadcast %broadcast_in_dim3A_141 : vector<128x1xf32> to vector<128x8192xf32>
    %gt3A_143 = arith.cmpf ogt, %add3A_53, %gt3A_142 : vector<128x8192xf32>
    %jit3A_144 = arith.constant 2.457600e+04 : f32
    %broadcast_in_dim3A_145 = vector.broadcast %jit3A_144 : f32 to vector<128x8192xf32>
    %select_n3A_146 = arith.select %gt3A_143, %add3A_53, %broadcast_in_dim3A_145 : vector<128x8192xi1>, vector<128x8192xf32>
    %reduce_min3A_147 = arith.constant dense<0x7F800000> : vector<128xf32>
    %reduce_min3A_148 = vector.multi_reduction <minimumf>, %select_n3A_146, %reduce_min3A_147 [1] : vector<128x8192xf32> to vector<128xf32>
    %broadcast_in_dim3A_149 = vector.shape_cast %reduce_min3A_148 : vector<128xf32> to vector<128x1xf32>
    %gt3A_150 = vector.broadcast %broadcast_in_dim3A_149 : vector<128x1xf32> to vector<128x8192xf32>
    %gt3A_151 = arith.cmpf ogt, %add3A_53, %gt3A_150 : vector<128x8192xf32>
    %jit3A_152 = arith.constant 2.457600e+04 : f32
    %broadcast_in_dim3A_153 = vector.broadcast %jit3A_152 : f32 to vector<128x8192xf32>
    %select_n3A_154 = arith.select %gt3A_151, %add3A_53, %broadcast_in_dim3A_153 : vector<128x8192xi1>, vector<128x8192xf32>
    %reduce_min3A_155 = arith.constant dense<0x7F800000> : vector<128xf32>
    %reduce_min3A_156 = vector.multi_reduction <minimumf>, %select_n3A_154, %reduce_min3A_155 [1] : vector<128x8192xf32> to vector<128xf32>
    %broadcast_in_dim3A_157 = vector.shape_cast %reduce_min3A_156 : vector<128xf32> to vector<128x1xf32>
    %gt3A_158 = vector.broadcast %broadcast_in_dim3A_157 : vector<128x1xf32> to vector<128x8192xf32>
    %gt3A_159 = arith.cmpf ogt, %add3A_53, %gt3A_158 : vector<128x8192xf32>
    %jit3A_160 = arith.constant 2.457600e+04 : f32
    %broadcast_in_dim3A_161 = vector.broadcast %jit3A_160 : f32 to vector<128x8192xf32>
    %select_n3A_162 = arith.select %gt3A_159, %add3A_53, %broadcast_in_dim3A_161 : vector<128x8192xi1>, vector<128x8192xf32>
    %reduce_min3A_163 = arith.constant dense<0x7F800000> : vector<128xf32>
    %reduce_min3A_164 = vector.multi_reduction <minimumf>, %select_n3A_162, %reduce_min3A_163 [1] : vector<128x8192xf32> to vector<128xf32>
    %broadcast_in_dim3A_165 = vector.shape_cast %reduce_min3A_164 : vector<128xf32> to vector<128x1xf32>
    %gt3A_166 = vector.broadcast %broadcast_in_dim3A_165 : vector<128x1xf32> to vector<128x8192xf32>
    %gt3A_167 = arith.cmpf ogt, %add3A_53, %gt3A_166 : vector<128x8192xf32>
    %jit3A_168 = arith.constant 2.457600e+04 : f32
    %broadcast_in_dim3A_169 = vector.broadcast %jit3A_168 : f32 to vector<128x8192xf32>
    %select_n3A_170 = arith.select %gt3A_167, %add3A_53, %broadcast_in_dim3A_169 : vector<128x8192xi1>, vector<128x8192xf32>
    %reduce_min3A_171 = arith.constant dense<0x7F800000> : vector<128xf32>
    %reduce_min3A_172 = vector.multi_reduction <minimumf>, %select_n3A_170, %reduce_min3A_171 [1] : vector<128x8192xf32> to vector<128xf32>
    %broadcast_in_dim3A_173 = vector.shape_cast %reduce_min3A_172 : vector<128xf32> to vector<128x1xf32>
    %gt3A_174 = vector.broadcast %broadcast_in_dim3A_173 : vector<128x1xf32> to vector<128x8192xf32>
    %gt3A_175 = arith.cmpf ogt, %add3A_53, %gt3A_174 : vector<128x8192xf32>
    %jit3A_176 = arith.constant 2.457600e+04 : f32
    %broadcast_in_dim3A_177 = vector.broadcast %jit3A_176 : f32 to vector<128x8192xf32>
    %select_n3A_178 = arith.select %gt3A_175, %add3A_53, %broadcast_in_dim3A_177 : vector<128x8192xi1>, vector<128x8192xf32>
    %reduce_min3A_179 = arith.constant dense<0x7F800000> : vector<128xf32>
    %reduce_min3A_180 = vector.multi_reduction <minimumf>, %select_n3A_178, %reduce_min3A_179 [1] : vector<128x8192xf32> to vector<128xf32>
    %broadcast_in_dim3A_181 = vector.shape_cast %reduce_min3A_180 : vector<128xf32> to vector<128x1xf32>
    %gt3A_182 = vector.broadcast %broadcast_in_dim3A_181 : vector<128x1xf32> to vector<128x8192xf32>
    %gt3A_183 = arith.cmpf ogt, %add3A_53, %gt3A_182 : vector<128x8192xf32>
    %jit3A_184 = arith.constant 2.457600e+04 : f32
    %broadcast_in_dim3A_185 = vector.broadcast %jit3A_184 : f32 to vector<128x8192xf32>
    %select_n3A_186 = arith.select %gt3A_183, %add3A_53, %broadcast_in_dim3A_185 : vector<128x8192xi1>, vector<128x8192xf32>
    %reduce_min3A_187 = arith.constant dense<0x7F800000> : vector<128xf32>
    %reduce_min3A_188 = vector.multi_reduction <minimumf>, %select_n3A_186, %reduce_min3A_187 [1] : vector<128x8192xf32> to vector<128xf32>
    %broadcast_in_dim3A_189 = vector.shape_cast %reduce_min3A_188 : vector<128xf32> to vector<128x1xf32>
    %gt3A_190 = vector.broadcast %broadcast_in_dim3A_189 : vector<128x1xf32> to vector<128x8192xf32>
    %gt3A_191 = arith.cmpf ogt, %add3A_53, %gt3A_190 : vector<128x8192xf32>
    %jit3A_192 = arith.constant 2.457600e+04 : f32
    %broadcast_in_dim3A_193 = vector.broadcast %jit3A_192 : f32 to vector<128x8192xf32>
    %select_n3A_194 = arith.select %gt3A_191, %add3A_53, %broadcast_in_dim3A_193 : vector<128x8192xi1>, vector<128x8192xf32>
    %reduce_min3A_195 = arith.constant dense<0x7F800000> : vector<128xf32>
    %reduce_min3A_196 = vector.multi_reduction <minimumf>, %select_n3A_194, %reduce_min3A_195 [1] : vector<128x8192xf32> to vector<128xf32>
    %broadcast_in_dim3A_197 = vector.shape_cast %reduce_min3A_196 : vector<128xf32> to vector<128x1xf32>
    %gt3A_198 = vector.broadcast %broadcast_in_dim3A_197 : vector<128x1xf32> to vector<128x8192xf32>
    %gt3A_199 = arith.cmpf ogt, %add3A_53, %gt3A_198 : vector<128x8192xf32>
    %jit3A_200 = arith.constant 2.457600e+04 : f32
    %broadcast_in_dim3A_201 = vector.broadcast %jit3A_200 : f32 to vector<128x8192xf32>
    %select_n3A_202 = arith.select %gt3A_199, %add3A_53, %broadcast_in_dim3A_201 : vector<128x8192xi1>, vector<128x8192xf32>
    %reduce_min3A_203 = arith.constant dense<0x7F800000> : vector<128xf32>
    %reduce_min3A_204 = vector.multi_reduction <minimumf>, %select_n3A_202, %reduce_min3A_203 [1] : vector<128x8192xf32> to vector<128xf32>
    %broadcast_in_dim3A_205 = vector.shape_cast %reduce_min3A_204 : vector<128xf32> to vector<128x1xf32>
    %gt3A_206 = vector.broadcast %broadcast_in_dim3A_205 : vector<128x1xf32> to vector<128x8192xf32>
    %gt3A_207 = arith.cmpf ogt, %add3A_53, %gt3A_206 : vector<128x8192xf32>
    %jit3A_208 = arith.constant 2.457600e+04 : f32
    %broadcast_in_dim3A_209 = vector.broadcast %jit3A_208 : f32 to vector<128x8192xf32>
    %select_n3A_210 = arith.select %gt3A_207, %add3A_53, %broadcast_in_dim3A_209 : vector<128x8192xi1>, vector<128x8192xf32>
    %reduce_min3A_211 = arith.constant dense<0x7F800000> : vector<128xf32>
    %reduce_min3A_212 = vector.multi_reduction <minimumf>, %select_n3A_210, %reduce_min3A_211 [1] : vector<128x8192xf32> to vector<128xf32>
    %broadcast_in_dim3A_213 = vector.shape_cast %reduce_min3A_212 : vector<128xf32> to vector<128x1xf32>
    %gt3A_214 = vector.broadcast %broadcast_in_dim3A_213 : vector<128x1xf32> to vector<128x8192xf32>
    %gt3A_215 = arith.cmpf ogt, %add3A_53, %gt3A_214 : vector<128x8192xf32>
    %jit3A_216 = arith.constant 2.457600e+04 : f32
    %broadcast_in_dim3A_217 = vector.broadcast %jit3A_216 : f32 to vector<128x8192xf32>
    %select_n3A_218 = arith.select %gt3A_215, %add3A_53, %broadcast_in_dim3A_217 : vector<128x8192xi1>, vector<128x8192xf32>
    %reduce_min3A_219 = arith.constant dense<0x7F800000> : vector<128xf32>
    %reduce_min3A_220 = vector.multi_reduction <minimumf>, %select_n3A_218, %reduce_min3A_219 [1] : vector<128x8192xf32> to vector<128xf32>
    %broadcast_in_dim3A_221 = vector.shape_cast %reduce_min3A_220 : vector<128xf32> to vector<128x1xf32>
    %gt3A_222 = vector.broadcast %broadcast_in_dim3A_221 : vector<128x1xf32> to vector<128x8192xf32>
    %gt3A_223 = arith.cmpf ogt, %add3A_53, %gt3A_222 : vector<128x8192xf32>
    %jit3A_224 = arith.constant 2.457600e+04 : f32
    %broadcast_in_dim3A_225 = vector.broadcast %jit3A_224 : f32 to vector<128x8192xf32>
    %select_n3A_226 = arith.select %gt3A_223, %add3A_53, %broadcast_in_dim3A_225 : vector<128x8192xi1>, vector<128x8192xf32>
    %reduce_min3A_227 = arith.constant dense<0x7F800000> : vector<128xf32>
    %reduce_min3A_228 = vector.multi_reduction <minimumf>, %select_n3A_226, %reduce_min3A_227 [1] : vector<128x8192xf32> to vector<128xf32>
    %broadcast_in_dim3A_229 = vector.shape_cast %reduce_min3A_228 : vector<128xf32> to vector<128x1xf32>
    %gt3A_230 = vector.broadcast %broadcast_in_dim3A_229 : vector<128x1xf32> to vector<128x8192xf32>
    %gt3A_231 = arith.cmpf ogt, %add3A_53, %gt3A_230 : vector<128x8192xf32>
    %jit3A_232 = arith.constant 2.457600e+04 : f32
    %broadcast_in_dim3A_233 = vector.broadcast %jit3A_232 : f32 to vector<128x8192xf32>
    %select_n3A_234 = arith.select %gt3A_231, %add3A_53, %broadcast_in_dim3A_233 : vector<128x8192xi1>, vector<128x8192xf32>
    %reduce_min3A_235 = arith.constant dense<0x7F800000> : vector<128xf32>
    %reduce_min3A_236 = vector.multi_reduction <minimumf>, %select_n3A_234, %reduce_min3A_235 [1] : vector<128x8192xf32> to vector<128xf32>
    %broadcast_in_dim3A_237 = vector.shape_cast %reduce_min3A_236 : vector<128xf32> to vector<128x1xf32>
    %gt3A_238 = vector.broadcast %broadcast_in_dim3A_237 : vector<128x1xf32> to vector<128x8192xf32>
    %gt3A_239 = arith.cmpf ogt, %add3A_53, %gt3A_238 : vector<128x8192xf32>
    %jit3A_240 = arith.constant 2.457600e+04 : f32
    %broadcast_in_dim3A_241 = vector.broadcast %jit3A_240 : f32 to vector<128x8192xf32>
    %select_n3A_242 = arith.select %gt3A_239, %add3A_53, %broadcast_in_dim3A_241 : vector<128x8192xi1>, vector<128x8192xf32>
    %reduce_min3A_243 = arith.constant dense<0x7F800000> : vector<128xf32>
    %reduce_min3A_244 = vector.multi_reduction <minimumf>, %select_n3A_242, %reduce_min3A_243 [1] : vector<128x8192xf32> to vector<128xf32>
    %broadcast_in_dim3A_245 = vector.shape_cast %reduce_min3A_244 : vector<128xf32> to vector<128x1xf32>
    %gt3A_246 = vector.broadcast %broadcast_in_dim3A_245 : vector<128x1xf32> to vector<128x8192xf32>
    %gt3A_247 = arith.cmpf ogt, %add3A_53, %gt3A_246 : vector<128x8192xf32>
    %jit3A_248 = arith.constant 2.457600e+04 : f32
    %broadcast_in_dim3A_249 = vector.broadcast %jit3A_248 : f32 to vector<128x8192xf32>
    %select_n3A_250 = arith.select %gt3A_247, %add3A_53, %broadcast_in_dim3A_249 : vector<128x8192xi1>, vector<128x8192xf32>
    %reduce_min3A_251 = arith.constant dense<0x7F800000> : vector<128xf32>
    %reduce_min3A_252 = vector.multi_reduction <minimumf>, %select_n3A_250, %reduce_min3A_251 [1] : vector<128x8192xf32> to vector<128xf32>
    %broadcast_in_dim3A_253 = vector.shape_cast %reduce_min3A_252 : vector<128xf32> to vector<128x1xf32>
    %gt3A_254 = vector.broadcast %broadcast_in_dim3A_253 : vector<128x1xf32> to vector<128x8192xf32>
    %gt3A_255 = arith.cmpf ogt, %add3A_53, %gt3A_254 : vector<128x8192xf32>
    %jit3A_256 = arith.constant 2.457600e+04 : f32
    %broadcast_in_dim3A_257 = vector.broadcast %jit3A_256 : f32 to vector<128x8192xf32>
    %select_n3A_258 = arith.select %gt3A_255, %add3A_53, %broadcast_in_dim3A_257 : vector<128x8192xi1>, vector<128x8192xf32>
    %reduce_min3A_259 = arith.constant dense<0x7F800000> : vector<128xf32>
    %reduce_min3A_260 = vector.multi_reduction <minimumf>, %select_n3A_258, %reduce_min3A_259 [1] : vector<128x8192xf32> to vector<128xf32>
    %broadcast_in_dim3A_261 = vector.shape_cast %reduce_min3A_260 : vector<128xf32> to vector<128x1xf32>
    %gt3A_262 = vector.broadcast %broadcast_in_dim3A_261 : vector<128x1xf32> to vector<128x8192xf32>
    %gt3A_263 = arith.cmpf ogt, %add3A_53, %gt3A_262 : vector<128x8192xf32>
    %jit3A_264 = arith.constant 2.457600e+04 : f32
    %broadcast_in_dim3A_265 = vector.broadcast %jit3A_264 : f32 to vector<128x8192xf32>
    %select_n3A_266 = arith.select %gt3A_263, %add3A_53, %broadcast_in_dim3A_265 : vector<128x8192xi1>, vector<128x8192xf32>
    %reduce_min3A_267 = arith.constant dense<0x7F800000> : vector<128xf32>
    %reduce_min3A_268 = vector.multi_reduction <minimumf>, %select_n3A_266, %reduce_min3A_267 [1] : vector<128x8192xf32> to vector<128xf32>
    %broadcast_in_dim3A_269 = vector.shape_cast %reduce_min3A_268 : vector<128xf32> to vector<128x1xf32>
    %gt3A_270 = vector.broadcast %broadcast_in_dim3A_269 : vector<128x1xf32> to vector<128x8192xf32>
    %gt3A_271 = arith.cmpf ogt, %add3A_53, %gt3A_270 : vector<128x8192xf32>
    %jit3A_272 = arith.constant 2.457600e+04 : f32
    %broadcast_in_dim3A_273 = vector.broadcast %jit3A_272 : f32 to vector<128x8192xf32>
    %select_n3A_274 = arith.select %gt3A_271, %add3A_53, %broadcast_in_dim3A_273 : vector<128x8192xi1>, vector<128x8192xf32>
    %reduce_min3A_275 = arith.constant dense<0x7F800000> : vector<128xf32>
    %reduce_min3A_276 = vector.multi_reduction <minimumf>, %select_n3A_274, %reduce_min3A_275 [1] : vector<128x8192xf32> to vector<128xf32>
    %broadcast_in_dim3A_277 = vector.shape_cast %reduce_min3A_276 : vector<128xf32> to vector<128x1xf32>
    %gt3A_278 = vector.broadcast %broadcast_in_dim3A_277 : vector<128x1xf32> to vector<128x8192xf32>
    %gt3A_279 = arith.cmpf ogt, %add3A_53, %gt3A_278 : vector<128x8192xf32>
    %jit3A_280 = arith.constant 2.457600e+04 : f32
    %broadcast_in_dim3A_281 = vector.broadcast %jit3A_280 : f32 to vector<128x8192xf32>
    %select_n3A_282 = arith.select %gt3A_279, %add3A_53, %broadcast_in_dim3A_281 : vector<128x8192xi1>, vector<128x8192xf32>
    %reduce_min3A_283 = arith.constant dense<0x7F800000> : vector<128xf32>
    %reduce_min3A_284 = vector.multi_reduction <minimumf>, %select_n3A_282, %reduce_min3A_283 [1] : vector<128x8192xf32> to vector<128xf32>
    %broadcast_in_dim3A_285 = vector.shape_cast %reduce_min3A_284 : vector<128xf32> to vector<128x1xf32>
    %gt3A_286 = vector.broadcast %broadcast_in_dim3A_285 : vector<128x1xf32> to vector<128x8192xf32>
    %gt3A_287 = arith.cmpf ogt, %add3A_53, %gt3A_286 : vector<128x8192xf32>
    %jit3A_288 = arith.constant 2.457600e+04 : f32
    %broadcast_in_dim3A_289 = vector.broadcast %jit3A_288 : f32 to vector<128x8192xf32>
    %select_n3A_290 = arith.select %gt3A_287, %add3A_53, %broadcast_in_dim3A_289 : vector<128x8192xi1>, vector<128x8192xf32>
    %reduce_min3A_291 = arith.constant dense<0x7F800000> : vector<128xf32>
    %reduce_min3A_292 = vector.multi_reduction <minimumf>, %select_n3A_290, %reduce_min3A_291 [1] : vector<128x8192xf32> to vector<128xf32>
    %broadcast_in_dim3A_293 = vector.shape_cast %reduce_min3A_292 : vector<128xf32> to vector<128x1xf32>
    %gt3A_294 = vector.broadcast %broadcast_in_dim3A_293 : vector<128x1xf32> to vector<128x8192xf32>
    %gt3A_295 = arith.cmpf ogt, %add3A_53, %gt3A_294 : vector<128x8192xf32>
    %jit3A_296 = arith.constant 2.457600e+04 : f32
    %broadcast_in_dim3A_297 = vector.broadcast %jit3A_296 : f32 to vector<128x8192xf32>
    %select_n3A_298 = arith.select %gt3A_295, %add3A_53, %broadcast_in_dim3A_297 : vector<128x8192xi1>, vector<128x8192xf32>
    %reduce_min3A_299 = arith.constant dense<0x7F800000> : vector<128xf32>
    %reduce_min3A_300 = vector.multi_reduction <minimumf>, %select_n3A_298, %reduce_min3A_299 [1] : vector<128x8192xf32> to vector<128xf32>
    %broadcast_in_dim3A_301 = vector.shape_cast %reduce_min3A_300 : vector<128xf32> to vector<128x1xf32>
    %concatenate3A = tpu.concatenate %broadcast_in_dim3A_55, %broadcast_in_dim3A_61, %broadcast_in_dim3A_69, %broadcast_in_dim3A_77, %broadcast_in_dim3A_85, %broadcast_in_dim3A_93, %broadcast_in_dim3A_101, %broadcast_in_dim3A_109, %broadcast_in_dim3A_117, %broadcast_in_dim3A_125, %broadcast_in_dim3A_133, %broadcast_in_dim3A_141, %broadcast_in_dim3A_149, %broadcast_in_dim3A_157, %broadcast_in_dim3A_165, %broadcast_in_dim3A_173, %broadcast_in_dim3A_181, %broadcast_in_dim3A_189, %broadcast_in_dim3A_197, %broadcast_in_dim3A_205, %broadcast_in_dim3A_213, %broadcast_in_dim3A_221, %broadcast_in_dim3A_229, %broadcast_in_dim3A_237, %broadcast_in_dim3A_245, %broadcast_in_dim3A_253, %broadcast_in_dim3A_261, %broadcast_in_dim3A_269, %broadcast_in_dim3A_277, %broadcast_in_dim3A_285, %broadcast_in_dim3A_293, %broadcast_in_dim3A_301 in 1 : vector<128x1xf32>, vector<128x1xf32>, vector<128x1xf32>, vector<128x1xf32>, vector<128x1xf32>, vector<128x1xf32>, vector<128x1xf32>, vector<128x1xf32>, vector<128x1xf32>, vector<128x1xf32>, vector<128x1xf32>, vector<128x1xf32>, vector<128x1xf32>, vector<128x1xf32>, vector<128x1xf32>, vector<128x1xf32>, vector<128x1xf32>, vector<128x1xf32>, vector<128x1xf32>, vector<128x1xf32>, vector<128x1xf32>, vector<128x1xf32>, vector<128x1xf32>, vector<128x1xf32>, vector<128x1xf32>, vector<128x1xf32>, vector<128x1xf32>, vector<128x1xf32>, vector<128x1xf32>, vector<128x1xf32>, vector<128x1xf32>, vector<128x1xf32> -> vector<128x32xf32>
    %ge3A = arith.constant 8.192000e+03 : f32
    %ge3A_302 = vector.broadcast %ge3A : f32 to vector<128x32xf32>
    %ge3A_303 = arith.cmpf oge, %concatenate3A, %ge3A_302 : vector<128x32xf32>
    %convert_element_type3A_304 = arith.extui %ge3A_303 : vector<128x32xi1> to vector<128x32xi32>
    %convert_element_type3A_305 = arith.sitofp %convert_element_type3A_304 : vector<128x32xi32> to vector<128x32xf32>
    %slice3A = vector.extract_strided_slice %concatenate3A {offsets = [0, 0], sizes = [128, 1], strides = [1, 1]} : vector<128x32xf32> to vector<128x1xf32>
    %sub3A_306 = vector.broadcast %slice3A : vector<128x1xf32> to vector<128x32xf32>
    %sub3A_307 = arith.subf %sub3A_306, %concatenate3A : vector<128x32xf32>
    %mul3A_308 = arith.mulf %convert_element_type3A_305, %sub3A_307 : vector<128x32xf32>
    %add3A_309 = arith.addf %concatenate3A, %mul3A_308 : vector<128x32xf32>
    %convert_element_type3A_310 = arith.fptosi %add3A_309 : vector<128x32xf32> to vector<128x32xi32>
    %mul3A_311 = arith.constant 8192 : i32
    %mul3A_312 = arith.muli %arg0, %mul3A_311 : i32
    %add3A_313 = vector.broadcast %mul3A_312 : i32 to vector<128x32xi32>
    %add3A_314 = arith.addi %convert_element_type3A_310, %add3A_313 : vector<128x32xi32>
    %swap3A_315 = arith.constant 0 : index
    %swap3A_316 = arith.constant 0 : index
    %swap3A_317 = arith.constant 0 : index
    %swap3A_318 = vector.load %arg4[%swap3A_315, %swap3A_316, %swap3A_317] : memref<1x128x32xi32, #tpu.memory_space<vmem>>, vector<1x128x32xi32>
    %swap3A_319 = vector.shape_cast %swap3A_318 : vector<1x128x32xi32> to vector<128x32xi32>
    %swap3A_320 = vector.shape_cast %add3A_314 : vector<128x32xi32> to vector<1x128x32xi32>
    tpu.vector_store %arg4[%swap3A_315, %swap3A_316, %swap3A_317], %swap3A_320 {strides = array<i32>} : memref<1x128x32xi32, #tpu.memory_space<vmem>>, vector<1x128x32xi32>,
    return
  }
  func.func @transform_0(%arg0: i32, %arg1: i32) -> (i32, i32, i32) {
    %c0_i32 = arith.constant 0 : i32
    %c0_i32_0 = arith.constant 0 : i32
    %c0_i32_1 = arith.constant 0 : i32
    return %arg0, %c0_i32, %c0_i32_0 : i32, i32, i32
  }
  func.func @transform_1(%arg0: i32, %arg1: i32) -> (i32, i32, i32) {
    %c0_i32 = arith.constant 0 : i32
    %c0_i32_0 = arith.constant 0 : i32
    return %arg0, %arg1, %c0_i32 : i32, i32, i32
  }
  func.func @transform_2(%arg0: i32, %arg1: i32) -> (i32, i32, i32) {
    %c0_i32 = arith.constant 0 : i32
    %c0_i32_0 = arith.constant 0 : i32
    return %arg0, %arg1, %c0_i32 : i32, i32, i32
  }
}

module attributes {stable_mosaic.version = 14 : i64} {
  func.func @_fps_body(%arg0: memref<8x3x512xf32, #tpu.memory_space<vmem>>, %arg1: memref<8x128xi32, #tpu.memory_space<vmem>>, %arg2: memref<8x512xi32, #tpu.memory_space<vmem>>, %arg3: memref<8x128xi32, #tpu.memory_space<vmem>>) attributes {dimension_semantics = [], scalar_prefetch = 0 : i64, scratch_operands = 2 : i64, tpu.core_type = #tpu.core_type<tc>} {
    %get3A = arith.constant 0 : index
    %get3A_0 = arith.constant 0 : index
    %get3A_1 = arith.constant 0 : index
    %get3A_2 = vector.load %arg0[%get3A, %get3A_0, %get3A_1] : memref<8x3x512xf32, #tpu.memory_space<vmem>>, vector<8x1x512xf32>
    %get3A_3 = vector.shape_cast %get3A_2 : vector<8x1x512xf32> to vector<8x512xf32>
    %get3A_4 = arith.constant 0 : index
    %get3A_5 = arith.constant 1 : index
    %get3A_6 = arith.constant 0 : index
    %get3A_7 = vector.load %arg0[%get3A_4, %get3A_5, %get3A_6] : memref<8x3x512xf32, #tpu.memory_space<vmem>>, vector<8x1x512xf32>
    %get3A_8 = vector.shape_cast %get3A_7 : vector<8x1x512xf32> to vector<8x512xf32>
    %get3A_9 = arith.constant 0 : index
    %get3A_10 = arith.constant 2 : index
    %get3A_11 = arith.constant 0 : index
    %get3A_12 = vector.load %arg0[%get3A_9, %get3A_10, %get3A_11] : memref<8x3x512xf32, #tpu.memory_space<vmem>>, vector<8x1x512xf32>
    %get3A_13 = vector.shape_cast %get3A_12 : vector<8x1x512xf32> to vector<8x512xf32>
    %iota3A = tpu.iota {dimensions = array<i32: 1>} : vector<8x512xi32>
    %swap3A = arith.constant 0 : index
    %swap3A_14 = arith.constant 0 : index
    %swap3A_15 = vector.load %arg2[%swap3A, %swap3A_14] : memref<8x512xi32, #tpu.memory_space<vmem>>, vector<8x512xi32>
    tpu.vector_store %arg2[%swap3A, %swap3A_14], %iota3A {strides = array<i32>} : memref<8x512xi32, #tpu.memory_space<vmem>>, vector<8x512xi32>,
    %iota3A_16 = tpu.iota {dimensions = array<i32: 1>} : vector<8x128xi32>
    %swap3A_17 = arith.constant 0 : index
    %swap3A_18 = arith.constant 0 : index
    %swap3A_19 = vector.load %arg3[%swap3A_17, %swap3A_18] : memref<8x128xi32, #tpu.memory_space<vmem>>, vector<8x128xi32>
    tpu.vector_store %arg3[%swap3A_17, %swap3A_18], %iota3A_16 {strides = array<i32>} : memref<8x128xi32, #tpu.memory_space<vmem>>, vector<8x128xi32>,
    %get3A_20 = arith.constant 0 : index
    %get3A_21 = arith.constant 0 : index
    %get3A_22 = vector.load %arg2[%get3A_20, %get3A_21] : memref<8x512xi32, #tpu.memory_space<vmem>>, vector<8x512xi32>
    %get3A_23 = arith.constant 0 : index
    %get3A_24 = arith.constant 0 : index
    %get3A_25 = vector.load %arg3[%get3A_23, %get3A_24] : memref<8x128xi32, #tpu.memory_space<vmem>>, vector<8x128xi32>
    %slice3A = vector.extract_strided_slice %get3A_25 {offsets = [0, 0], sizes = [8, 1], strides = [1, 1]} : vector<8x128xi32> to vector<8x1xi32>
    %mul3A = arith.constant 0 : i32
    %mul3A_26 = vector.broadcast %mul3A : i32 to vector<8x1xi32>
    %mul3A_27 = arith.muli %slice3A, %mul3A_26 : vector<8x1xi32>
    %mul3A_28 = arith.constant 0.000000e+00 : f32
    %mul3A_29 = vector.broadcast %mul3A_28 : f32 to vector<8x512xf32>
    %mul3A_30 = arith.mulf %get3A_3, %mul3A_29 : vector<8x512xf32>
    %max3A = arith.constant 1.000000e+10 : f32
    %max3A_31 = vector.broadcast %max3A : f32 to vector<8x512xf32>
    %max3A_32 = arith.maximumf %mul3A_30, %max3A_31 : vector<8x512xf32>
    %mul3A_33 = arith.constant 0 : i32
    %mul3A_34 = vector.broadcast %mul3A_33 : i32 to vector<8x128xi32>
    %mul3A_35 = arith.muli %get3A_25, %mul3A_34 : vector<8x128xi32>
    %scan3A = arith.constant 0 : i32
    %scan3A_36 = arith.constant 128 : i32
    %scan3A_37 = arith.addi %scan3A, %scan3A_36 : i32
    %scan3A_38 = arith.constant 1 : i32
    %scan3A_39:3 = scf.for %scan3A_54 = %scan3A to %scan3A_37 step %scan3A_38 iter_args(%scan3A_55 = %mul3A_27, %scan3A_56 = %max3A_32, %scan3A_57 = %mul3A_35) -> (vector<8x1xi32>, vector<8x512xf32>, vector<8x128xi32>)  : i32 {
      %eq3A = vector.broadcast %scan3A_54 : i32 to vector<8x128xi32>
      %eq3A_58 = arith.cmpi eq, %get3A_25, %eq3A : vector<8x128xi32>
      %convert_element_type3A = arith.extui %eq3A_58 : vector<8x128xi1> to vector<8x128xi32>
      %sub3A = vector.broadcast %scan3A_55 : vector<8x1xi32> to vector<8x128xi32>
      %sub3A_59 = arith.subi %sub3A, %scan3A_57 : vector<8x128xi32>
      %mul3A_60 = arith.muli %convert_element_type3A, %sub3A_59 : vector<8x128xi32>
      %add3A_61 = arith.addi %scan3A_57, %mul3A_60 : vector<8x128xi32>
      %eq3A_62 = vector.broadcast %scan3A_55 : vector<8x1xi32> to vector<8x512xi32>
      %eq3A_63 = arith.cmpi eq, %get3A_22, %eq3A_62 : vector<8x512xi32>
      %convert_element_type3A_64 = arith.extui %eq3A_63 : vector<8x512xi1> to vector<8x512xi32>
      %convert_element_type3A_65 = arith.sitofp %convert_element_type3A_64 : vector<8x512xi32> to vector<8x512xf32>
      %mul3A_66 = arith.mulf %get3A_3, %convert_element_type3A_65 : vector<8x512xf32>
      %reduce_sum3A = arith.constant dense<0.000000e+00> : vector<8xf32>
      %reduce_sum3A_67 = vector.multi_reduction <add>, %mul3A_66, %reduce_sum3A [1] : vector<8x512xf32> to vector<8xf32>
      %broadcast_in_dim3A = vector.shape_cast %reduce_sum3A_67 : vector<8xf32> to vector<8x1xf32>
      %mul3A_68 = arith.mulf %get3A_8, %convert_element_type3A_65 : vector<8x512xf32>
      %reduce_sum3A_69 = arith.constant dense<0.000000e+00> : vector<8xf32>
      %reduce_sum3A_70 = vector.multi_reduction <add>, %mul3A_68, %reduce_sum3A_69 [1] : vector<8x512xf32> to vector<8xf32>
      %broadcast_in_dim3A_71 = vector.shape_cast %reduce_sum3A_70 : vector<8xf32> to vector<8x1xf32>
      %mul3A_72 = arith.mulf %get3A_13, %convert_element_type3A_65 : vector<8x512xf32>
      %reduce_sum3A_73 = arith.constant dense<0.000000e+00> : vector<8xf32>
      %reduce_sum3A_74 = vector.multi_reduction <add>, %mul3A_72, %reduce_sum3A_73 [1] : vector<8x512xf32> to vector<8xf32>
      %broadcast_in_dim3A_75 = vector.shape_cast %reduce_sum3A_74 : vector<8xf32> to vector<8x1xf32>
      %sub3A_76 = vector.broadcast %broadcast_in_dim3A : vector<8x1xf32> to vector<8x512xf32>
      %sub3A_77 = arith.subf %get3A_3, %sub3A_76 : vector<8x512xf32>
      %integer_pow3A = arith.mulf %sub3A_77, %sub3A_77 : vector<8x512xf32>
      %sub3A_78 = vector.broadcast %broadcast_in_dim3A_71 : vector<8x1xf32> to vector<8x512xf32>
      %sub3A_79 = arith.subf %get3A_8, %sub3A_78 : vector<8x512xf32>
      %integer_pow3A_80 = arith.mulf %sub3A_79, %sub3A_79 : vector<8x512xf32>
      %add3A_81 = arith.addf %integer_pow3A, %integer_pow3A_80 : vector<8x512xf32>
      %sub3A_82 = vector.broadcast %broadcast_in_dim3A_75 : vector<8x1xf32> to vector<8x512xf32>
      %sub3A_83 = arith.subf %get3A_13, %sub3A_82 : vector<8x512xf32>
      %integer_pow3A_84 = arith.mulf %sub3A_83, %sub3A_83 : vector<8x512xf32>
      %add3A_85 = arith.addf %add3A_81, %integer_pow3A_84 : vector<8x512xf32>
      %min3A = arith.minimumf %scan3A_56, %add3A_85 : vector<8x512xf32>
      %reduce_max3A = arith.constant dense<0xFF800000> : vector<8xf32>
      %reduce_max3A_86 = vector.multi_reduction <maximumf>, %min3A, %reduce_max3A [1] : vector<8x512xf32> to vector<8xf32>
      %broadcast_in_dim3A_87 = vector.shape_cast %reduce_max3A_86 : vector<8xf32> to vector<8x1xf32>
      %ne3A = vector.broadcast %broadcast_in_dim3A_87 : vector<8x1xf32> to vector<8x512xf32>
      %ne3A_88 = arith.cmpf one, %min3A, %ne3A : vector<8x512xf32>
      %convert_element_type3A_89 = arith.extui %ne3A_88 : vector<8x512xi1> to vector<8x512xi32>
      %mul3A_90 = arith.constant 512 : i32
      %mul3A_91 = vector.broadcast %mul3A_90 : i32 to vector<8x512xi32>
      %mul3A_92 = arith.muli %convert_element_type3A_89, %mul3A_91 : vector<8x512xi32>
      %add3A_93 = arith.addi %get3A_22, %mul3A_92 : vector<8x512xi32>
      %reduce_min3A = arith.constant dense<2147483647> : vector<8xi32>
      %reduce_min3A_94 = vector.multi_reduction <minsi>, %add3A_93, %reduce_min3A [1] : vector<8x512xi32> to vector<8xi32>
      %broadcast_in_dim3A_95 = vector.shape_cast %reduce_min3A_94 : vector<8xi32> to vector<8x1xi32>
      scf.yield %broadcast_in_dim3A_95, %min3A, %add3A_61 : vector<8x1xi32>, vector<8x512xf32>, vector<8x128xi32>
    }
    %scan3A_40 = arith.constant 128 : i32
    %iota3A_41 = tpu.iota {dimensions = array<i32: 0>} : vector<8x128xi32>
    %swap3A_42 = arith.constant 0 : index
    %swap3A_43 = arith.constant 0 : index
    %swap3A_44 = vector.load %arg3[%swap3A_42, %swap3A_43] : memref<8x128xi32, #tpu.memory_space<vmem>>, vector<8x128xi32>
    tpu.vector_store %arg3[%swap3A_42, %swap3A_43], %iota3A_41 {strides = array<i32>} : memref<8x128xi32, #tpu.memory_space<vmem>>, vector<8x128xi32>,
    %get3A_45 = arith.constant 0 : index
    %get3A_46 = arith.constant 0 : index
    %get3A_47 = vector.load %arg3[%get3A_45, %get3A_46] : memref<8x128xi32, #tpu.memory_space<vmem>>, vector<8x128xi32>
    %mul3A_48 = arith.constant 512 : i32
    %mul3A_49 = vector.broadcast %mul3A_48 : i32 to vector<8x128xi32>
    %mul3A_50 = arith.muli %get3A_47, %mul3A_49 : vector<8x128xi32>
    %add3A = arith.addi %scan3A_39#2, %mul3A_50 : vector<8x128xi32>
    %swap3A_51 = arith.constant 0 : index
    %swap3A_52 = arith.constant 0 : index
    %swap3A_53 = vector.load %arg1[%swap3A_51, %swap3A_52] : memref<8x128xi32, #tpu.memory_space<vmem>>, vector<8x128xi32>
    tpu.vector_store %arg1[%swap3A_51, %swap3A_52], %add3A {strides = array<i32>} : memref<8x128xi32, #tpu.memory_space<vmem>>, vector<8x128xi32>,
    return
  }
}

module attributes {stable_mosaic.version = 14 : i64} {
  func.func @_mlp_pool_body(%arg0: i32, %arg1: i32, %arg2: memref<1x128x32x128xf32, #tpu.memory_space<vmem>>, %arg3: memref<1x128x128xf32, #tpu.memory_space<vmem>>, %arg4: memref<64x3xf32, #tpu.memory_space<vmem>>, %arg5: memref<1x64xf32, #tpu.memory_space<vmem>>, %arg6: memref<64x64xf32, #tpu.memory_space<vmem>>, %arg7: memref<1x64xf32, #tpu.memory_space<vmem>>, %arg8: memref<128x64xf32, #tpu.memory_space<vmem>>, %arg9: memref<1x128xf32, #tpu.memory_space<vmem>>, %arg10: memref<1x128x256xf32, #tpu.memory_space<vmem>>) attributes {dimension_semantics = [#tpu.dimension_semantics<parallel>, #tpu.dimension_semantics<parallel>], iteration_bounds = array<i64: 8, 4>, scalar_prefetch = 0 : i64, scratch_operands = 0 : i64, tpu.core_type = #tpu.core_type<tc>, window_params = [{transform_indices = @transform_0, window_bounds = array<i64: 1, 128, 32, 128>}, {transform_indices = @transform_1, window_bounds = array<i64: 1, 128, 128>}, {pipeline_mode = #tpu.pipeline_mode<synchronous>, transform_indices = @transform_2, window_bounds = array<i64: 64, 3>}, {pipeline_mode = #tpu.pipeline_mode<synchronous>, transform_indices = @transform_3, window_bounds = array<i64: 1, 64>}, {pipeline_mode = #tpu.pipeline_mode<synchronous>, transform_indices = @transform_4, window_bounds = array<i64: 64, 64>}, {pipeline_mode = #tpu.pipeline_mode<synchronous>, transform_indices = @transform_5, window_bounds = array<i64: 1, 64>}, {pipeline_mode = #tpu.pipeline_mode<synchronous>, transform_indices = @transform_6, window_bounds = array<i64: 128, 64>}, {pipeline_mode = #tpu.pipeline_mode<synchronous>, transform_indices = @transform_7, window_bounds = array<i64: 1, 128>}, {transform_indices = @transform_8, window_bounds = array<i64: 1, 128, 256>}]} {
    %get3A = arith.constant 0 : index
    %get3A_0 = arith.constant 0 : index
    %get3A_1 = arith.constant 0 : index
    %get3A_2 = arith.constant 0 : index
    %get3A_3 = vector.load %arg2[%get3A, %get3A_0, %get3A_1, %get3A_2] : memref<1x128x32x128xf32, #tpu.memory_space<vmem>>, vector<1x128x32x128xf32>
    %get3A_4 = vector.shape_cast %get3A_3 : vector<1x128x32x128xf32> to vector<128x32x128xf32>
    %get3A_5 = arith.constant 0 : index
    %get3A_6 = arith.constant 0 : index
    %get3A_7 = arith.constant 0 : index
    %get3A_8 = vector.load %arg3[%get3A_5, %get3A_6, %get3A_7] : memref<1x128x128xf32, #tpu.memory_space<vmem>>, vector<1x128x128xf32>
    %get3A_9 = vector.shape_cast %get3A_8 : vector<1x128x128xf32> to vector<128x128xf32>
    %slice3A = vector.extract_strided_slice %get3A_9 {offsets = [0, 0], sizes = [128, 3], strides = [1, 1]} : vector<128x128xf32> to vector<128x3xf32>
    %slice3A_10 = vector.extract_strided_slice %get3A_4 {offsets = [0, 0, 0], sizes = [128, 32, 3], strides = [1, 1, 1]} : vector<128x32x128xf32> to vector<128x32x3xf32>
    %broadcast_in_dim3A = vector.shape_cast %slice3A : vector<128x3xf32> to vector<128x1x3xf32>
    %sub3A = vector.broadcast %broadcast_in_dim3A : vector<128x1x3xf32> to vector<128x32x3xf32>
    %sub3A_11 = arith.subf %slice3A_10, %sub3A : vector<128x32x3xf32>
    %reshape3A = vector.shape_cast %sub3A_11 : vector<128x32x3xf32> to vector<4096x3xf32>
    %get3A_12 = arith.constant 0 : index
    %get3A_13 = arith.constant 0 : index
    %get3A_14 = vector.load %arg4[%get3A_12, %get3A_13] : memref<64x3xf32, #tpu.memory_space<vmem>>, vector<64x3xf32>
    %dot_general3A = arith.constant dense<0.000000e+00> : vector<4096x64xf32>
    %dot_general3A_15 = tpu.matmul %reshape3A, %get3A_14, %dot_general3A {dimension_numbers = #tpu.dot_dimension_numbers<[1], [1], [0], [0], [0, 0, 1, 0], [], []>, transpose_lhs_hint = false} : vector<4096x3xf32>, vector<64x3xf32>, vector<4096x64xf32> -> vector<4096x64xf32>
    %get3A_16 = arith.constant 0 : index
    %get3A_17 = arith.constant 0 : index
    %get3A_18 = vector.load %arg5[%get3A_16, %get3A_17] : memref<1x64xf32, #tpu.memory_space<vmem>>, vector<1x64xf32>
    %add3A = vector.broadcast %get3A_18 : vector<1x64xf32> to vector<4096x64xf32>
    %add3A_19 = arith.addf %dot_general3A_15, %add3A : vector<4096x64xf32>
    %max3A = arith.constant 0.000000e+00 : f32
    %max3A_20 = vector.broadcast %max3A : f32 to vector<4096x64xf32>
    %max3A_21 = arith.maximumf %add3A_19, %max3A_20 : vector<4096x64xf32>
    %get3A_22 = arith.constant 0 : index
    %get3A_23 = arith.constant 0 : index
    %get3A_24 = vector.load %arg6[%get3A_22, %get3A_23] : memref<64x64xf32, #tpu.memory_space<vmem>>, vector<64x64xf32>
    %dot_general3A_25 = arith.constant dense<0.000000e+00> : vector<4096x64xf32>
    %dot_general3A_26 = tpu.matmul %max3A_21, %get3A_24, %dot_general3A_25 {dimension_numbers = #tpu.dot_dimension_numbers<[1], [1], [0], [0], [0, 0, 1, 0], [], []>, transpose_lhs_hint = false} : vector<4096x64xf32>, vector<64x64xf32>, vector<4096x64xf32> -> vector<4096x64xf32>
    %get3A_27 = arith.constant 0 : index
    %get3A_28 = arith.constant 0 : index
    %get3A_29 = vector.load %arg7[%get3A_27, %get3A_28] : memref<1x64xf32, #tpu.memory_space<vmem>>, vector<1x64xf32>
    %add3A_30 = vector.broadcast %get3A_29 : vector<1x64xf32> to vector<4096x64xf32>
    %add3A_31 = arith.addf %dot_general3A_26, %add3A_30 : vector<4096x64xf32>
    %max3A_32 = arith.constant 0.000000e+00 : f32
    %max3A_33 = vector.broadcast %max3A_32 : f32 to vector<4096x64xf32>
    %max3A_34 = arith.maximumf %add3A_31, %max3A_33 : vector<4096x64xf32>
    %get3A_35 = arith.constant 0 : index
    %get3A_36 = arith.constant 0 : index
    %get3A_37 = vector.load %arg8[%get3A_35, %get3A_36] : memref<128x64xf32, #tpu.memory_space<vmem>>, vector<128x64xf32>
    %dot_general3A_38 = arith.constant dense<0.000000e+00> : vector<4096x128xf32>
    %dot_general3A_39 = tpu.matmul %max3A_34, %get3A_37, %dot_general3A_38 {dimension_numbers = #tpu.dot_dimension_numbers<[1], [1], [0], [0], [0, 0, 1, 0], [], []>, transpose_lhs_hint = false} : vector<4096x64xf32>, vector<128x64xf32>, vector<4096x128xf32> -> vector<4096x128xf32>
    %get3A_40 = arith.constant 0 : index
    %get3A_41 = arith.constant 0 : index
    %get3A_42 = vector.load %arg9[%get3A_40, %get3A_41] : memref<1x128xf32, #tpu.memory_space<vmem>>, vector<1x128xf32>
    %add3A_43 = vector.broadcast %get3A_42 : vector<1x128xf32> to vector<4096x128xf32>
    %add3A_44 = arith.addf %dot_general3A_39, %add3A_43 : vector<4096x128xf32>
    %max3A_45 = arith.constant 0.000000e+00 : f32
    %max3A_46 = vector.broadcast %max3A_45 : f32 to vector<4096x128xf32>
    %max3A_47 = arith.maximumf %add3A_44, %max3A_46 : vector<4096x128xf32>
    %reshape3A_48 = vector.shape_cast %max3A_47 : vector<4096x128xf32> to vector<128x32x128xf32>
    %reduce_max3A = arith.constant dense<0xFF800000> : vector<128x128xf32>
    %reduce_max3A_49 = vector.multi_reduction <maximumf>, %reshape3A_48, %reduce_max3A [1] : vector<128x32x128xf32> to vector<128x128xf32>
    %broadcast_in_dim3A_50 = arith.constant 0.000000e+00 : f32
    %broadcast_in_dim3A_51 = vector.broadcast %broadcast_in_dim3A_50 : f32 to vector<128x125xf32>
    %concatenate3A = tpu.concatenate %slice3A, %reduce_max3A_49, %broadcast_in_dim3A_51 in 1 : vector<128x3xf32>, vector<128x128xf32>, vector<128x125xf32> -> vector<128x256xf32>
    %swap3A = arith.constant 0 : index
    %swap3A_52 = arith.constant 0 : index
    %swap3A_53 = arith.constant 0 : index
    %swap3A_54 = vector.load %arg10[%swap3A, %swap3A_52, %swap3A_53] : memref<1x128x256xf32, #tpu.memory_space<vmem>>, vector<1x128x256xf32>
    %swap3A_55 = vector.shape_cast %swap3A_54 : vector<1x128x256xf32> to vector<128x256xf32>
    %swap3A_56 = vector.shape_cast %concatenate3A : vector<128x256xf32> to vector<1x128x256xf32>
    tpu.vector_store %arg10[%swap3A, %swap3A_52, %swap3A_53], %swap3A_56 {strides = array<i32>} : memref<1x128x256xf32, #tpu.memory_space<vmem>>, vector<1x128x256xf32>,
    return
  }
  func.func @transform_0(%arg0: i32, %arg1: i32) -> (i32, i32, i32, i32) {
    %c0_i32 = arith.constant 0 : i32
    %c0_i32_0 = arith.constant 0 : i32
    %c0_i32_1 = arith.constant 0 : i32
    return %arg0, %arg1, %c0_i32, %c0_i32_0 : i32, i32, i32, i32
  }
  func.func @transform_1(%arg0: i32, %arg1: i32) -> (i32, i32, i32) {
    %c0_i32 = arith.constant 0 : i32
    %c0_i32_0 = arith.constant 0 : i32
    return %arg0, %arg1, %c0_i32 : i32, i32, i32
  }
  func.func @transform_2(%arg0: i32, %arg1: i32) -> (i32, i32) {
    %c0_i32 = arith.constant 0 : i32
    %c0_i32_0 = arith.constant 0 : i32
    %c0_i32_1 = arith.constant 0 : i32
    return %c0_i32, %c0_i32_0 : i32, i32
  }
  func.func @transform_3(%arg0: i32, %arg1: i32) -> (i32, i32) {
    %c0_i32 = arith.constant 0 : i32
    %c0_i32_0 = arith.constant 0 : i32
    %c0_i32_1 = arith.constant 0 : i32
    return %c0_i32, %c0_i32_0 : i32, i32
  }
  func.func @transform_4(%arg0: i32, %arg1: i32) -> (i32, i32) {
    %c0_i32 = arith.constant 0 : i32
    %c0_i32_0 = arith.constant 0 : i32
    %c0_i32_1 = arith.constant 0 : i32
    return %c0_i32, %c0_i32_0 : i32, i32
  }
  func.func @transform_5(%arg0: i32, %arg1: i32) -> (i32, i32) {
    %c0_i32 = arith.constant 0 : i32
    %c0_i32_0 = arith.constant 0 : i32
    %c0_i32_1 = arith.constant 0 : i32
    return %c0_i32, %c0_i32_0 : i32, i32
  }
  func.func @transform_6(%arg0: i32, %arg1: i32) -> (i32, i32) {
    %c0_i32 = arith.constant 0 : i32
    %c0_i32_0 = arith.constant 0 : i32
    %c0_i32_1 = arith.constant 0 : i32
    return %c0_i32, %c0_i32_0 : i32, i32
  }
  func.func @transform_7(%arg0: i32, %arg1: i32) -> (i32, i32) {
    %c0_i32 = arith.constant 0 : i32
    %c0_i32_0 = arith.constant 0 : i32
    %c0_i32_1 = arith.constant 0 : i32
    return %c0_i32, %c0_i32_0 : i32, i32
  }
  func.func @transform_8(%arg0: i32, %arg1: i32) -> (i32, i32, i32) {
    %c0_i32 = arith.constant 0 : i32
    %c0_i32_0 = arith.constant 0 : i32
    return %arg0, %arg1, %c0_i32 : i32, i32, i32
  }
}

module attributes {stable_mosaic.version = 14 : i64} {
  func.func @_bq_body(%arg0: i32, %arg1: i32, %arg2: memref<1x3x512xf32, #tpu.memory_space<vmem>>, %arg3: memref<1x128x256xf32, #tpu.memory_space<vmem>>, %arg4: memref<1x128x64xi32, #tpu.memory_space<vmem>>, %arg5: memref<128x512xi32, #tpu.memory_space<vmem>>) attributes {dimension_semantics = [#tpu.dimension_semantics<parallel>, #tpu.dimension_semantics<parallel>], iteration_bounds = array<i64: 8, 1>, scalar_prefetch = 0 : i64, scratch_operands = 1 : i64, tpu.core_type = #tpu.core_type<tc>, window_params = [{transform_indices = @transform_0, window_bounds = array<i64: 1, 3, 512>}, {transform_indices = @transform_1, window_bounds = array<i64: 1, 128, 256>}, {transform_indices = @transform_2, window_bounds = array<i64: 1, 128, 64>}]} {
    %get3A = arith.constant 0 : index
    %get3A_0 = arith.constant 0 : index
    %get3A_1 = arith.constant 0 : index
    %get3A_2 = vector.load %arg2[%get3A, %get3A_0, %get3A_1] : memref<1x3x512xf32, #tpu.memory_space<vmem>>, vector<1x1x512xf32>
    %get3A_3 = vector.shape_cast %get3A_2 : vector<1x1x512xf32> to vector<512xf32>
    %broadcast_in_dim3A = vector.shape_cast %get3A_3 : vector<512xf32> to vector<1x512xf32>
    %get3A_4 = arith.constant 0 : index
    %get3A_5 = arith.constant 1 : index
    %get3A_6 = arith.constant 0 : index
    %get3A_7 = vector.load %arg2[%get3A_4, %get3A_5, %get3A_6] : memref<1x3x512xf32, #tpu.memory_space<vmem>>, vector<1x1x512xf32>
    %get3A_8 = vector.shape_cast %get3A_7 : vector<1x1x512xf32> to vector<512xf32>
    %broadcast_in_dim3A_9 = vector.shape_cast %get3A_8 : vector<512xf32> to vector<1x512xf32>
    %get3A_10 = arith.constant 0 : index
    %get3A_11 = arith.constant 2 : index
    %get3A_12 = arith.constant 0 : index
    %get3A_13 = vector.load %arg2[%get3A_10, %get3A_11, %get3A_12] : memref<1x3x512xf32, #tpu.memory_space<vmem>>, vector<1x1x512xf32>
    %get3A_14 = vector.shape_cast %get3A_13 : vector<1x1x512xf32> to vector<512xf32>
    %broadcast_in_dim3A_15 = vector.shape_cast %get3A_14 : vector<512xf32> to vector<1x512xf32>
    %get3A_16 = arith.constant 0 : index
    %get3A_17 = arith.constant 0 : index
    %get3A_18 = arith.constant 0 : index
    %get3A_19 = vector.load %arg3[%get3A_16, %get3A_17, %get3A_18] : memref<1x128x256xf32, #tpu.memory_space<vmem>>, vector<1x128x1xf32>
    %get3A_20 = vector.shape_cast %get3A_19 : vector<1x128x1xf32> to vector<128x1xf32>
    %get3A_21 = arith.constant 0 : index
    %get3A_22 = arith.constant 0 : index
    %get3A_23 = arith.constant 1 : index
    %get3A_24 = vector.load %arg3[%get3A_21, %get3A_22, %get3A_23] : memref<1x128x256xf32, #tpu.memory_space<vmem>>, vector<1x128x1xf32>
    %get3A_25 = vector.shape_cast %get3A_24 : vector<1x128x1xf32> to vector<128x1xf32>
    %get3A_26 = arith.constant 0 : index
    %get3A_27 = arith.constant 0 : index
    %get3A_28 = arith.constant 2 : index
    %get3A_29 = vector.load %arg3[%get3A_26, %get3A_27, %get3A_28] : memref<1x128x256xf32, #tpu.memory_space<vmem>>, vector<1x128x1xf32>
    %get3A_30 = vector.shape_cast %get3A_29 : vector<1x128x1xf32> to vector<128x1xf32>
    %sub3A = vector.broadcast %get3A_20 : vector<128x1xf32> to vector<128x512xf32>
    %sub3A_31 = vector.broadcast %broadcast_in_dim3A : vector<1x512xf32> to vector<128x512xf32>
    %sub3A_32 = arith.subf %sub3A, %sub3A_31 : vector<128x512xf32>
    %integer_pow3A = arith.mulf %sub3A_32, %sub3A_32 : vector<128x512xf32>
    %sub3A_33 = vector.broadcast %get3A_25 : vector<128x1xf32> to vector<128x512xf32>
    %sub3A_34 = vector.broadcast %broadcast_in_dim3A_9 : vector<1x512xf32> to vector<128x512xf32>
    %sub3A_35 = arith.subf %sub3A_33, %sub3A_34 : vector<128x512xf32>
    %integer_pow3A_36 = arith.mulf %sub3A_35, %sub3A_35 : vector<128x512xf32>
    %add3A = arith.addf %integer_pow3A, %integer_pow3A_36 : vector<128x512xf32>
    %sub3A_37 = vector.broadcast %get3A_30 : vector<128x1xf32> to vector<128x512xf32>
    %sub3A_38 = vector.broadcast %broadcast_in_dim3A_15 : vector<1x512xf32> to vector<128x512xf32>
    %sub3A_39 = arith.subf %sub3A_37, %sub3A_38 : vector<128x512xf32>
    %integer_pow3A_40 = arith.mulf %sub3A_39, %sub3A_39 : vector<128x512xf32>
    %add3A_41 = arith.addf %add3A, %integer_pow3A_40 : vector<128x512xf32>
    %iota3A = tpu.iota {dimensions = array<i32: 1>} : vector<128x512xi32>
    %swap3A = arith.constant 0 : index
    %swap3A_42 = arith.constant 0 : index
    %swap3A_43 = vector.load %arg5[%swap3A, %swap3A_42] : memref<128x512xi32, #tpu.memory_space<vmem>>, vector<128x512xi32>
    tpu.vector_store %arg5[%swap3A, %swap3A_42], %iota3A {strides = array<i32>} : memref<128x512xi32, #tpu.memory_space<vmem>>, vector<128x512xi32>,
    %get3A_44 = arith.constant 0 : index
    %get3A_45 = arith.constant 0 : index
    %get3A_46 = vector.load %arg5[%get3A_44, %get3A_45] : memref<128x512xi32, #tpu.memory_space<vmem>>, vector<128x512xi32>
    %convert_element_type3A = arith.sitofp %get3A_46 : vector<128x512xi32> to vector<128x512xf32>
    %gt3A = arith.constant 1.600000e-01 : f32
    %gt3A_47 = vector.broadcast %gt3A : f32 to vector<128x512xf32>
    %gt3A_48 = arith.cmpf ogt, %add3A_41, %gt3A_47 : vector<128x512xf32>
    %convert_element_type3A_49 = arith.extui %gt3A_48 : vector<128x512xi1> to vector<128x512xi32>
    %convert_element_type3A_50 = arith.sitofp %convert_element_type3A_49 : vector<128x512xi32> to vector<128x512xf32>
    %mul3A = arith.constant 5.120000e+02 : f32
    %mul3A_51 = vector.broadcast %mul3A : f32 to vector<128x512xf32>
    %mul3A_52 = arith.mulf %convert_element_type3A_50, %mul3A_51 : vector<128x512xf32>
    %add3A_53 = arith.addf %convert_element_type3A, %mul3A_52 : vector<128x512xf32>
    %reduce_min3A = arith.constant dense<0x7F800000> : vector<128xf32>
    %reduce_min3A_54 = vector.multi_reduction <minimumf>, %add3A_53, %reduce_min3A [1] : vector<128x512xf32> to vector<128xf32>
    %broadcast_in_dim3A_55 = vector.shape_cast %reduce_min3A_54 : vector<128xf32> to vector<128x1xf32>
    %gt3A_56 = vector.broadcast %broadcast_in_dim3A_55 : vector<128x1xf32> to vector<128x512xf32>
    %gt3A_57 = arith.cmpf ogt, %add3A_53, %gt3A_56 : vector<128x512xf32>
    %jit3A = arith.constant 1.536000e+03 : f32
    %broadcast_in_dim3A_58 = vector.broadcast %jit3A : f32 to vector<128x512xf32>
    %select_n3A = arith.select %gt3A_57, %add3A_53, %broadcast_in_dim3A_58 : vector<128x512xi1>, vector<128x512xf32>
    %reduce_min3A_59 = arith.constant dense<0x7F800000> : vector<128xf32>
    %reduce_min3A_60 = vector.multi_reduction <minimumf>, %select_n3A, %reduce_min3A_59 [1] : vector<128x512xf32> to vector<128xf32>
    %broadcast_in_dim3A_61 = vector.shape_cast %reduce_min3A_60 : vector<128xf32> to vector<128x1xf32>
    %gt3A_62 = vector.broadcast %broadcast_in_dim3A_61 : vector<128x1xf32> to vector<128x512xf32>
    %gt3A_63 = arith.cmpf ogt, %add3A_53, %gt3A_62 : vector<128x512xf32>
    %jit3A_64 = arith.constant 1.536000e+03 : f32
    %broadcast_in_dim3A_65 = vector.broadcast %jit3A_64 : f32 to vector<128x512xf32>
    %select_n3A_66 = arith.select %gt3A_63, %add3A_53, %broadcast_in_dim3A_65 : vector<128x512xi1>, vector<128x512xf32>
    %reduce_min3A_67 = arith.constant dense<0x7F800000> : vector<128xf32>
    %reduce_min3A_68 = vector.multi_reduction <minimumf>, %select_n3A_66, %reduce_min3A_67 [1] : vector<128x512xf32> to vector<128xf32>
    %broadcast_in_dim3A_69 = vector.shape_cast %reduce_min3A_68 : vector<128xf32> to vector<128x1xf32>
    %gt3A_70 = vector.broadcast %broadcast_in_dim3A_69 : vector<128x1xf32> to vector<128x512xf32>
    %gt3A_71 = arith.cmpf ogt, %add3A_53, %gt3A_70 : vector<128x512xf32>
    %jit3A_72 = arith.constant 1.536000e+03 : f32
    %broadcast_in_dim3A_73 = vector.broadcast %jit3A_72 : f32 to vector<128x512xf32>
    %select_n3A_74 = arith.select %gt3A_71, %add3A_53, %broadcast_in_dim3A_73 : vector<128x512xi1>, vector<128x512xf32>
    %reduce_min3A_75 = arith.constant dense<0x7F800000> : vector<128xf32>
    %reduce_min3A_76 = vector.multi_reduction <minimumf>, %select_n3A_74, %reduce_min3A_75 [1] : vector<128x512xf32> to vector<128xf32>
    %broadcast_in_dim3A_77 = vector.shape_cast %reduce_min3A_76 : vector<128xf32> to vector<128x1xf32>
    %gt3A_78 = vector.broadcast %broadcast_in_dim3A_77 : vector<128x1xf32> to vector<128x512xf32>
    %gt3A_79 = arith.cmpf ogt, %add3A_53, %gt3A_78 : vector<128x512xf32>
    %jit3A_80 = arith.constant 1.536000e+03 : f32
    %broadcast_in_dim3A_81 = vector.broadcast %jit3A_80 : f32 to vector<128x512xf32>
    %select_n3A_82 = arith.select %gt3A_79, %add3A_53, %broadcast_in_dim3A_81 : vector<128x512xi1>, vector<128x512xf32>
    %reduce_min3A_83 = arith.constant dense<0x7F800000> : vector<128xf32>
    %reduce_min3A_84 = vector.multi_reduction <minimumf>, %select_n3A_82, %reduce_min3A_83 [1] : vector<128x512xf32> to vector<128xf32>
    %broadcast_in_dim3A_85 = vector.shape_cast %reduce_min3A_84 : vector<128xf32> to vector<128x1xf32>
    %gt3A_86 = vector.broadcast %broadcast_in_dim3A_85 : vector<128x1xf32> to vector<128x512xf32>
    %gt3A_87 = arith.cmpf ogt, %add3A_53, %gt3A_86 : vector<128x512xf32>
    %jit3A_88 = arith.constant 1.536000e+03 : f32
    %broadcast_in_dim3A_89 = vector.broadcast %jit3A_88 : f32 to vector<128x512xf32>
    %select_n3A_90 = arith.select %gt3A_87, %add3A_53, %broadcast_in_dim3A_89 : vector<128x512xi1>, vector<128x512xf32>
    %reduce_min3A_91 = arith.constant dense<0x7F800000> : vector<128xf32>
    %reduce_min3A_92 = vector.multi_reduction <minimumf>, %select_n3A_90, %reduce_min3A_91 [1] : vector<128x512xf32> to vector<128xf32>
    %broadcast_in_dim3A_93 = vector.shape_cast %reduce_min3A_92 : vector<128xf32> to vector<128x1xf32>
    %gt3A_94 = vector.broadcast %broadcast_in_dim3A_93 : vector<128x1xf32> to vector<128x512xf32>
    %gt3A_95 = arith.cmpf ogt, %add3A_53, %gt3A_94 : vector<128x512xf32>
    %jit3A_96 = arith.constant 1.536000e+03 : f32
    %broadcast_in_dim3A_97 = vector.broadcast %jit3A_96 : f32 to vector<128x512xf32>
    %select_n3A_98 = arith.select %gt3A_95, %add3A_53, %broadcast_in_dim3A_97 : vector<128x512xi1>, vector<128x512xf32>
    %reduce_min3A_99 = arith.constant dense<0x7F800000> : vector<128xf32>
    %reduce_min3A_100 = vector.multi_reduction <minimumf>, %select_n3A_98, %reduce_min3A_99 [1] : vector<128x512xf32> to vector<128xf32>
    %broadcast_in_dim3A_101 = vector.shape_cast %reduce_min3A_100 : vector<128xf32> to vector<128x1xf32>
    %gt3A_102 = vector.broadcast %broadcast_in_dim3A_101 : vector<128x1xf32> to vector<128x512xf32>
    %gt3A_103 = arith.cmpf ogt, %add3A_53, %gt3A_102 : vector<128x512xf32>
    %jit3A_104 = arith.constant 1.536000e+03 : f32
    %broadcast_in_dim3A_105 = vector.broadcast %jit3A_104 : f32 to vector<128x512xf32>
    %select_n3A_106 = arith.select %gt3A_103, %add3A_53, %broadcast_in_dim3A_105 : vector<128x512xi1>, vector<128x512xf32>
    %reduce_min3A_107 = arith.constant dense<0x7F800000> : vector<128xf32>
    %reduce_min3A_108 = vector.multi_reduction <minimumf>, %select_n3A_106, %reduce_min3A_107 [1] : vector<128x512xf32> to vector<128xf32>
    %broadcast_in_dim3A_109 = vector.shape_cast %reduce_min3A_108 : vector<128xf32> to vector<128x1xf32>
    %gt3A_110 = vector.broadcast %broadcast_in_dim3A_109 : vector<128x1xf32> to vector<128x512xf32>
    %gt3A_111 = arith.cmpf ogt, %add3A_53, %gt3A_110 : vector<128x512xf32>
    %jit3A_112 = arith.constant 1.536000e+03 : f32
    %broadcast_in_dim3A_113 = vector.broadcast %jit3A_112 : f32 to vector<128x512xf32>
    %select_n3A_114 = arith.select %gt3A_111, %add3A_53, %broadcast_in_dim3A_113 : vector<128x512xi1>, vector<128x512xf32>
    %reduce_min3A_115 = arith.constant dense<0x7F800000> : vector<128xf32>
    %reduce_min3A_116 = vector.multi_reduction <minimumf>, %select_n3A_114, %reduce_min3A_115 [1] : vector<128x512xf32> to vector<128xf32>
    %broadcast_in_dim3A_117 = vector.shape_cast %reduce_min3A_116 : vector<128xf32> to vector<128x1xf32>
    %gt3A_118 = vector.broadcast %broadcast_in_dim3A_117 : vector<128x1xf32> to vector<128x512xf32>
    %gt3A_119 = arith.cmpf ogt, %add3A_53, %gt3A_118 : vector<128x512xf32>
    %jit3A_120 = arith.constant 1.536000e+03 : f32
    %broadcast_in_dim3A_121 = vector.broadcast %jit3A_120 : f32 to vector<128x512xf32>
    %select_n3A_122 = arith.select %gt3A_119, %add3A_53, %broadcast_in_dim3A_121 : vector<128x512xi1>, vector<128x512xf32>
    %reduce_min3A_123 = arith.constant dense<0x7F800000> : vector<128xf32>
    %reduce_min3A_124 = vector.multi_reduction <minimumf>, %select_n3A_122, %reduce_min3A_123 [1] : vector<128x512xf32> to vector<128xf32>
    %broadcast_in_dim3A_125 = vector.shape_cast %reduce_min3A_124 : vector<128xf32> to vector<128x1xf32>
    %gt3A_126 = vector.broadcast %broadcast_in_dim3A_125 : vector<128x1xf32> to vector<128x512xf32>
    %gt3A_127 = arith.cmpf ogt, %add3A_53, %gt3A_126 : vector<128x512xf32>
    %jit3A_128 = arith.constant 1.536000e+03 : f32
    %broadcast_in_dim3A_129 = vector.broadcast %jit3A_128 : f32 to vector<128x512xf32>
    %select_n3A_130 = arith.select %gt3A_127, %add3A_53, %broadcast_in_dim3A_129 : vector<128x512xi1>, vector<128x512xf32>
    %reduce_min3A_131 = arith.constant dense<0x7F800000> : vector<128xf32>
    %reduce_min3A_132 = vector.multi_reduction <minimumf>, %select_n3A_130, %reduce_min3A_131 [1] : vector<128x512xf32> to vector<128xf32>
    %broadcast_in_dim3A_133 = vector.shape_cast %reduce_min3A_132 : vector<128xf32> to vector<128x1xf32>
    %gt3A_134 = vector.broadcast %broadcast_in_dim3A_133 : vector<128x1xf32> to vector<128x512xf32>
    %gt3A_135 = arith.cmpf ogt, %add3A_53, %gt3A_134 : vector<128x512xf32>
    %jit3A_136 = arith.constant 1.536000e+03 : f32
    %broadcast_in_dim3A_137 = vector.broadcast %jit3A_136 : f32 to vector<128x512xf32>
    %select_n3A_138 = arith.select %gt3A_135, %add3A_53, %broadcast_in_dim3A_137 : vector<128x512xi1>, vector<128x512xf32>
    %reduce_min3A_139 = arith.constant dense<0x7F800000> : vector<128xf32>
    %reduce_min3A_140 = vector.multi_reduction <minimumf>, %select_n3A_138, %reduce_min3A_139 [1] : vector<128x512xf32> to vector<128xf32>
    %broadcast_in_dim3A_141 = vector.shape_cast %reduce_min3A_140 : vector<128xf32> to vector<128x1xf32>
    %gt3A_142 = vector.broadcast %broadcast_in_dim3A_141 : vector<128x1xf32> to vector<128x512xf32>
    %gt3A_143 = arith.cmpf ogt, %add3A_53, %gt3A_142 : vector<128x512xf32>
    %jit3A_144 = arith.constant 1.536000e+03 : f32
    %broadcast_in_dim3A_145 = vector.broadcast %jit3A_144 : f32 to vector<128x512xf32>
    %select_n3A_146 = arith.select %gt3A_143, %add3A_53, %broadcast_in_dim3A_145 : vector<128x512xi1>, vector<128x512xf32>
    %reduce_min3A_147 = arith.constant dense<0x7F800000> : vector<128xf32>
    %reduce_min3A_148 = vector.multi_reduction <minimumf>, %select_n3A_146, %reduce_min3A_147 [1] : vector<128x512xf32> to vector<128xf32>
    %broadcast_in_dim3A_149 = vector.shape_cast %reduce_min3A_148 : vector<128xf32> to vector<128x1xf32>
    %gt3A_150 = vector.broadcast %broadcast_in_dim3A_149 : vector<128x1xf32> to vector<128x512xf32>
    %gt3A_151 = arith.cmpf ogt, %add3A_53, %gt3A_150 : vector<128x512xf32>
    %jit3A_152 = arith.constant 1.536000e+03 : f32
    %broadcast_in_dim3A_153 = vector.broadcast %jit3A_152 : f32 to vector<128x512xf32>
    %select_n3A_154 = arith.select %gt3A_151, %add3A_53, %broadcast_in_dim3A_153 : vector<128x512xi1>, vector<128x512xf32>
    %reduce_min3A_155 = arith.constant dense<0x7F800000> : vector<128xf32>
    %reduce_min3A_156 = vector.multi_reduction <minimumf>, %select_n3A_154, %reduce_min3A_155 [1] : vector<128x512xf32> to vector<128xf32>
    %broadcast_in_dim3A_157 = vector.shape_cast %reduce_min3A_156 : vector<128xf32> to vector<128x1xf32>
    %gt3A_158 = vector.broadcast %broadcast_in_dim3A_157 : vector<128x1xf32> to vector<128x512xf32>
    %gt3A_159 = arith.cmpf ogt, %add3A_53, %gt3A_158 : vector<128x512xf32>
    %jit3A_160 = arith.constant 1.536000e+03 : f32
    %broadcast_in_dim3A_161 = vector.broadcast %jit3A_160 : f32 to vector<128x512xf32>
    %select_n3A_162 = arith.select %gt3A_159, %add3A_53, %broadcast_in_dim3A_161 : vector<128x512xi1>, vector<128x512xf32>
    %reduce_min3A_163 = arith.constant dense<0x7F800000> : vector<128xf32>
    %reduce_min3A_164 = vector.multi_reduction <minimumf>, %select_n3A_162, %reduce_min3A_163 [1] : vector<128x512xf32> to vector<128xf32>
    %broadcast_in_dim3A_165 = vector.shape_cast %reduce_min3A_164 : vector<128xf32> to vector<128x1xf32>
    %gt3A_166 = vector.broadcast %broadcast_in_dim3A_165 : vector<128x1xf32> to vector<128x512xf32>
    %gt3A_167 = arith.cmpf ogt, %add3A_53, %gt3A_166 : vector<128x512xf32>
    %jit3A_168 = arith.constant 1.536000e+03 : f32
    %broadcast_in_dim3A_169 = vector.broadcast %jit3A_168 : f32 to vector<128x512xf32>
    %select_n3A_170 = arith.select %gt3A_167, %add3A_53, %broadcast_in_dim3A_169 : vector<128x512xi1>, vector<128x512xf32>
    %reduce_min3A_171 = arith.constant dense<0x7F800000> : vector<128xf32>
    %reduce_min3A_172 = vector.multi_reduction <minimumf>, %select_n3A_170, %reduce_min3A_171 [1] : vector<128x512xf32> to vector<128xf32>
    %broadcast_in_dim3A_173 = vector.shape_cast %reduce_min3A_172 : vector<128xf32> to vector<128x1xf32>
    %gt3A_174 = vector.broadcast %broadcast_in_dim3A_173 : vector<128x1xf32> to vector<128x512xf32>
    %gt3A_175 = arith.cmpf ogt, %add3A_53, %gt3A_174 : vector<128x512xf32>
    %jit3A_176 = arith.constant 1.536000e+03 : f32
    %broadcast_in_dim3A_177 = vector.broadcast %jit3A_176 : f32 to vector<128x512xf32>
    %select_n3A_178 = arith.select %gt3A_175, %add3A_53, %broadcast_in_dim3A_177 : vector<128x512xi1>, vector<128x512xf32>
    %reduce_min3A_179 = arith.constant dense<0x7F800000> : vector<128xf32>
    %reduce_min3A_180 = vector.multi_reduction <minimumf>, %select_n3A_178, %reduce_min3A_179 [1] : vector<128x512xf32> to vector<128xf32>
    %broadcast_in_dim3A_181 = vector.shape_cast %reduce_min3A_180 : vector<128xf32> to vector<128x1xf32>
    %gt3A_182 = vector.broadcast %broadcast_in_dim3A_181 : vector<128x1xf32> to vector<128x512xf32>
    %gt3A_183 = arith.cmpf ogt, %add3A_53, %gt3A_182 : vector<128x512xf32>
    %jit3A_184 = arith.constant 1.536000e+03 : f32
    %broadcast_in_dim3A_185 = vector.broadcast %jit3A_184 : f32 to vector<128x512xf32>
    %select_n3A_186 = arith.select %gt3A_183, %add3A_53, %broadcast_in_dim3A_185 : vector<128x512xi1>, vector<128x512xf32>
    %reduce_min3A_187 = arith.constant dense<0x7F800000> : vector<128xf32>
    %reduce_min3A_188 = vector.multi_reduction <minimumf>, %select_n3A_186, %reduce_min3A_187 [1] : vector<128x512xf32> to vector<128xf32>
    %broadcast_in_dim3A_189 = vector.shape_cast %reduce_min3A_188 : vector<128xf32> to vector<128x1xf32>
    %gt3A_190 = vector.broadcast %broadcast_in_dim3A_189 : vector<128x1xf32> to vector<128x512xf32>
    %gt3A_191 = arith.cmpf ogt, %add3A_53, %gt3A_190 : vector<128x512xf32>
    %jit3A_192 = arith.constant 1.536000e+03 : f32
    %broadcast_in_dim3A_193 = vector.broadcast %jit3A_192 : f32 to vector<128x512xf32>
    %select_n3A_194 = arith.select %gt3A_191, %add3A_53, %broadcast_in_dim3A_193 : vector<128x512xi1>, vector<128x512xf32>
    %reduce_min3A_195 = arith.constant dense<0x7F800000> : vector<128xf32>
    %reduce_min3A_196 = vector.multi_reduction <minimumf>, %select_n3A_194, %reduce_min3A_195 [1] : vector<128x512xf32> to vector<128xf32>
    %broadcast_in_dim3A_197 = vector.shape_cast %reduce_min3A_196 : vector<128xf32> to vector<128x1xf32>
    %gt3A_198 = vector.broadcast %broadcast_in_dim3A_197 : vector<128x1xf32> to vector<128x512xf32>
    %gt3A_199 = arith.cmpf ogt, %add3A_53, %gt3A_198 : vector<128x512xf32>
    %jit3A_200 = arith.constant 1.536000e+03 : f32
    %broadcast_in_dim3A_201 = vector.broadcast %jit3A_200 : f32 to vector<128x512xf32>
    %select_n3A_202 = arith.select %gt3A_199, %add3A_53, %broadcast_in_dim3A_201 : vector<128x512xi1>, vector<128x512xf32>
    %reduce_min3A_203 = arith.constant dense<0x7F800000> : vector<128xf32>
    %reduce_min3A_204 = vector.multi_reduction <minimumf>, %select_n3A_202, %reduce_min3A_203 [1] : vector<128x512xf32> to vector<128xf32>
    %broadcast_in_dim3A_205 = vector.shape_cast %reduce_min3A_204 : vector<128xf32> to vector<128x1xf32>
    %gt3A_206 = vector.broadcast %broadcast_in_dim3A_205 : vector<128x1xf32> to vector<128x512xf32>
    %gt3A_207 = arith.cmpf ogt, %add3A_53, %gt3A_206 : vector<128x512xf32>
    %jit3A_208 = arith.constant 1.536000e+03 : f32
    %broadcast_in_dim3A_209 = vector.broadcast %jit3A_208 : f32 to vector<128x512xf32>
    %select_n3A_210 = arith.select %gt3A_207, %add3A_53, %broadcast_in_dim3A_209 : vector<128x512xi1>, vector<128x512xf32>
    %reduce_min3A_211 = arith.constant dense<0x7F800000> : vector<128xf32>
    %reduce_min3A_212 = vector.multi_reduction <minimumf>, %select_n3A_210, %reduce_min3A_211 [1] : vector<128x512xf32> to vector<128xf32>
    %broadcast_in_dim3A_213 = vector.shape_cast %reduce_min3A_212 : vector<128xf32> to vector<128x1xf32>
    %gt3A_214 = vector.broadcast %broadcast_in_dim3A_213 : vector<128x1xf32> to vector<128x512xf32>
    %gt3A_215 = arith.cmpf ogt, %add3A_53, %gt3A_214 : vector<128x512xf32>
    %jit3A_216 = arith.constant 1.536000e+03 : f32
    %broadcast_in_dim3A_217 = vector.broadcast %jit3A_216 : f32 to vector<128x512xf32>
    %select_n3A_218 = arith.select %gt3A_215, %add3A_53, %broadcast_in_dim3A_217 : vector<128x512xi1>, vector<128x512xf32>
    %reduce_min3A_219 = arith.constant dense<0x7F800000> : vector<128xf32>
    %reduce_min3A_220 = vector.multi_reduction <minimumf>, %select_n3A_218, %reduce_min3A_219 [1] : vector<128x512xf32> to vector<128xf32>
    %broadcast_in_dim3A_221 = vector.shape_cast %reduce_min3A_220 : vector<128xf32> to vector<128x1xf32>
    %gt3A_222 = vector.broadcast %broadcast_in_dim3A_221 : vector<128x1xf32> to vector<128x512xf32>
    %gt3A_223 = arith.cmpf ogt, %add3A_53, %gt3A_222 : vector<128x512xf32>
    %jit3A_224 = arith.constant 1.536000e+03 : f32
    %broadcast_in_dim3A_225 = vector.broadcast %jit3A_224 : f32 to vector<128x512xf32>
    %select_n3A_226 = arith.select %gt3A_223, %add3A_53, %broadcast_in_dim3A_225 : vector<128x512xi1>, vector<128x512xf32>
    %reduce_min3A_227 = arith.constant dense<0x7F800000> : vector<128xf32>
    %reduce_min3A_228 = vector.multi_reduction <minimumf>, %select_n3A_226, %reduce_min3A_227 [1] : vector<128x512xf32> to vector<128xf32>
    %broadcast_in_dim3A_229 = vector.shape_cast %reduce_min3A_228 : vector<128xf32> to vector<128x1xf32>
    %gt3A_230 = vector.broadcast %broadcast_in_dim3A_229 : vector<128x1xf32> to vector<128x512xf32>
    %gt3A_231 = arith.cmpf ogt, %add3A_53, %gt3A_230 : vector<128x512xf32>
    %jit3A_232 = arith.constant 1.536000e+03 : f32
    %broadcast_in_dim3A_233 = vector.broadcast %jit3A_232 : f32 to vector<128x512xf32>
    %select_n3A_234 = arith.select %gt3A_231, %add3A_53, %broadcast_in_dim3A_233 : vector<128x512xi1>, vector<128x512xf32>
    %reduce_min3A_235 = arith.constant dense<0x7F800000> : vector<128xf32>
    %reduce_min3A_236 = vector.multi_reduction <minimumf>, %select_n3A_234, %reduce_min3A_235 [1] : vector<128x512xf32> to vector<128xf32>
    %broadcast_in_dim3A_237 = vector.shape_cast %reduce_min3A_236 : vector<128xf32> to vector<128x1xf32>
    %gt3A_238 = vector.broadcast %broadcast_in_dim3A_237 : vector<128x1xf32> to vector<128x512xf32>
    %gt3A_239 = arith.cmpf ogt, %add3A_53, %gt3A_238 : vector<128x512xf32>
    %jit3A_240 = arith.constant 1.536000e+03 : f32
    %broadcast_in_dim3A_241 = vector.broadcast %jit3A_240 : f32 to vector<128x512xf32>
    %select_n3A_242 = arith.select %gt3A_239, %add3A_53, %broadcast_in_dim3A_241 : vector<128x512xi1>, vector<128x512xf32>
    %reduce_min3A_243 = arith.constant dense<0x7F800000> : vector<128xf32>
    %reduce_min3A_244 = vector.multi_reduction <minimumf>, %select_n3A_242, %reduce_min3A_243 [1] : vector<128x512xf32> to vector<128xf32>
    %broadcast_in_dim3A_245 = vector.shape_cast %reduce_min3A_244 : vector<128xf32> to vector<128x1xf32>
    %gt3A_246 = vector.broadcast %broadcast_in_dim3A_245 : vector<128x1xf32> to vector<128x512xf32>
    %gt3A_247 = arith.cmpf ogt, %add3A_53, %gt3A_246 : vector<128x512xf32>
    %jit3A_248 = arith.constant 1.536000e+03 : f32
    %broadcast_in_dim3A_249 = vector.broadcast %jit3A_248 : f32 to vector<128x512xf32>
    %select_n3A_250 = arith.select %gt3A_247, %add3A_53, %broadcast_in_dim3A_249 : vector<128x512xi1>, vector<128x512xf32>
    %reduce_min3A_251 = arith.constant dense<0x7F800000> : vector<128xf32>
    %reduce_min3A_252 = vector.multi_reduction <minimumf>, %select_n3A_250, %reduce_min3A_251 [1] : vector<128x512xf32> to vector<128xf32>
    %broadcast_in_dim3A_253 = vector.shape_cast %reduce_min3A_252 : vector<128xf32> to vector<128x1xf32>
    %gt3A_254 = vector.broadcast %broadcast_in_dim3A_253 : vector<128x1xf32> to vector<128x512xf32>
    %gt3A_255 = arith.cmpf ogt, %add3A_53, %gt3A_254 : vector<128x512xf32>
    %jit3A_256 = arith.constant 1.536000e+03 : f32
    %broadcast_in_dim3A_257 = vector.broadcast %jit3A_256 : f32 to vector<128x512xf32>
    %select_n3A_258 = arith.select %gt3A_255, %add3A_53, %broadcast_in_dim3A_257 : vector<128x512xi1>, vector<128x512xf32>
    %reduce_min3A_259 = arith.constant dense<0x7F800000> : vector<128xf32>
    %reduce_min3A_260 = vector.multi_reduction <minimumf>, %select_n3A_258, %reduce_min3A_259 [1] : vector<128x512xf32> to vector<128xf32>
    %broadcast_in_dim3A_261 = vector.shape_cast %reduce_min3A_260 : vector<128xf32> to vector<128x1xf32>
    %gt3A_262 = vector.broadcast %broadcast_in_dim3A_261 : vector<128x1xf32> to vector<128x512xf32>
    %gt3A_263 = arith.cmpf ogt, %add3A_53, %gt3A_262 : vector<128x512xf32>
    %jit3A_264 = arith.constant 1.536000e+03 : f32
    %broadcast_in_dim3A_265 = vector.broadcast %jit3A_264 : f32 to vector<128x512xf32>
    %select_n3A_266 = arith.select %gt3A_263, %add3A_53, %broadcast_in_dim3A_265 : vector<128x512xi1>, vector<128x512xf32>
    %reduce_min3A_267 = arith.constant dense<0x7F800000> : vector<128xf32>
    %reduce_min3A_268 = vector.multi_reduction <minimumf>, %select_n3A_266, %reduce_min3A_267 [1] : vector<128x512xf32> to vector<128xf32>
    %broadcast_in_dim3A_269 = vector.shape_cast %reduce_min3A_268 : vector<128xf32> to vector<128x1xf32>
    %gt3A_270 = vector.broadcast %broadcast_in_dim3A_269 : vector<128x1xf32> to vector<128x512xf32>
    %gt3A_271 = arith.cmpf ogt, %add3A_53, %gt3A_270 : vector<128x512xf32>
    %jit3A_272 = arith.constant 1.536000e+03 : f32
    %broadcast_in_dim3A_273 = vector.broadcast %jit3A_272 : f32 to vector<128x512xf32>
    %select_n3A_274 = arith.select %gt3A_271, %add3A_53, %broadcast_in_dim3A_273 : vector<128x512xi1>, vector<128x512xf32>
    %reduce_min3A_275 = arith.constant dense<0x7F800000> : vector<128xf32>
    %reduce_min3A_276 = vector.multi_reduction <minimumf>, %select_n3A_274, %reduce_min3A_275 [1] : vector<128x512xf32> to vector<128xf32>
    %broadcast_in_dim3A_277 = vector.shape_cast %reduce_min3A_276 : vector<128xf32> to vector<128x1xf32>
    %gt3A_278 = vector.broadcast %broadcast_in_dim3A_277 : vector<128x1xf32> to vector<128x512xf32>
    %gt3A_279 = arith.cmpf ogt, %add3A_53, %gt3A_278 : vector<128x512xf32>
    %jit3A_280 = arith.constant 1.536000e+03 : f32
    %broadcast_in_dim3A_281 = vector.broadcast %jit3A_280 : f32 to vector<128x512xf32>
    %select_n3A_282 = arith.select %gt3A_279, %add3A_53, %broadcast_in_dim3A_281 : vector<128x512xi1>, vector<128x512xf32>
    %reduce_min3A_283 = arith.constant dense<0x7F800000> : vector<128xf32>
    %reduce_min3A_284 = vector.multi_reduction <minimumf>, %select_n3A_282, %reduce_min3A_283 [1] : vector<128x512xf32> to vector<128xf32>
    %broadcast_in_dim3A_285 = vector.shape_cast %reduce_min3A_284 : vector<128xf32> to vector<128x1xf32>
    %gt3A_286 = vector.broadcast %broadcast_in_dim3A_285 : vector<128x1xf32> to vector<128x512xf32>
    %gt3A_287 = arith.cmpf ogt, %add3A_53, %gt3A_286 : vector<128x512xf32>
    %jit3A_288 = arith.constant 1.536000e+03 : f32
    %broadcast_in_dim3A_289 = vector.broadcast %jit3A_288 : f32 to vector<128x512xf32>
    %select_n3A_290 = arith.select %gt3A_287, %add3A_53, %broadcast_in_dim3A_289 : vector<128x512xi1>, vector<128x512xf32>
    %reduce_min3A_291 = arith.constant dense<0x7F800000> : vector<128xf32>
    %reduce_min3A_292 = vector.multi_reduction <minimumf>, %select_n3A_290, %reduce_min3A_291 [1] : vector<128x512xf32> to vector<128xf32>
    %broadcast_in_dim3A_293 = vector.shape_cast %reduce_min3A_292 : vector<128xf32> to vector<128x1xf32>
    %gt3A_294 = vector.broadcast %broadcast_in_dim3A_293 : vector<128x1xf32> to vector<128x512xf32>
    %gt3A_295 = arith.cmpf ogt, %add3A_53, %gt3A_294 : vector<128x512xf32>
    %jit3A_296 = arith.constant 1.536000e+03 : f32
    %broadcast_in_dim3A_297 = vector.broadcast %jit3A_296 : f32 to vector<128x512xf32>
    %select_n3A_298 = arith.select %gt3A_295, %add3A_53, %broadcast_in_dim3A_297 : vector<128x512xi1>, vector<128x512xf32>
    %reduce_min3A_299 = arith.constant dense<0x7F800000> : vector<128xf32>
    %reduce_min3A_300 = vector.multi_reduction <minimumf>, %select_n3A_298, %reduce_min3A_299 [1] : vector<128x512xf32> to vector<128xf32>
    %broadcast_in_dim3A_301 = vector.shape_cast %reduce_min3A_300 : vector<128xf32> to vector<128x1xf32>
    %gt3A_302 = vector.broadcast %broadcast_in_dim3A_301 : vector<128x1xf32> to vector<128x512xf32>
    %gt3A_303 = arith.cmpf ogt, %add3A_53, %gt3A_302 : vector<128x512xf32>
    %jit3A_304 = arith.constant 1.536000e+03 : f32
    %broadcast_in_dim3A_305 = vector.broadcast %jit3A_304 : f32 to vector<128x512xf32>
    %select_n3A_306 = arith.select %gt3A_303, %add3A_53, %broadcast_in_dim3A_305 : vector<128x512xi1>, vector<128x512xf32>
    %reduce_min3A_307 = arith.constant dense<0x7F800000> : vector<128xf32>
    %reduce_min3A_308 = vector.multi_reduction <minimumf>, %select_n3A_306, %reduce_min3A_307 [1] : vector<128x512xf32> to vector<128xf32>
    %broadcast_in_dim3A_309 = vector.shape_cast %reduce_min3A_308 : vector<128xf32> to vector<128x1xf32>
    %gt3A_310 = vector.broadcast %broadcast_in_dim3A_309 : vector<128x1xf32> to vector<128x512xf32>
    %gt3A_311 = arith.cmpf ogt, %add3A_53, %gt3A_310 : vector<128x512xf32>
    %jit3A_312 = arith.constant 1.536000e+03 : f32
    %broadcast_in_dim3A_313 = vector.broadcast %jit3A_312 : f32 to vector<128x512xf32>
    %select_n3A_314 = arith.select %gt3A_311, %add3A_53, %broadcast_in_dim3A_313 : vector<128x512xi1>, vector<128x512xf32>
    %reduce_min3A_315 = arith.constant dense<0x7F800000> : vector<128xf32>
    %reduce_min3A_316 = vector.multi_reduction <minimumf>, %select_n3A_314, %reduce_min3A_315 [1] : vector<128x512xf32> to vector<128xf32>
    %broadcast_in_dim3A_317 = vector.shape_cast %reduce_min3A_316 : vector<128xf32> to vector<128x1xf32>
    %gt3A_318 = vector.broadcast %broadcast_in_dim3A_317 : vector<128x1xf32> to vector<128x512xf32>
    %gt3A_319 = arith.cmpf ogt, %add3A_53, %gt3A_318 : vector<128x512xf32>
    %jit3A_320 = arith.constant 1.536000e+03 : f32
    %broadcast_in_dim3A_321 = vector.broadcast %jit3A_320 : f32 to vector<128x512xf32>
    %select_n3A_322 = arith.select %gt3A_319, %add3A_53, %broadcast_in_dim3A_321 : vector<128x512xi1>, vector<128x512xf32>
    %reduce_min3A_323 = arith.constant dense<0x7F800000> : vector<128xf32>
    %reduce_min3A_324 = vector.multi_reduction <minimumf>, %select_n3A_322, %reduce_min3A_323 [1] : vector<128x512xf32> to vector<128xf32>
    %broadcast_in_dim3A_325 = vector.shape_cast %reduce_min3A_324 : vector<128xf32> to vector<128x1xf32>
    %gt3A_326 = vector.broadcast %broadcast_in_dim3A_325 : vector<128x1xf32> to vector<128x512xf32>
    %gt3A_327 = arith.cmpf ogt, %add3A_53, %gt3A_326 : vector<128x512xf32>
    %jit3A_328 = arith.constant 1.536000e+03 : f32
    %broadcast_in_dim3A_329 = vector.broadcast %jit3A_328 : f32 to vector<128x512xf32>
    %select_n3A_330 = arith.select %gt3A_327, %add3A_53, %broadcast_in_dim3A_329 : vector<128x512xi1>, vector<128x512xf32>
    %reduce_min3A_331 = arith.constant dense<0x7F800000> : vector<128xf32>
    %reduce_min3A_332 = vector.multi_reduction <minimumf>, %select_n3A_330, %reduce_min3A_331 [1] : vector<128x512xf32> to vector<128xf32>
    %broadcast_in_dim3A_333 = vector.shape_cast %reduce_min3A_332 : vector<128xf32> to vector<128x1xf32>
    %gt3A_334 = vector.broadcast %broadcast_in_dim3A_333 : vector<128x1xf32> to vector<128x512xf32>
    %gt3A_335 = arith.cmpf ogt, %add3A_53, %gt3A_334 : vector<128x512xf32>
    %jit3A_336 = arith.constant 1.536000e+03 : f32
    %broadcast_in_dim3A_337 = vector.broadcast %jit3A_336 : f32 to vector<128x512xf32>
    %select_n3A_338 = arith.select %gt3A_335, %add3A_53, %broadcast_in_dim3A_337 : vector<128x512xi1>, vector<128x512xf32>
    %reduce_min3A_339 = arith.constant dense<0x7F800000> : vector<128xf32>
    %reduce_min3A_340 = vector.multi_reduction <minimumf>, %select_n3A_338, %reduce_min3A_339 [1] : vector<128x512xf32> to vector<128xf32>
    %broadcast_in_dim3A_341 = vector.shape_cast %reduce_min3A_340 : vector<128xf32> to vector<128x1xf32>
    %gt3A_342 = vector.broadcast %broadcast_in_dim3A_341 : vector<128x1xf32> to vector<128x512xf32>
    %gt3A_343 = arith.cmpf ogt, %add3A_53, %gt3A_342 : vector<128x512xf32>
    %jit3A_344 = arith.constant 1.536000e+03 : f32
    %broadcast_in_dim3A_345 = vector.broadcast %jit3A_344 : f32 to vector<128x512xf32>
    %select_n3A_346 = arith.select %gt3A_343, %add3A_53, %broadcast_in_dim3A_345 : vector<128x512xi1>, vector<128x512xf32>
    %reduce_min3A_347 = arith.constant dense<0x7F800000> : vector<128xf32>
    %reduce_min3A_348 = vector.multi_reduction <minimumf>, %select_n3A_346, %reduce_min3A_347 [1] : vector<128x512xf32> to vector<128xf32>
    %broadcast_in_dim3A_349 = vector.shape_cast %reduce_min3A_348 : vector<128xf32> to vector<128x1xf32>
    %gt3A_350 = vector.broadcast %broadcast_in_dim3A_349 : vector<128x1xf32> to vector<128x512xf32>
    %gt3A_351 = arith.cmpf ogt, %add3A_53, %gt3A_350 : vector<128x512xf32>
    %jit3A_352 = arith.constant 1.536000e+03 : f32
    %broadcast_in_dim3A_353 = vector.broadcast %jit3A_352 : f32 to vector<128x512xf32>
    %select_n3A_354 = arith.select %gt3A_351, %add3A_53, %broadcast_in_dim3A_353 : vector<128x512xi1>, vector<128x512xf32>
    %reduce_min3A_355 = arith.constant dense<0x7F800000> : vector<128xf32>
    %reduce_min3A_356 = vector.multi_reduction <minimumf>, %select_n3A_354, %reduce_min3A_355 [1] : vector<128x512xf32> to vector<128xf32>
    %broadcast_in_dim3A_357 = vector.shape_cast %reduce_min3A_356 : vector<128xf32> to vector<128x1xf32>
    %gt3A_358 = vector.broadcast %broadcast_in_dim3A_357 : vector<128x1xf32> to vector<128x512xf32>
    %gt3A_359 = arith.cmpf ogt, %add3A_53, %gt3A_358 : vector<128x512xf32>
    %jit3A_360 = arith.constant 1.536000e+03 : f32
    %broadcast_in_dim3A_361 = vector.broadcast %jit3A_360 : f32 to vector<128x512xf32>
    %select_n3A_362 = arith.select %gt3A_359, %add3A_53, %broadcast_in_dim3A_361 : vector<128x512xi1>, vector<128x512xf32>
    %reduce_min3A_363 = arith.constant dense<0x7F800000> : vector<128xf32>
    %reduce_min3A_364 = vector.multi_reduction <minimumf>, %select_n3A_362, %reduce_min3A_363 [1] : vector<128x512xf32> to vector<128xf32>
    %broadcast_in_dim3A_365 = vector.shape_cast %reduce_min3A_364 : vector<128xf32> to vector<128x1xf32>
    %gt3A_366 = vector.broadcast %broadcast_in_dim3A_365 : vector<128x1xf32> to vector<128x512xf32>
    %gt3A_367 = arith.cmpf ogt, %add3A_53, %gt3A_366 : vector<128x512xf32>
    %jit3A_368 = arith.constant 1.536000e+03 : f32
    %broadcast_in_dim3A_369 = vector.broadcast %jit3A_368 : f32 to vector<128x512xf32>
    %select_n3A_370 = arith.select %gt3A_367, %add3A_53, %broadcast_in_dim3A_369 : vector<128x512xi1>, vector<128x512xf32>
    %reduce_min3A_371 = arith.constant dense<0x7F800000> : vector<128xf32>
    %reduce_min3A_372 = vector.multi_reduction <minimumf>, %select_n3A_370, %reduce_min3A_371 [1] : vector<128x512xf32> to vector<128xf32>
    %broadcast_in_dim3A_373 = vector.shape_cast %reduce_min3A_372 : vector<128xf32> to vector<128x1xf32>
    %gt3A_374 = vector.broadcast %broadcast_in_dim3A_373 : vector<128x1xf32> to vector<128x512xf32>
    %gt3A_375 = arith.cmpf ogt, %add3A_53, %gt3A_374 : vector<128x512xf32>
    %jit3A_376 = arith.constant 1.536000e+03 : f32
    %broadcast_in_dim3A_377 = vector.broadcast %jit3A_376 : f32 to vector<128x512xf32>
    %select_n3A_378 = arith.select %gt3A_375, %add3A_53, %broadcast_in_dim3A_377 : vector<128x512xi1>, vector<128x512xf32>
    %reduce_min3A_379 = arith.constant dense<0x7F800000> : vector<128xf32>
    %reduce_min3A_380 = vector.multi_reduction <minimumf>, %select_n3A_378, %reduce_min3A_379 [1] : vector<128x512xf32> to vector<128xf32>
    %broadcast_in_dim3A_381 = vector.shape_cast %reduce_min3A_380 : vector<128xf32> to vector<128x1xf32>
    %gt3A_382 = vector.broadcast %broadcast_in_dim3A_381 : vector<128x1xf32> to vector<128x512xf32>
    %gt3A_383 = arith.cmpf ogt, %add3A_53, %gt3A_382 : vector<128x512xf32>
    %jit3A_384 = arith.constant 1.536000e+03 : f32
    %broadcast_in_dim3A_385 = vector.broadcast %jit3A_384 : f32 to vector<128x512xf32>
    %select_n3A_386 = arith.select %gt3A_383, %add3A_53, %broadcast_in_dim3A_385 : vector<128x512xi1>, vector<128x512xf32>
    %reduce_min3A_387 = arith.constant dense<0x7F800000> : vector<128xf32>
    %reduce_min3A_388 = vector.multi_reduction <minimumf>, %select_n3A_386, %reduce_min3A_387 [1] : vector<128x512xf32> to vector<128xf32>
    %broadcast_in_dim3A_389 = vector.shape_cast %reduce_min3A_388 : vector<128xf32> to vector<128x1xf32>
    %gt3A_390 = vector.broadcast %broadcast_in_dim3A_389 : vector<128x1xf32> to vector<128x512xf32>
    %gt3A_391 = arith.cmpf ogt, %add3A_53, %gt3A_390 : vector<128x512xf32>
    %jit3A_392 = arith.constant 1.536000e+03 : f32
    %broadcast_in_dim3A_393 = vector.broadcast %jit3A_392 : f32 to vector<128x512xf32>
    %select_n3A_394 = arith.select %gt3A_391, %add3A_53, %broadcast_in_dim3A_393 : vector<128x512xi1>, vector<128x512xf32>
    %reduce_min3A_395 = arith.constant dense<0x7F800000> : vector<128xf32>
    %reduce_min3A_396 = vector.multi_reduction <minimumf>, %select_n3A_394, %reduce_min3A_395 [1] : vector<128x512xf32> to vector<128xf32>
    %broadcast_in_dim3A_397 = vector.shape_cast %reduce_min3A_396 : vector<128xf32> to vector<128x1xf32>
    %gt3A_398 = vector.broadcast %broadcast_in_dim3A_397 : vector<128x1xf32> to vector<128x512xf32>
    %gt3A_399 = arith.cmpf ogt, %add3A_53, %gt3A_398 : vector<128x512xf32>
    %jit3A_400 = arith.constant 1.536000e+03 : f32
    %broadcast_in_dim3A_401 = vector.broadcast %jit3A_400 : f32 to vector<128x512xf32>
    %select_n3A_402 = arith.select %gt3A_399, %add3A_53, %broadcast_in_dim3A_401 : vector<128x512xi1>, vector<128x512xf32>
    %reduce_min3A_403 = arith.constant dense<0x7F800000> : vector<128xf32>
    %reduce_min3A_404 = vector.multi_reduction <minimumf>, %select_n3A_402, %reduce_min3A_403 [1] : vector<128x512xf32> to vector<128xf32>
    %broadcast_in_dim3A_405 = vector.shape_cast %reduce_min3A_404 : vector<128xf32> to vector<128x1xf32>
    %gt3A_406 = vector.broadcast %broadcast_in_dim3A_405 : vector<128x1xf32> to vector<128x512xf32>
    %gt3A_407 = arith.cmpf ogt, %add3A_53, %gt3A_406 : vector<128x512xf32>
    %jit3A_408 = arith.constant 1.536000e+03 : f32
    %broadcast_in_dim3A_409 = vector.broadcast %jit3A_408 : f32 to vector<128x512xf32>
    %select_n3A_410 = arith.select %gt3A_407, %add3A_53, %broadcast_in_dim3A_409 : vector<128x512xi1>, vector<128x512xf32>
    %reduce_min3A_411 = arith.constant dense<0x7F800000> : vector<128xf32>
    %reduce_min3A_412 = vector.multi_reduction <minimumf>, %select_n3A_410, %reduce_min3A_411 [1] : vector<128x512xf32> to vector<128xf32>
    %broadcast_in_dim3A_413 = vector.shape_cast %reduce_min3A_412 : vector<128xf32> to vector<128x1xf32>
    %gt3A_414 = vector.broadcast %broadcast_in_dim3A_413 : vector<128x1xf32> to vector<128x512xf32>
    %gt3A_415 = arith.cmpf ogt, %add3A_53, %gt3A_414 : vector<128x512xf32>
    %jit3A_416 = arith.constant 1.536000e+03 : f32
    %broadcast_in_dim3A_417 = vector.broadcast %jit3A_416 : f32 to vector<128x512xf32>
    %select_n3A_418 = arith.select %gt3A_415, %add3A_53, %broadcast_in_dim3A_417 : vector<128x512xi1>, vector<128x512xf32>
    %reduce_min3A_419 = arith.constant dense<0x7F800000> : vector<128xf32>
    %reduce_min3A_420 = vector.multi_reduction <minimumf>, %select_n3A_418, %reduce_min3A_419 [1] : vector<128x512xf32> to vector<128xf32>
    %broadcast_in_dim3A_421 = vector.shape_cast %reduce_min3A_420 : vector<128xf32> to vector<128x1xf32>
    %gt3A_422 = vector.broadcast %broadcast_in_dim3A_421 : vector<128x1xf32> to vector<128x512xf32>
    %gt3A_423 = arith.cmpf ogt, %add3A_53, %gt3A_422 : vector<128x512xf32>
    %jit3A_424 = arith.constant 1.536000e+03 : f32
    %broadcast_in_dim3A_425 = vector.broadcast %jit3A_424 : f32 to vector<128x512xf32>
    %select_n3A_426 = arith.select %gt3A_423, %add3A_53, %broadcast_in_dim3A_425 : vector<128x512xi1>, vector<128x512xf32>
    %reduce_min3A_427 = arith.constant dense<0x7F800000> : vector<128xf32>
    %reduce_min3A_428 = vector.multi_reduction <minimumf>, %select_n3A_426, %reduce_min3A_427 [1] : vector<128x512xf32> to vector<128xf32>
    %broadcast_in_dim3A_429 = vector.shape_cast %reduce_min3A_428 : vector<128xf32> to vector<128x1xf32>
    %gt3A_430 = vector.broadcast %broadcast_in_dim3A_429 : vector<128x1xf32> to vector<128x512xf32>
    %gt3A_431 = arith.cmpf ogt, %add3A_53, %gt3A_430 : vector<128x512xf32>
    %jit3A_432 = arith.constant 1.536000e+03 : f32
    %broadcast_in_dim3A_433 = vector.broadcast %jit3A_432 : f32 to vector<128x512xf32>
    %select_n3A_434 = arith.select %gt3A_431, %add3A_53, %broadcast_in_dim3A_433 : vector<128x512xi1>, vector<128x512xf32>
    %reduce_min3A_435 = arith.constant dense<0x7F800000> : vector<128xf32>
    %reduce_min3A_436 = vector.multi_reduction <minimumf>, %select_n3A_434, %reduce_min3A_435 [1] : vector<128x512xf32> to vector<128xf32>
    %broadcast_in_dim3A_437 = vector.shape_cast %reduce_min3A_436 : vector<128xf32> to vector<128x1xf32>
    %gt3A_438 = vector.broadcast %broadcast_in_dim3A_437 : vector<128x1xf32> to vector<128x512xf32>
    %gt3A_439 = arith.cmpf ogt, %add3A_53, %gt3A_438 : vector<128x512xf32>
    %jit3A_440 = arith.constant 1.536000e+03 : f32
    %broadcast_in_dim3A_441 = vector.broadcast %jit3A_440 : f32 to vector<128x512xf32>
    %select_n3A_442 = arith.select %gt3A_439, %add3A_53, %broadcast_in_dim3A_441 : vector<128x512xi1>, vector<128x512xf32>
    %reduce_min3A_443 = arith.constant dense<0x7F800000> : vector<128xf32>
    %reduce_min3A_444 = vector.multi_reduction <minimumf>, %select_n3A_442, %reduce_min3A_443 [1] : vector<128x512xf32> to vector<128xf32>
    %broadcast_in_dim3A_445 = vector.shape_cast %reduce_min3A_444 : vector<128xf32> to vector<128x1xf32>
    %gt3A_446 = vector.broadcast %broadcast_in_dim3A_445 : vector<128x1xf32> to vector<128x512xf32>
    %gt3A_447 = arith.cmpf ogt, %add3A_53, %gt3A_446 : vector<128x512xf32>
    %jit3A_448 = arith.constant 1.536000e+03 : f32
    %broadcast_in_dim3A_449 = vector.broadcast %jit3A_448 : f32 to vector<128x512xf32>
    %select_n3A_450 = arith.select %gt3A_447, %add3A_53, %broadcast_in_dim3A_449 : vector<128x512xi1>, vector<128x512xf32>
    %reduce_min3A_451 = arith.constant dense<0x7F800000> : vector<128xf32>
    %reduce_min3A_452 = vector.multi_reduction <minimumf>, %select_n3A_450, %reduce_min3A_451 [1] : vector<128x512xf32> to vector<128xf32>
    %broadcast_in_dim3A_453 = vector.shape_cast %reduce_min3A_452 : vector<128xf32> to vector<128x1xf32>
    %gt3A_454 = vector.broadcast %broadcast_in_dim3A_453 : vector<128x1xf32> to vector<128x512xf32>
    %gt3A_455 = arith.cmpf ogt, %add3A_53, %gt3A_454 : vector<128x512xf32>
    %jit3A_456 = arith.constant 1.536000e+03 : f32
    %broadcast_in_dim3A_457 = vector.broadcast %jit3A_456 : f32 to vector<128x512xf32>
    %select_n3A_458 = arith.select %gt3A_455, %add3A_53, %broadcast_in_dim3A_457 : vector<128x512xi1>, vector<128x512xf32>
    %reduce_min3A_459 = arith.constant dense<0x7F800000> : vector<128xf32>
    %reduce_min3A_460 = vector.multi_reduction <minimumf>, %select_n3A_458, %reduce_min3A_459 [1] : vector<128x512xf32> to vector<128xf32>
    %broadcast_in_dim3A_461 = vector.shape_cast %reduce_min3A_460 : vector<128xf32> to vector<128x1xf32>
    %gt3A_462 = vector.broadcast %broadcast_in_dim3A_461 : vector<128x1xf32> to vector<128x512xf32>
    %gt3A_463 = arith.cmpf ogt, %add3A_53, %gt3A_462 : vector<128x512xf32>
    %jit3A_464 = arith.constant 1.536000e+03 : f32
    %broadcast_in_dim3A_465 = vector.broadcast %jit3A_464 : f32 to vector<128x512xf32>
    %select_n3A_466 = arith.select %gt3A_463, %add3A_53, %broadcast_in_dim3A_465 : vector<128x512xi1>, vector<128x512xf32>
    %reduce_min3A_467 = arith.constant dense<0x7F800000> : vector<128xf32>
    %reduce_min3A_468 = vector.multi_reduction <minimumf>, %select_n3A_466, %reduce_min3A_467 [1] : vector<128x512xf32> to vector<128xf32>
    %broadcast_in_dim3A_469 = vector.shape_cast %reduce_min3A_468 : vector<128xf32> to vector<128x1xf32>
    %gt3A_470 = vector.broadcast %broadcast_in_dim3A_469 : vector<128x1xf32> to vector<128x512xf32>
    %gt3A_471 = arith.cmpf ogt, %add3A_53, %gt3A_470 : vector<128x512xf32>
    %jit3A_472 = arith.constant 1.536000e+03 : f32
    %broadcast_in_dim3A_473 = vector.broadcast %jit3A_472 : f32 to vector<128x512xf32>
    %select_n3A_474 = arith.select %gt3A_471, %add3A_53, %broadcast_in_dim3A_473 : vector<128x512xi1>, vector<128x512xf32>
    %reduce_min3A_475 = arith.constant dense<0x7F800000> : vector<128xf32>
    %reduce_min3A_476 = vector.multi_reduction <minimumf>, %select_n3A_474, %reduce_min3A_475 [1] : vector<128x512xf32> to vector<128xf32>
    %broadcast_in_dim3A_477 = vector.shape_cast %reduce_min3A_476 : vector<128xf32> to vector<128x1xf32>
    %gt3A_478 = vector.broadcast %broadcast_in_dim3A_477 : vector<128x1xf32> to vector<128x512xf32>
    %gt3A_479 = arith.cmpf ogt, %add3A_53, %gt3A_478 : vector<128x512xf32>
    %jit3A_480 = arith.constant 1.536000e+03 : f32
    %broadcast_in_dim3A_481 = vector.broadcast %jit3A_480 : f32 to vector<128x512xf32>
    %select_n3A_482 = arith.select %gt3A_479, %add3A_53, %broadcast_in_dim3A_481 : vector<128x512xi1>, vector<128x512xf32>
    %reduce_min3A_483 = arith.constant dense<0x7F800000> : vector<128xf32>
    %reduce_min3A_484 = vector.multi_reduction <minimumf>, %select_n3A_482, %reduce_min3A_483 [1] : vector<128x512xf32> to vector<128xf32>
    %broadcast_in_dim3A_485 = vector.shape_cast %reduce_min3A_484 : vector<128xf32> to vector<128x1xf32>
    %gt3A_486 = vector.broadcast %broadcast_in_dim3A_485 : vector<128x1xf32> to vector<128x512xf32>
    %gt3A_487 = arith.cmpf ogt, %add3A_53, %gt3A_486 : vector<128x512xf32>
    %jit3A_488 = arith.constant 1.536000e+03 : f32
    %broadcast_in_dim3A_489 = vector.broadcast %jit3A_488 : f32 to vector<128x512xf32>
    %select_n3A_490 = arith.select %gt3A_487, %add3A_53, %broadcast_in_dim3A_489 : vector<128x512xi1>, vector<128x512xf32>
    %reduce_min3A_491 = arith.constant dense<0x7F800000> : vector<128xf32>
    %reduce_min3A_492 = vector.multi_reduction <minimumf>, %select_n3A_490, %reduce_min3A_491 [1] : vector<128x512xf32> to vector<128xf32>
    %broadcast_in_dim3A_493 = vector.shape_cast %reduce_min3A_492 : vector<128xf32> to vector<128x1xf32>
    %gt3A_494 = vector.broadcast %broadcast_in_dim3A_493 : vector<128x1xf32> to vector<128x512xf32>
    %gt3A_495 = arith.cmpf ogt, %add3A_53, %gt3A_494 : vector<128x512xf32>
    %jit3A_496 = arith.constant 1.536000e+03 : f32
    %broadcast_in_dim3A_497 = vector.broadcast %jit3A_496 : f32 to vector<128x512xf32>
    %select_n3A_498 = arith.select %gt3A_495, %add3A_53, %broadcast_in_dim3A_497 : vector<128x512xi1>, vector<128x512xf32>
    %reduce_min3A_499 = arith.constant dense<0x7F800000> : vector<128xf32>
    %reduce_min3A_500 = vector.multi_reduction <minimumf>, %select_n3A_498, %reduce_min3A_499 [1] : vector<128x512xf32> to vector<128xf32>
    %broadcast_in_dim3A_501 = vector.shape_cast %reduce_min3A_500 : vector<128xf32> to vector<128x1xf32>
    %gt3A_502 = vector.broadcast %broadcast_in_dim3A_501 : vector<128x1xf32> to vector<128x512xf32>
    %gt3A_503 = arith.cmpf ogt, %add3A_53, %gt3A_502 : vector<128x512xf32>
    %jit3A_504 = arith.constant 1.536000e+03 : f32
    %broadcast_in_dim3A_505 = vector.broadcast %jit3A_504 : f32 to vector<128x512xf32>
    %select_n3A_506 = arith.select %gt3A_503, %add3A_53, %broadcast_in_dim3A_505 : vector<128x512xi1>, vector<128x512xf32>
    %reduce_min3A_507 = arith.constant dense<0x7F800000> : vector<128xf32>
    %reduce_min3A_508 = vector.multi_reduction <minimumf>, %select_n3A_506, %reduce_min3A_507 [1] : vector<128x512xf32> to vector<128xf32>
    %broadcast_in_dim3A_509 = vector.shape_cast %reduce_min3A_508 : vector<128xf32> to vector<128x1xf32>
    %gt3A_510 = vector.broadcast %broadcast_in_dim3A_509 : vector<128x1xf32> to vector<128x512xf32>
    %gt3A_511 = arith.cmpf ogt, %add3A_53, %gt3A_510 : vector<128x512xf32>
    %jit3A_512 = arith.constant 1.536000e+03 : f32
    %broadcast_in_dim3A_513 = vector.broadcast %jit3A_512 : f32 to vector<128x512xf32>
    %select_n3A_514 = arith.select %gt3A_511, %add3A_53, %broadcast_in_dim3A_513 : vector<128x512xi1>, vector<128x512xf32>
    %reduce_min3A_515 = arith.constant dense<0x7F800000> : vector<128xf32>
    %reduce_min3A_516 = vector.multi_reduction <minimumf>, %select_n3A_514, %reduce_min3A_515 [1] : vector<128x512xf32> to vector<128xf32>
    %broadcast_in_dim3A_517 = vector.shape_cast %reduce_min3A_516 : vector<128xf32> to vector<128x1xf32>
    %gt3A_518 = vector.broadcast %broadcast_in_dim3A_517 : vector<128x1xf32> to vector<128x512xf32>
    %gt3A_519 = arith.cmpf ogt, %add3A_53, %gt3A_518 : vector<128x512xf32>
    %jit3A_520 = arith.constant 1.536000e+03 : f32
    %broadcast_in_dim3A_521 = vector.broadcast %jit3A_520 : f32 to vector<128x512xf32>
    %select_n3A_522 = arith.select %gt3A_519, %add3A_53, %broadcast_in_dim3A_521 : vector<128x512xi1>, vector<128x512xf32>
    %reduce_min3A_523 = arith.constant dense<0x7F800000> : vector<128xf32>
    %reduce_min3A_524 = vector.multi_reduction <minimumf>, %select_n3A_522, %reduce_min3A_523 [1] : vector<128x512xf32> to vector<128xf32>
    %broadcast_in_dim3A_525 = vector.shape_cast %reduce_min3A_524 : vector<128xf32> to vector<128x1xf32>
    %gt3A_526 = vector.broadcast %broadcast_in_dim3A_525 : vector<128x1xf32> to vector<128x512xf32>
    %gt3A_527 = arith.cmpf ogt, %add3A_53, %gt3A_526 : vector<128x512xf32>
    %jit3A_528 = arith.constant 1.536000e+03 : f32
    %broadcast_in_dim3A_529 = vector.broadcast %jit3A_528 : f32 to vector<128x512xf32>
    %select_n3A_530 = arith.select %gt3A_527, %add3A_53, %broadcast_in_dim3A_529 : vector<128x512xi1>, vector<128x512xf32>
    %reduce_min3A_531 = arith.constant dense<0x7F800000> : vector<128xf32>
    %reduce_min3A_532 = vector.multi_reduction <minimumf>, %select_n3A_530, %reduce_min3A_531 [1] : vector<128x512xf32> to vector<128xf32>
    %broadcast_in_dim3A_533 = vector.shape_cast %reduce_min3A_532 : vector<128xf32> to vector<128x1xf32>
    %gt3A_534 = vector.broadcast %broadcast_in_dim3A_533 : vector<128x1xf32> to vector<128x512xf32>
    %gt3A_535 = arith.cmpf ogt, %add3A_53, %gt3A_534 : vector<128x512xf32>
    %jit3A_536 = arith.constant 1.536000e+03 : f32
    %broadcast_in_dim3A_537 = vector.broadcast %jit3A_536 : f32 to vector<128x512xf32>
    %select_n3A_538 = arith.select %gt3A_535, %add3A_53, %broadcast_in_dim3A_537 : vector<128x512xi1>, vector<128x512xf32>
    %reduce_min3A_539 = arith.constant dense<0x7F800000> : vector<128xf32>
    %reduce_min3A_540 = vector.multi_reduction <minimumf>, %select_n3A_538, %reduce_min3A_539 [1] : vector<128x512xf32> to vector<128xf32>
    %broadcast_in_dim3A_541 = vector.shape_cast %reduce_min3A_540 : vector<128xf32> to vector<128x1xf32>
    %gt3A_542 = vector.broadcast %broadcast_in_dim3A_541 : vector<128x1xf32> to vector<128x512xf32>
    %gt3A_543 = arith.cmpf ogt, %add3A_53, %gt3A_542 : vector<128x512xf32>
    %jit3A_544 = arith.constant 1.536000e+03 : f32
    %broadcast_in_dim3A_545 = vector.broadcast %jit3A_544 : f32 to vector<128x512xf32>
    %select_n3A_546 = arith.select %gt3A_543, %add3A_53, %broadcast_in_dim3A_545 : vector<128x512xi1>, vector<128x512xf32>
    %reduce_min3A_547 = arith.constant dense<0x7F800000> : vector<128xf32>
    %reduce_min3A_548 = vector.multi_reduction <minimumf>, %select_n3A_546, %reduce_min3A_547 [1] : vector<128x512xf32> to vector<128xf32>
    %broadcast_in_dim3A_549 = vector.shape_cast %reduce_min3A_548 : vector<128xf32> to vector<128x1xf32>
    %gt3A_550 = vector.broadcast %broadcast_in_dim3A_549 : vector<128x1xf32> to vector<128x512xf32>
    %gt3A_551 = arith.cmpf ogt, %add3A_53, %gt3A_550 : vector<128x512xf32>
    %jit3A_552 = arith.constant 1.536000e+03 : f32
    %broadcast_in_dim3A_553 = vector.broadcast %jit3A_552 : f32 to vector<128x512xf32>
    %select_n3A_554 = arith.select %gt3A_551, %add3A_53, %broadcast_in_dim3A_553 : vector<128x512xi1>, vector<128x512xf32>
    %reduce_min3A_555 = arith.constant dense<0x7F800000> : vector<128xf32>
    %reduce_min3A_556 = vector.multi_reduction <minimumf>, %select_n3A_554, %reduce_min3A_555 [1] : vector<128x512xf32> to vector<128xf32>
    %broadcast_in_dim3A_557 = vector.shape_cast %reduce_min3A_556 : vector<128xf32> to vector<128x1xf32>
    %concatenate3A = tpu.concatenate %broadcast_in_dim3A_55, %broadcast_in_dim3A_61, %broadcast_in_dim3A_69, %broadcast_in_dim3A_77, %broadcast_in_dim3A_85, %broadcast_in_dim3A_93, %broadcast_in_dim3A_101, %broadcast_in_dim3A_109, %broadcast_in_dim3A_117, %broadcast_in_dim3A_125, %broadcast_in_dim3A_133, %broadcast_in_dim3A_141, %broadcast_in_dim3A_149, %broadcast_in_dim3A_157, %broadcast_in_dim3A_165, %broadcast_in_dim3A_173, %broadcast_in_dim3A_181, %broadcast_in_dim3A_189, %broadcast_in_dim3A_197, %broadcast_in_dim3A_205, %broadcast_in_dim3A_213, %broadcast_in_dim3A_221, %broadcast_in_dim3A_229, %broadcast_in_dim3A_237, %broadcast_in_dim3A_245, %broadcast_in_dim3A_253, %broadcast_in_dim3A_261, %broadcast_in_dim3A_269, %broadcast_in_dim3A_277, %broadcast_in_dim3A_285, %broadcast_in_dim3A_293, %broadcast_in_dim3A_301, %broadcast_in_dim3A_309, %broadcast_in_dim3A_317, %broadcast_in_dim3A_325, %broadcast_in_dim3A_333, %broadcast_in_dim3A_341, %broadcast_in_dim3A_349, %broadcast_in_dim3A_357, %broadcast_in_dim3A_365, %broadcast_in_dim3A_373, %broadcast_in_dim3A_381, %broadcast_in_dim3A_389, %broadcast_in_dim3A_397, %broadcast_in_dim3A_405, %broadcast_in_dim3A_413, %broadcast_in_dim3A_421, %broadcast_in_dim3A_429, %broadcast_in_dim3A_437, %broadcast_in_dim3A_445, %broadcast_in_dim3A_453, %broadcast_in_dim3A_461, %broadcast_in_dim3A_469, %broadcast_in_dim3A_477, %broadcast_in_dim3A_485, %broadcast_in_dim3A_493, %broadcast_in_dim3A_501, %broadcast_in_dim3A_509, %broadcast_in_dim3A_517, %broadcast_in_dim3A_525, %broadcast_in_dim3A_533, %broadcast_in_dim3A_541, %broadcast_in_dim3A_549, %broadcast_in_dim3A_557 in 1 : vector<128x1xf32>, vector<128x1xf32>, vector<128x1xf32>, vector<128x1xf32>, vector<128x1xf32>, vector<128x1xf32>, vector<128x1xf32>, vector<128x1xf32>, vector<128x1xf32>, vector<128x1xf32>, vector<128x1xf32>, vector<128x1xf32>, vector<128x1xf32>, vector<128x1xf32>, vector<128x1xf32>, vector<128x1xf32>, vector<128x1xf32>, vector<128x1xf32>, vector<128x1xf32>, vector<128x1xf32>, vector<128x1xf32>, vector<128x1xf32>, vector<128x1xf32>, vector<128x1xf32>, vector<128x1xf32>, vector<128x1xf32>, vector<128x1xf32>, vector<128x1xf32>, vector<128x1xf32>, vector<128x1xf32>, vector<128x1xf32>, vector<128x1xf32>, vector<128x1xf32>, vector<128x1xf32>, vector<128x1xf32>, vector<128x1xf32>, vector<128x1xf32>, vector<128x1xf32>, vector<128x1xf32>, vector<128x1xf32>, vector<128x1xf32>, vector<128x1xf32>, vector<128x1xf32>, vector<128x1xf32>, vector<128x1xf32>, vector<128x1xf32>, vector<128x1xf32>, vector<128x1xf32>, vector<128x1xf32>, vector<128x1xf32>, vector<128x1xf32>, vector<128x1xf32>, vector<128x1xf32>, vector<128x1xf32>, vector<128x1xf32>, vector<128x1xf32>, vector<128x1xf32>, vector<128x1xf32>, vector<128x1xf32>, vector<128x1xf32>, vector<128x1xf32>, vector<128x1xf32>, vector<128x1xf32>, vector<128x1xf32> -> vector<128x64xf32>
    %ge3A = arith.constant 5.120000e+02 : f32
    %ge3A_558 = vector.broadcast %ge3A : f32 to vector<128x64xf32>
    %ge3A_559 = arith.cmpf oge, %concatenate3A, %ge3A_558 : vector<128x64xf32>
    %convert_element_type3A_560 = arith.extui %ge3A_559 : vector<128x64xi1> to vector<128x64xi32>
    %convert_element_type3A_561 = arith.sitofp %convert_element_type3A_560 : vector<128x64xi32> to vector<128x64xf32>
    %slice3A = vector.extract_strided_slice %concatenate3A {offsets = [0, 0], sizes = [128, 1], strides = [1, 1]} : vector<128x64xf32> to vector<128x1xf32>
    %sub3A_562 = vector.broadcast %slice3A : vector<128x1xf32> to vector<128x64xf32>
    %sub3A_563 = arith.subf %sub3A_562, %concatenate3A : vector<128x64xf32>
    %mul3A_564 = arith.mulf %convert_element_type3A_561, %sub3A_563 : vector<128x64xf32>
    %add3A_565 = arith.addf %concatenate3A, %mul3A_564 : vector<128x64xf32>
    %convert_element_type3A_566 = arith.fptosi %add3A_565 : vector<128x64xf32> to vector<128x64xi32>
    %mul3A_567 = arith.constant 512 : i32
    %mul3A_568 = arith.muli %arg0, %mul3A_567 : i32
    %add3A_569 = vector.broadcast %mul3A_568 : i32 to vector<128x64xi32>
    %add3A_570 = arith.addi %convert_element_type3A_566, %add3A_569 : vector<128x64xi32>
    %swap3A_571 = arith.constant 0 : index
    %swap3A_572 = arith.constant 0 : index
    %swap3A_573 = arith.constant 0 : index
    %swap3A_574 = vector.load %arg4[%swap3A_571, %swap3A_572, %swap3A_573] : memref<1x128x64xi32, #tpu.memory_space<vmem>>, vector<1x128x64xi32>
    %swap3A_575 = vector.shape_cast %swap3A_574 : vector<1x128x64xi32> to vector<128x64xi32>
    %swap3A_576 = vector.shape_cast %add3A_570 : vector<128x64xi32> to vector<1x128x64xi32>
    tpu.vector_store %arg4[%swap3A_571, %swap3A_572, %swap3A_573], %swap3A_576 {strides = array<i32>} : memref<1x128x64xi32, #tpu.memory_space<vmem>>, vector<1x128x64xi32>,
    return
  }
  func.func @transform_0(%arg0: i32, %arg1: i32) -> (i32, i32, i32) {
    %c0_i32 = arith.constant 0 : i32
    %c0_i32_0 = arith.constant 0 : i32
    %c0_i32_1 = arith.constant 0 : i32
    return %arg0, %c0_i32, %c0_i32_0 : i32, i32, i32
  }
  func.func @transform_1(%arg0: i32, %arg1: i32) -> (i32, i32, i32) {
    %c0_i32 = arith.constant 0 : i32
    %c0_i32_0 = arith.constant 0 : i32
    return %arg0, %arg1, %c0_i32 : i32, i32, i32
  }
  func.func @transform_2(%arg0: i32, %arg1: i32) -> (i32, i32, i32) {
    %c0_i32 = arith.constant 0 : i32
    %c0_i32_0 = arith.constant 0 : i32
    return %arg0, %arg1, %c0_i32 : i32, i32, i32
  }
}

module attributes {stable_mosaic.version = 14 : i64} {
  func.func @_mlp_pool_body(%arg0: i32, %arg1: i32, %arg2: memref<1x128x64x256xf32, #tpu.memory_space<vmem>>, %arg3: memref<1x128x256xf32, #tpu.memory_space<vmem>>, %arg4: memref<128x131xf32, #tpu.memory_space<vmem>>, %arg5: memref<1x128xf32, #tpu.memory_space<vmem>>, %arg6: memref<128x128xf32, #tpu.memory_space<vmem>>, %arg7: memref<1x128xf32, #tpu.memory_space<vmem>>, %arg8: memref<256x128xf32, #tpu.memory_space<vmem>>, %arg9: memref<1x256xf32, #tpu.memory_space<vmem>>, %arg10: memref<1x128x256xf32, #tpu.memory_space<vmem>>) attributes {dimension_semantics = [#tpu.dimension_semantics<parallel>, #tpu.dimension_semantics<parallel>], iteration_bounds = array<i64: 8, 1>, scalar_prefetch = 0 : i64, scratch_operands = 0 : i64, tpu.core_type = #tpu.core_type<tc>, window_params = [{transform_indices = @transform_0, window_bounds = array<i64: 1, 128, 64, 256>}, {transform_indices = @transform_1, window_bounds = array<i64: 1, 128, 256>}, {pipeline_mode = #tpu.pipeline_mode<synchronous>, transform_indices = @transform_2, window_bounds = array<i64: 128, 131>}, {pipeline_mode = #tpu.pipeline_mode<synchronous>, transform_indices = @transform_3, window_bounds = array<i64: 1, 128>}, {pipeline_mode = #tpu.pipeline_mode<synchronous>, transform_indices = @transform_4, window_bounds = array<i64: 128, 128>}, {pipeline_mode = #tpu.pipeline_mode<synchronous>, transform_indices = @transform_5, window_bounds = array<i64: 1, 128>}, {pipeline_mode = #tpu.pipeline_mode<synchronous>, transform_indices = @transform_6, window_bounds = array<i64: 256, 128>}, {pipeline_mode = #tpu.pipeline_mode<synchronous>, transform_indices = @transform_7, window_bounds = array<i64: 1, 256>}, {transform_indices = @transform_8, window_bounds = array<i64: 1, 128, 256>}]} {
    %get3A = arith.constant 0 : index
    %get3A_0 = arith.constant 0 : index
    %get3A_1 = arith.constant 0 : index
    %get3A_2 = arith.constant 0 : index
    %get3A_3 = vector.load %arg2[%get3A, %get3A_0, %get3A_1, %get3A_2] : memref<1x128x64x256xf32, #tpu.memory_space<vmem>>, vector<1x128x64x256xf32>
    %get3A_4 = vector.shape_cast %get3A_3 : vector<1x128x64x256xf32> to vector<128x64x256xf32>
    %get3A_5 = arith.constant 0 : index
    %get3A_6 = arith.constant 0 : index
    %get3A_7 = arith.constant 0 : index
    %get3A_8 = vector.load %arg3[%get3A_5, %get3A_6, %get3A_7] : memref<1x128x256xf32, #tpu.memory_space<vmem>>, vector<1x128x256xf32>
    %get3A_9 = vector.shape_cast %get3A_8 : vector<1x128x256xf32> to vector<128x256xf32>
    %slice3A = vector.extract_strided_slice %get3A_9 {offsets = [0, 0], sizes = [128, 3], strides = [1, 1]} : vector<128x256xf32> to vector<128x3xf32>
    %slice3A_10 = vector.extract_strided_slice %get3A_4 {offsets = [0, 0, 0], sizes = [128, 64, 3], strides = [1, 1, 1]} : vector<128x64x256xf32> to vector<128x64x3xf32>
    %broadcast_in_dim3A = vector.shape_cast %slice3A : vector<128x3xf32> to vector<128x1x3xf32>
    %sub3A = vector.broadcast %broadcast_in_dim3A : vector<128x1x3xf32> to vector<128x64x3xf32>
    %sub3A_11 = arith.subf %slice3A_10, %sub3A : vector<128x64x3xf32>
    %slice3A_12 = vector.extract_strided_slice %get3A_4 {offsets = [0, 0, 3], sizes = [128, 64, 128], strides = [1, 1, 1]} : vector<128x64x256xf32> to vector<128x64x128xf32>
    %concatenate3A = tpu.concatenate %sub3A_11, %slice3A_12 in 2 : vector<128x64x3xf32>, vector<128x64x128xf32> -> vector<128x64x131xf32>
    %reshape3A = vector.shape_cast %concatenate3A : vector<128x64x131xf32> to vector<8192x131xf32>
    %get3A_13 = arith.constant 0 : index
    %get3A_14 = arith.constant 0 : index
    %get3A_15 = vector.load %arg4[%get3A_13, %get3A_14] : memref<128x131xf32, #tpu.memory_space<vmem>>, vector<128x131xf32>
    %dot_general3A = arith.constant dense<0.000000e+00> : vector<8192x128xf32>
    %dot_general3A_16 = tpu.matmul %reshape3A, %get3A_15, %dot_general3A {dimension_numbers = #tpu.dot_dimension_numbers<[1], [1], [0], [0], [0, 0, 1, 0], [], []>, transpose_lhs_hint = false} : vector<8192x131xf32>, vector<128x131xf32>, vector<8192x128xf32> -> vector<8192x128xf32>
    %get3A_17 = arith.constant 0 : index
    %get3A_18 = arith.constant 0 : index
    %get3A_19 = vector.load %arg5[%get3A_17, %get3A_18] : memref<1x128xf32, #tpu.memory_space<vmem>>, vector<1x128xf32>
    %add3A = vector.broadcast %get3A_19 : vector<1x128xf32> to vector<8192x128xf32>
    %add3A_20 = arith.addf %dot_general3A_16, %add3A : vector<8192x128xf32>
    %max3A = arith.constant 0.000000e+00 : f32
    %max3A_21 = vector.broadcast %max3A : f32 to vector<8192x128xf32>
    %max3A_22 = arith.maximumf %add3A_20, %max3A_21 : vector<8192x128xf32>
    %get3A_23 = arith.constant 0 : index
    %get3A_24 = arith.constant 0 : index
    %get3A_25 = vector.load %arg6[%get3A_23, %get3A_24] : memref<128x128xf32, #tpu.memory_space<vmem>>, vector<128x128xf32>
    %dot_general3A_26 = arith.constant dense<0.000000e+00> : vector<8192x128xf32>
    %dot_general3A_27 = tpu.matmul %max3A_22, %get3A_25, %dot_general3A_26 {dimension_numbers = #tpu.dot_dimension_numbers<[1], [1], [0], [0], [0, 0, 1, 0], [], []>, transpose_lhs_hint = false} : vector<8192x128xf32>, vector<128x128xf32>, vector<8192x128xf32> -> vector<8192x128xf32>
    %get3A_28 = arith.constant 0 : index
    %get3A_29 = arith.constant 0 : index
    %get3A_30 = vector.load %arg7[%get3A_28, %get3A_29] : memref<1x128xf32, #tpu.memory_space<vmem>>, vector<1x128xf32>
    %add3A_31 = vector.broadcast %get3A_30 : vector<1x128xf32> to vector<8192x128xf32>
    %add3A_32 = arith.addf %dot_general3A_27, %add3A_31 : vector<8192x128xf32>
    %max3A_33 = arith.constant 0.000000e+00 : f32
    %max3A_34 = vector.broadcast %max3A_33 : f32 to vector<8192x128xf32>
    %max3A_35 = arith.maximumf %add3A_32, %max3A_34 : vector<8192x128xf32>
    %get3A_36 = arith.constant 0 : index
    %get3A_37 = arith.constant 0 : index
    %get3A_38 = vector.load %arg8[%get3A_36, %get3A_37] : memref<256x128xf32, #tpu.memory_space<vmem>>, vector<256x128xf32>
    %dot_general3A_39 = arith.constant dense<0.000000e+00> : vector<8192x256xf32>
    %dot_general3A_40 = tpu.matmul %max3A_35, %get3A_38, %dot_general3A_39 {dimension_numbers = #tpu.dot_dimension_numbers<[1], [1], [0], [0], [0, 0, 1, 0], [], []>, transpose_lhs_hint = false} : vector<8192x128xf32>, vector<256x128xf32>, vector<8192x256xf32> -> vector<8192x256xf32>
    %get3A_41 = arith.constant 0 : index
    %get3A_42 = arith.constant 0 : index
    %get3A_43 = vector.load %arg9[%get3A_41, %get3A_42] : memref<1x256xf32, #tpu.memory_space<vmem>>, vector<1x256xf32>
    %add3A_44 = vector.broadcast %get3A_43 : vector<1x256xf32> to vector<8192x256xf32>
    %add3A_45 = arith.addf %dot_general3A_40, %add3A_44 : vector<8192x256xf32>
    %max3A_46 = arith.constant 0.000000e+00 : f32
    %max3A_47 = vector.broadcast %max3A_46 : f32 to vector<8192x256xf32>
    %max3A_48 = arith.maximumf %add3A_45, %max3A_47 : vector<8192x256xf32>
    %reshape3A_49 = vector.shape_cast %max3A_48 : vector<8192x256xf32> to vector<128x64x256xf32>
    %reduce_max3A = arith.constant dense<0xFF800000> : vector<128x256xf32>
    %reduce_max3A_50 = vector.multi_reduction <maximumf>, %reshape3A_49, %reduce_max3A [1] : vector<128x64x256xf32> to vector<128x256xf32>
    %swap3A = arith.constant 0 : index
    %swap3A_51 = arith.constant 0 : index
    %swap3A_52 = arith.constant 0 : index
    %swap3A_53 = vector.load %arg10[%swap3A, %swap3A_51, %swap3A_52] : memref<1x128x256xf32, #tpu.memory_space<vmem>>, vector<1x128x256xf32>
    %swap3A_54 = vector.shape_cast %swap3A_53 : vector<1x128x256xf32> to vector<128x256xf32>
    %swap3A_55 = vector.shape_cast %reduce_max3A_50 : vector<128x256xf32> to vector<1x128x256xf32>
    tpu.vector_store %arg10[%swap3A, %swap3A_51, %swap3A_52], %swap3A_55 {strides = array<i32>} : memref<1x128x256xf32, #tpu.memory_space<vmem>>, vector<1x128x256xf32>,
    return
  }
  func.func @transform_0(%arg0: i32, %arg1: i32) -> (i32, i32, i32, i32) {
    %c0_i32 = arith.constant 0 : i32
    %c0_i32_0 = arith.constant 0 : i32
    %c0_i32_1 = arith.constant 0 : i32
    return %arg0, %arg1, %c0_i32, %c0_i32_0 : i32, i32, i32, i32
  }
  func.func @transform_1(%arg0: i32, %arg1: i32) -> (i32, i32, i32) {
    %c0_i32 = arith.constant 0 : i32
    %c0_i32_0 = arith.constant 0 : i32
    return %arg0, %arg1, %c0_i32 : i32, i32, i32
  }
  func.func @transform_2(%arg0: i32, %arg1: i32) -> (i32, i32) {
    %c0_i32 = arith.constant 0 : i32
    %c0_i32_0 = arith.constant 0 : i32
    %c0_i32_1 = arith.constant 0 : i32
    return %c0_i32, %c0_i32_0 : i32, i32
  }
  func.func @transform_3(%arg0: i32, %arg1: i32) -> (i32, i32) {
    %c0_i32 = arith.constant 0 : i32
    %c0_i32_0 = arith.constant 0 : i32
    %c0_i32_1 = arith.constant 0 : i32
    return %c0_i32, %c0_i32_0 : i32, i32
  }
  func.func @transform_4(%arg0: i32, %arg1: i32) -> (i32, i32) {
    %c0_i32 = arith.constant 0 : i32
    %c0_i32_0 = arith.constant 0 : i32
    %c0_i32_1 = arith.constant 0 : i32
    return %c0_i32, %c0_i32_0 : i32, i32
  }
  func.func @transform_5(%arg0: i32, %arg1: i32) -> (i32, i32) {
    %c0_i32 = arith.constant 0 : i32
    %c0_i32_0 = arith.constant 0 : i32
    %c0_i32_1 = arith.constant 0 : i32
    return %c0_i32, %c0_i32_0 : i32, i32
  }
  func.func @transform_6(%arg0: i32, %arg1: i32) -> (i32, i32) {
    %c0_i32 = arith.constant 0 : i32
    %c0_i32_0 = arith.constant 0 : i32
    %c0_i32_1 = arith.constant 0 : i32
    return %c0_i32, %c0_i32_0 : i32, i32
  }
  func.func @transform_7(%arg0: i32, %arg1: i32) -> (i32, i32) {
    %c0_i32 = arith.constant 0 : i32
    %c0_i32_0 = arith.constant 0 : i32
    %c0_i32_1 = arith.constant 0 : i32
    return %c0_i32, %c0_i32_0 : i32, i32
  }
  func.func @transform_8(%arg0: i32, %arg1: i32) -> (i32, i32, i32) {
    %c0_i32 = arith.constant 0 : i32
    %c0_i32_0 = arith.constant 0 : i32
    return %arg0, %arg1, %c0_i32 : i32, i32, i32
  }
}

module attributes {stable_mosaic.version = 14 : i64} {
  func.func @_global_mlp_body(%arg0: i32, %arg1: memref<1x128x256xf32, #tpu.memory_space<vmem>>, %arg2: memref<1x128x256xf32, #tpu.memory_space<vmem>>, %arg3: memref<256x259xf32, #tpu.memory_space<vmem>>, %arg4: memref<1x256xf32, #tpu.memory_space<vmem>>, %arg5: memref<512x256xf32, #tpu.memory_space<vmem>>, %arg6: memref<1x512xf32, #tpu.memory_space<vmem>>, %arg7: memref<1024x512xf32, #tpu.memory_space<vmem>>, %arg8: memref<1x1024xf32, #tpu.memory_space<vmem>>, %arg9: memref<1x1x1024xf32, #tpu.memory_space<vmem>>) attributes {dimension_semantics = [#tpu.dimension_semantics<parallel>], iteration_bounds = array<i64: 8>, scalar_prefetch = 0 : i64, scratch_operands = 0 : i64, tpu.core_type = #tpu.core_type<tc>, window_params = [{transform_indices = @transform_0, window_bounds = array<i64: 1, 128, 256>}, {transform_indices = @transform_1, window_bounds = array<i64: 1, 128, 256>}, {pipeline_mode = #tpu.pipeline_mode<synchronous>, transform_indices = @transform_2, window_bounds = array<i64: 256, 259>}, {pipeline_mode = #tpu.pipeline_mode<synchronous>, transform_indices = @transform_3, window_bounds = array<i64: 1, 256>}, {pipeline_mode = #tpu.pipeline_mode<synchronous>, transform_indices = @transform_4, window_bounds = array<i64: 512, 256>}, {pipeline_mode = #tpu.pipeline_mode<synchronous>, transform_indices = @transform_5, window_bounds = array<i64: 1, 512>}, {pipeline_mode = #tpu.pipeline_mode<synchronous>, transform_indices = @transform_6, window_bounds = array<i64: 1024, 512>}, {pipeline_mode = #tpu.pipeline_mode<synchronous>, transform_indices = @transform_7, window_bounds = array<i64: 1, 1024>}, {transform_indices = @transform_8, window_bounds = array<i64: 1, 1, 1024>}]} {
    %get3A = arith.constant 0 : index
    %get3A_0 = arith.constant 0 : index
    %get3A_1 = arith.constant 0 : index
    %get3A_2 = vector.load %arg1[%get3A, %get3A_0, %get3A_1] : memref<1x128x256xf32, #tpu.memory_space<vmem>>, vector<1x128x256xf32>
    %get3A_3 = vector.shape_cast %get3A_2 : vector<1x128x256xf32> to vector<128x256xf32>
    %slice3A = vector.extract_strided_slice %get3A_3 {offsets = [0, 0], sizes = [128, 3], strides = [1, 1]} : vector<128x256xf32> to vector<128x3xf32>
    %get3A_4 = arith.constant 0 : index
    %get3A_5 = arith.constant 0 : index
    %get3A_6 = arith.constant 0 : index
    %get3A_7 = vector.load %arg2[%get3A_4, %get3A_5, %get3A_6] : memref<1x128x256xf32, #tpu.memory_space<vmem>>, vector<1x128x256xf32>
    %get3A_8 = vector.shape_cast %get3A_7 : vector<1x128x256xf32> to vector<128x256xf32>
    %concatenate3A = tpu.concatenate %slice3A, %get3A_8 in 1 : vector<128x3xf32>, vector<128x256xf32> -> vector<128x259xf32>
    %get3A_9 = arith.constant 0 : index
    %get3A_10 = arith.constant 0 : index
    %get3A_11 = vector.load %arg3[%get3A_9, %get3A_10] : memref<256x259xf32, #tpu.memory_space<vmem>>, vector<256x259xf32>
    %dot_general3A = arith.constant dense<0.000000e+00> : vector<128x256xf32>
    %dot_general3A_12 = tpu.matmul %concatenate3A, %get3A_11, %dot_general3A {dimension_numbers = #tpu.dot_dimension_numbers<[1], [1], [0], [0], [0, 0, 1, 0], [], []>, transpose_lhs_hint = false} : vector<128x259xf32>, vector<256x259xf32>, vector<128x256xf32> -> vector<128x256xf32>
    %get3A_13 = arith.constant 0 : index
    %get3A_14 = arith.constant 0 : index
    %get3A_15 = vector.load %arg4[%get3A_13, %get3A_14] : memref<1x256xf32, #tpu.memory_space<vmem>>, vector<1x256xf32>
    %add3A = vector.broadcast %get3A_15 : vector<1x256xf32> to vector<128x256xf32>
    %add3A_16 = arith.addf %dot_general3A_12, %add3A : vector<128x256xf32>
    %max3A = arith.constant 0.000000e+00 : f32
    %max3A_17 = vector.broadcast %max3A : f32 to vector<128x256xf32>
    %max3A_18 = arith.maximumf %add3A_16, %max3A_17 : vector<128x256xf32>
    %get3A_19 = arith.constant 0 : index
    %get3A_20 = arith.constant 0 : index
    %get3A_21 = vector.load %arg5[%get3A_19, %get3A_20] : memref<512x256xf32, #tpu.memory_space<vmem>>, vector<512x256xf32>
    %dot_general3A_22 = arith.constant dense<0.000000e+00> : vector<128x512xf32>
    %dot_general3A_23 = tpu.matmul %max3A_18, %get3A_21, %dot_general3A_22 {dimension_numbers = #tpu.dot_dimension_numbers<[1], [1], [0], [0], [0, 0, 1, 0], [], []>, transpose_lhs_hint = false} : vector<128x256xf32>, vector<512x256xf32>, vector<128x512xf32> -> vector<128x512xf32>
    %get3A_24 = arith.constant 0 : index
    %get3A_25 = arith.constant 0 : index
    %get3A_26 = vector.load %arg6[%get3A_24, %get3A_25] : memref<1x512xf32, #tpu.memory_space<vmem>>, vector<1x512xf32>
    %add3A_27 = vector.broadcast %get3A_26 : vector<1x512xf32> to vector<128x512xf32>
    %add3A_28 = arith.addf %dot_general3A_23, %add3A_27 : vector<128x512xf32>
    %max3A_29 = arith.constant 0.000000e+00 : f32
    %max3A_30 = vector.broadcast %max3A_29 : f32 to vector<128x512xf32>
    %max3A_31 = arith.maximumf %add3A_28, %max3A_30 : vector<128x512xf32>
    %get3A_32 = arith.constant 0 : index
    %get3A_33 = arith.constant 0 : index
    %get3A_34 = vector.load %arg7[%get3A_32, %get3A_33] : memref<1024x512xf32, #tpu.memory_space<vmem>>, vector<1024x512xf32>
    %dot_general3A_35 = arith.constant dense<0.000000e+00> : vector<128x1024xf32>
    %dot_general3A_36 = tpu.matmul %max3A_31, %get3A_34, %dot_general3A_35 {dimension_numbers = #tpu.dot_dimension_numbers<[1], [1], [0], [0], [0, 0, 1, 0], [], []>, transpose_lhs_hint = false} : vector<128x512xf32>, vector<1024x512xf32>, vector<128x1024xf32> -> vector<128x1024xf32>
    %get3A_37 = arith.constant 0 : index
    %get3A_38 = arith.constant 0 : index
    %get3A_39 = vector.load %arg8[%get3A_37, %get3A_38] : memref<1x1024xf32, #tpu.memory_space<vmem>>, vector<1x1024xf32>
    %add3A_40 = vector.broadcast %get3A_39 : vector<1x1024xf32> to vector<128x1024xf32>
    %add3A_41 = arith.addf %dot_general3A_36, %add3A_40 : vector<128x1024xf32>
    %max3A_42 = arith.constant 0.000000e+00 : f32
    %max3A_43 = vector.broadcast %max3A_42 : f32 to vector<128x1024xf32>
    %max3A_44 = arith.maximumf %add3A_41, %max3A_43 : vector<128x1024xf32>
    %reduce_max3A = arith.constant dense<0xFF800000> : vector<1024xf32>
    %reduce_max3A_45 = vector.multi_reduction <maximumf>, %max3A_44, %reduce_max3A [0] : vector<128x1024xf32> to vector<1024xf32>
    %swap3A = arith.constant 0 : index
    %swap3A_46 = arith.constant 0 : index
    %swap3A_47 = arith.constant 0 : index
    %swap3A_48 = vector.load %arg9[%swap3A, %swap3A_46, %swap3A_47] : memref<1x1x1024xf32, #tpu.memory_space<vmem>>, vector<1x1x1024xf32>
    %swap3A_49 = vector.shape_cast %swap3A_48 : vector<1x1x1024xf32> to vector<1024xf32>
    %swap3A_50 = vector.shape_cast %reduce_max3A_45 : vector<1024xf32> to vector<1x1x1024xf32>
    tpu.vector_store %arg9[%swap3A, %swap3A_46, %swap3A_47], %swap3A_50 {strides = array<i32>} : memref<1x1x1024xf32, #tpu.memory_space<vmem>>, vector<1x1x1024xf32>,
    return
  }
  func.func @transform_0(%arg0: i32) -> (i32, i32, i32) {
    %c0_i32 = arith.constant 0 : i32
    %c0_i32_0 = arith.constant 0 : i32
    %c0_i32_1 = arith.constant 0 : i32
    return %arg0, %c0_i32, %c0_i32_0 : i32, i32, i32
  }
  func.func @transform_1(%arg0: i32) -> (i32, i32, i32) {
    %c0_i32 = arith.constant 0 : i32
    %c0_i32_0 = arith.constant 0 : i32
    %c0_i32_1 = arith.constant 0 : i32
    return %arg0, %c0_i32, %c0_i32_0 : i32, i32, i32
  }
  func.func @transform_2(%arg0: i32) -> (i32, i32) {
    %c0_i32 = arith.constant 0 : i32
    %c0_i32_0 = arith.constant 0 : i32
    %c0_i32_1 = arith.constant 0 : i32
    return %c0_i32, %c0_i32_0 : i32, i32
  }
  func.func @transform_3(%arg0: i32) -> (i32, i32) {
    %c0_i32 = arith.constant 0 : i32
    %c0_i32_0 = arith.constant 0 : i32
    %c0_i32_1 = arith.constant 0 : i32
    return %c0_i32, %c0_i32_0 : i32, i32
  }
  func.func @transform_4(%arg0: i32) -> (i32, i32) {
    %c0_i32 = arith.constant 0 : i32
    %c0_i32_0 = arith.constant 0 : i32
    %c0_i32_1 = arith.constant 0 : i32
    return %c0_i32, %c0_i32_0 : i32, i32
  }
  func.func @transform_5(%arg0: i32) -> (i32, i32) {
    %c0_i32 = arith.constant 0 : i32
    %c0_i32_0 = arith.constant 0 : i32
    %c0_i32_1 = arith.constant 0 : i32
    return %c0_i32, %c0_i32_0 : i32, i32
  }
  func.func @transform_6(%arg0: i32) -> (i32, i32) {
    %c0_i32 = arith.constant 0 : i32
    %c0_i32_0 = arith.constant 0 : i32
    %c0_i32_1 = arith.constant 0 : i32
    return %c0_i32, %c0_i32_0 : i32, i32
  }
  func.func @transform_7(%arg0: i32) -> (i32, i32) {
    %c0_i32 = arith.constant 0 : i32
    %c0_i32_0 = arith.constant 0 : i32
    %c0_i32_1 = arith.constant 0 : i32
    return %c0_i32, %c0_i32_0 : i32, i32
  }
  func.func @transform_8(%arg0: i32) -> (i32, i32, i32) {
    %c0_i32 = arith.constant 0 : i32
    %c0_i32_0 = arith.constant 0 : i32
    %c0_i32_1 = arith.constant 0 : i32
    return %arg0, %c0_i32, %c0_i32_0 : i32, i32, i32
  }
}

</mosaic_0001>

<sc_bundles>
// kernel: kernel.13.cloned.1.call-start
scs
__scs_entry_jumppad:
0x0: {  	(pc) =	sbr.rel $0x88, $3  }
0x1: {  	(tag) =	ssettag $0x0;
	lr =	simm.s32 $0x1  }
0x2: {  	[smem:$0x3F8E] =	sst lr;
	_ =	strace $0xD0000000  }
0x3: {  	_ = 	snop  }
0x4: {  	_ = 	snop  }
0x5: {  	_ = 	snop  }
0x6: {  	_ = 	snop  }
0x7: {  	_ = 	snop  }
__scs_overlays_trampoline_lowered:
0x8: {  	[smem:$0x3F9D] =	sst s0  }
0x9: {  	[smem:$0x3F9E] =	sst s1  }
0xa: {  	[smem:$0x3F9F] =	sst s2  }
0xb: {  	[smem:$0x3FA0] =	sst s3  }
0xc: {  	[smem:$0x3FA1] =	sst s4  }
0xd: {  	[smem:$0x3FA2] =	sst s5  }
0xe: {  	[smem:$0x3FA3] =	sst s6  }
0xf: {  	[smem:$0x3FA4] =	sst s7  }
0x10: {  	[smem:$0x3FA5] =	sst s8  }
0x11: {  	[smem:$0x3FA6] =	sst s9;
	s0 =	simm.s32 @!p0 $0x0  }
0x12: {  	s1 =	sld [smem:$0x3F8C];
	s0 =	simm.s32 @p0 $0x1  }
0x13: {  	[smem:$0x3FA7] =	sst s0;
	s0 =	simm.s32 @!p1 $0x0  }
0x14: {  	s2 =	sld [smem:$0x3F8B];
	s0 =	simm.s32 @p1 $0x1  }
0x15: {  	[smem:$0x3FA8] =	sst s0;
	s0 =	simm.s32 @!p2 $0x0  }
0x16: {  	s3 =	sld [smem:$0x3FDB];
	s0 =	simm.s32 @p2 $0x1  }
0x17: {  	s4 =	simm.s32 $0x1BF5;
	[smem:$0x3FAA] =	sst s0  }
0x18: {  	s0 =	sld [smem:$0x3F8D];
	_ =	swait.ge [sflag:s4], $0x0  }
0x19: {  	s7 =	sld [smem:$0x3F8E]  }
0x1a: {  	s8 =	sadd.s32 $0xFFFFE003, lr  }
0x1b: {  	s9 =	sadd.s32 $0xFFFFFEF7, lr;
	s5 =	simm.s32 $0xFFFFFFFF;
	p2 =	slt.u32 s8, $0xFFFFF086  }
0x1c: {  	p1 =	slt.u32 s9, $0xF7A;
	s5 =	simm.s32 @!p2 $0x0  }
0x1d: {  	s5 =	simm.s32 @p1 $0x1;
	p0 =	seq.s32 s7, s2  }
0x1e: {  	s7 =	smul.u32 @!p0 $0xF7A, s2;
	p2 =	seq.s32 @!p0 s5, $0x0  }
0x1f: {  	s9 =	smul.u32 $0xF7A, s1;
	s8 =	simm.s32 @!p0 $0x1BF5;
	p2 =	por !p2, p0  }
0x20: {  	[sflag:s8] =	ssyncset.s32 @!p0 $0xFFFFF086;
	s6 =	sadd.s32 @!p0 s3, s7;
	s7 =	simm.s32 @!p0 $0x108  }
0x21: {  	s3 =	sadd.s32 s3, s9;
	s6 =	sadd.s32 @!p0 $0x88, s6;
	s7 =	simm.s32 @p2 $0x1082  }
0x22: {  	[simem:s7], [sflag:s8] =	dma.local @!p0 [hbm:s6], $0xF7A  }
0x23: {  	s9 =	sor.u32 $0xD0000000, s2;
	s6 =	simm.s32 $0x108;
	_ =	swait.ge @!p0 [sflag:s8], $0x0  }
0x24: {  	s3 =	sadd.s32 $0x88, s3;
	s6 =	simm.s32 @!p1 $0x1082;
	[sflag:s4] =	ssyncset.s32 $0xFFFFF086  }
0x25: {  	[simem:s6], [sflag:s4] =	dma.local [hbm:s3], $0xF7A  }
0x26: {  	[smem:$0x3F8E] =	sst s1;
	(tag) =	ssettag s2;
	_ =	strace s9  }
0x27: {  	s1 =	sld [smem:$0x3F9E]  }
0x28: {  	s2 =	sld [smem:$0x3F9F]  }
0x29: {  	s4 =	sld [smem:$0x3FA1]  }
0x2a: {  	p0 =	seq.s32 s5, $0x0;
	s5 =	sld [smem:$0x3FA2]  }
0x2b: {  	s6 =	sld [smem:$0x3FA3]  }
0x2c: {  	s7 =	sld [smem:$0x3FA4]  }
0x2d: {  	s3 =	simm.s32 $0x108;
	s8 =	sld [smem:$0x3FA5]  }
0x2e: {  	s3 =	simm.s32 @!p0 $0x1082;
	s9 =	sld [smem:$0x3FA6]  }
0x2f: {  	lr =	sadd.s32 s0, s3;
	s0 =	sld [smem:$0x3F9D]  }
0x30: {  	s3 =	sld [smem:$0x3FA0]  }
0x31: {  	[smem:$0x3FA9] =	sst s10  }
0x32: {  	s10 =	sld [smem:$0x3FA7];
	_ =	sdelay $0x3  }
0x33: {  	p0 =	seq.s32 s10, $0x1;
	s10 =	sld [smem:$0x3FA9];
	_ =	sdelay $0x3  }
0x34: {  	[smem:$0x3FA9] =	sst s10  }
0x35: {  	s10 =	sld [smem:$0x3FA8];
	_ =	sdelay $0x3  }
0x36: {  	p1 =	seq.s32 s10, $0x1;
	s10 =	sld [smem:$0x3FA9];
	_ =	sdelay $0x3  }
0x37: {  	[smem:$0x3FA9] =	sst s10  }
0x38: {  	s10 =	sld [smem:$0x3FAA]  }
0x39: {  	_ = 	snop;
	(pc) =	sbr.ind lr, $3  }
0x3a: {  	_ = 	snop  }
0x3b: {  	_ = 	snop  }
0x3c: {  	p2 =	seq.s32 s10, $0x1;
	s10 =	sld [smem:$0x3FA9]  }
0x3d: {  	_ =	shalt  }
0x3e: {  	_ =	shalt  }
0x3f: {  	_ =	shalt  }
0x40: {  	_ =	shalt  }
0x41: {  	_ =	shalt  }
0x42: {  	_ =	shalt  }
0x43: {  	_ =	shalt  }
0x44: {  	_ =	shalt  }
0x45: {  	_ =	shalt  }
0x46: {  	_ =	shalt  }
0x47: {  	_ =	shalt  }
0x48: {  	_ =	shalt  }
0x49: {  	_ =	shalt  }
0x4a: {  	_ =	shalt  }
0x4b: {  	_ =	shalt  }
0x4c: {  	_ =	shalt  }
0x4d: {  	_ =	shalt  }
0x4e: {  	_ =	shalt  }
0x4f: {  	_ =	shalt  }
0x50: {  	_ =	shalt  }
0x51: {  	_ =	shalt  }
0x52: {  	_ =	shalt  }
0x53: {  	_ =	shalt  }
0x54: {  	_ =	shalt  }
0x55: {  	_ =	shalt  }
0x56: {  	_ =	shalt  }
0x57: {  	_ =	shalt  }
0x58: {  	_ =	shalt  }
0x59: {  	_ =	shalt  }
0x5a: {  	_ =	shalt  }
0x5b: {  	_ =	shalt  }
0x5c: {  	_ =	shalt  }
0x5d: {  	_ =	shalt  }
0x5e: {  	_ =	shalt  }
0x5f: {  	_ =	shalt  }
0x60: {  	_ =	shalt  }
0x61: {  	_ =	shalt  }
0x62: {  	_ =	shalt  }
0x63: {  	_ =	shalt  }
0x64: {  	_ =	shalt  }
0x65: {  	_ =	shalt  }
0x66: {  	_ =	shalt  }
0x67: {  	_ =	shalt  }
0x68: {  	_ =	shalt  }
0x69: {  	_ =	shalt  }
0x6a: {  	_ =	shalt  }
0x6b: {  	_ =	shalt  }
0x6c: {  	_ =	shalt  }
0x6d: {  	_ =	shalt  }
0x6e: {  	_ =	shalt  }
0x6f: {  	_ =	shalt  }
0x70: {  	_ =	shalt  }
0x71: {  	_ =	shalt  }
0x72: {  	_ =	shalt  }
0x73: {  	_ =	shalt  }
0x74: {  	_ =	shalt  }
0x75: {  	_ =	shalt  }
0x76: {  	_ =	shalt  }
0x77: {  	_ =	shalt  }
0x78: {  	_ =	shalt  }
0x79: {  	_ =	shalt  }
0x7a: {  	_ =	shalt  }
0x7b: {  	_ =	shalt  }
0x7c: {  	_ =	shalt  }
0x7d: {  	_ =	shalt  }
0x7e: {  	_ =	shalt  }
0x7f: {  	_ =	shalt  }
0x80: {  	_ =	shalt  }
0x81: {  	_ =	shalt  }
0x82: {  	_ =	shalt  }
0x83: {  	_ =	shalt  }
0x84: {  	_ =	shalt  }
0x85: {  	_ =	shalt  }
0x86: {  	_ =	shalt  }
0x87: {  	_ =	shalt  }
.Lfunc_end0:
.L_simem_size_0:
called_computation_lowered:
.L_overlay_start_0:
0x88: {  	s2 =	sld [smem:$0x3FD9]  }
0x89: {  	s3 =	sld [smem:$0x3FFE];
	_ =	sdelay $0x1  }
0x8a: {  	s1 =	srdreg.scid  }
0x8b: {  	s0 =	sand.u32 $0x1, s1  }
0x8c: {  	s17 =	sshll.u32 s0, $0xA;
	s2 =	sadd.s32 s3, s2  }
0x8d: {  	s2 =	sadd.s32 s2, s17  }
0x8e: {  	[smem:$0x3FB5] =	sst s2  }
0x8f: {  	_ = 	snop  }
0x90: {  	s2 =	sld [smem:$0x3FD0];
	(tm) =	ssettm $0x1  }
0x91: {  	s18 =	sld [smem:$0x3FFB];
	_ =	sdelay $0x3  }
0x92: {  	_ =	strace s18  }
0x93: {  	s3 =	sld [smem:$0x3FFC];
	_ =	sdelay $0x3  }
0x94: {  	_ =	strace s3  }
0x95: {  	s3 =	sld [smem:$0x3FFD];
	_ =	sdelay $0x3  }
0x96: {  	_ =	strace s3  }
0x97: {  	_ =	strace $0x8FFFFFFF  }
0x98: {  	s19 =	sld [smem:$0x3FDB];
	_ =	sdelay $0x1  }
0x99: {  	s4 =	simm.s32 $_scs_section_size  }
0x9a: {  	s5 =	simm.s32 $_size__tile_overlayer_lowered;
	s6 =	simm.s32 $_tile_overlayer_lowered  }
0x9b: {  	s22 =	simm.s32 $0x1BFF;
	s21 =	sshll.u32 s6, $0x1;
	s3 =	sadd.s32 s4, s19  }
0x9c: {  	s7 =	simm.s32 $0x0;
	s20 =	sshll.u32 s5, $0x1;
	s5 =	sadd.s32 s21, s3  }
0x9d: {  	[timem:s7], [sflag:s22] =	dma.local [hbm:s5], s20  }
0x9e: {  	_ =	swait.ge [sflag:s22], s20  }
0x9f: {  	s4 =	ssub.s32 $0x0, s20;
	[sflag:s22] =	ssyncset.done $0x0  }
0xa0: {  	[sflag:s22] =	ssyncadd.s32 s4;
	_ =	sdelay $0x1  }
0xa1: {  	s23 =	simm.s32 $0x1B8B  }
0xa2: {  	_ =	swait.ge [sflag:s23], $0x1  }
0xa3: {  	[sflag:s23] =	ssyncset.done $0x0  }
0xa4: {  	s25 =	simm.s32 $0x1B8E;
	s24 =	sld [smem:$0x3FFE];
	[sflag:s23] =	ssyncadd.s32 $0xFFFFFFFF  }
0xa5: {  	s26 =	simm.s32 $execute0_lowered;
	[smem:$0x3FD2] =	sst s25  }
0xa6: {  	s5 =	sshll.u32 s26, $0x1;
	_ =	strace $0x80000046;
	[dreg:$0x1] =	wrdreg $0xFFFFFFFF  }
0xa7: {  	s28 =	simm.s32 $_size_execute0_lowered;
	s3 =	sadd.s32 s3, s5;
	[dreg:$0x0] =	wrdreg $0x0  }
0xa8: {  	s5 =	sshll.u32 s28, $0x1;
	[dreg:$0x2] =	wrdreg s3  }
0xa9: {  	[dreg:$0x3] =	wrdreg s5  }
0xaa: {  	[dreg:$0x4] =	wrdreg $0xC0  }
0xab: {  	_ =	task [dreg:s7], $0x5FFFF  }
0xac: {  	[dreg:$0x1] =	wrdreg $0xFFFFFFFF  }
0xad: {  	[dreg:$0x0] =	wrdreg $0x60  }
0xae: {  	[dreg:$0x2] =	wrdreg s24  }
0xaf: {  	[dreg:$0x3] =	wrdreg s2  }
0xb0: {  	[dreg:$0x4] =	wrdreg $0x9  }
0xb1: {  	_ =	task.clear_ibuf [dreg:s7], $0x5FFFF;
	_ =	strace $0x90000046  }
0xb2: {  	s29 =	simm.s32 $0x9;
	_ =	strace $0x80000048  }
0xb3: {  	_ =	swait.ge [sflag:s29], $0x1  }
0xb4: {  	[sflag:s29] =	ssyncadd.s32 $0xFFFFFFFF  }
0xb5: {  	_ =	strace $0x90000048  }
0xb6: {  	_ =	sfence  }
0xb7: {  	s30 =	sld [smem:$0x0];
	_ =	sdelay $0x2  }
0xb8: {  	s31 =	sshll.u32 s1, $0xD;
	s1 =	sshrl.u32 s1, $0x2  }
0xb9: {  	s3 =	sand.u32 $0x4000, s31;
	s1 =	sadd.s32 s1, s30  }
0xba: {  	s0 =	sor.u32 s3, s0;
	s1 =	sshll.u32 s1, $0x11  }
0xbb: {  	s0 =	sor.u32 s1, s0  }
0xbc: {  	s0 =	sadd.s32 $0x8F2B, s0  }
0xbd: {  	[sflag:s0] =	ssyncadd.remote.s32 $0x1  }
0xbe: {  	_ =	sfence.sel $0xFFFF  }
0xbf: {  	[dreg:$0x0] =	wrdreg $0xFFFFFFFF;
	(pc) =	sbr.abs _section_cstart, $3  }
0xc0: {  	[dreg:$0x1] =	wrdreg $0xFFFFFFFF  }
0xc1: {  	_ =	task.clear_ibuf [dreg:s7], $0x2FFFF;
	_ =	strace $0x9FFFFFFF  }
0xc2: {  	(tm) =	ssettm $0x7FFFFFFF  }
0xc3: {  	_ =	shalt  }
tec
execute0_lowered:
.L_overlay_start_1:
0x0: {  	(tag) =	ssettag $0x1  }
0x1: {  	s1 =	srdreg.scid  }
0x2: {  	s8 =	rddreg [dreg:$0x0];
	s0 =	stileid.u32  }
0x3: {  	s3 =	rddreg [dreg:$0x1];
	s2 =	simm.s32 $0x0;
	s6 =	sand.u32 $0x1, s1  }
0x4: {  	s4 =	sshll.u32 s0, $0x8;
	s1 =	rddreg [dreg:$0x2];
	s5 =	sshll.u32 s6, $0x7  }
0x5: {  	s7 =	simm.s32 $0x1;
	[smem:$0x7FF] =	sst s2;
	s9 =	sor.u32 s5, s4  }
0x6: {  	_ =	strace $0x80000047;
	s10 =	ssub.s32 $0x2, s6;
	s4 =	sshrl.u32 s9, $0x3  }
0x7: {  	s6 =	simm.s32 $0x80;
	s4 =	sadd.s32 s3, s4;
	s3 =	simm.s32 $0x2  }
0x8: {  	[tilespmem:s2], [sflag:$0x2] =	stream.linear.gather [hbm4b:s4+s2], $0x80, $0x38;
	[tilespmem:$0x4080] =	vst v63  }
0x9: {  	s5 =	sadd.s32 $0x104000, s8;
	s11 =	sshrl.u32 s10, $0x1;
	_ =	swait.ge [sflag:s3], $0x80  }
0xa: {  	s9 =	sshll.u32 s9, $0x4;
	s31 =	ssub.s32 s10, s11;
	[sflag:s3] =	ssyncset.done $0x0  }
0xb: {  	s8 =	sadd.s32 s9, s8;
	s9 =	smax.u32 s31, $0x1;
	[sflag:s3] =	ssyncadd.s32 $0xFFFFFF80  }
0xc: {  	[tilespmem:s6], [sflag:$0x1] =	stream.indirect.gather [hbm4b:s5+s6], $0x80, s2, s6, $0xb8;
	[tilespmem:$0x4080] =	vst v63  }
0xd: {  	p0 =	sne.s32 s9, $0x1;
	_ =	swait.ge [sflag:s7], $0x4000  }
.Ltmp0:
0xe: {  	[sflag:s7] =	ssyncset.done $0x0;
	(pc) =	sbr.rel @!p0 .LBB2_2-.Ltmp0, $4  }
0xf: {  	s8 =	sadd.s32 $0x4000, s8;
	[sflag:s7] =	ssyncadd.s32 $0xFFFFC000  }
0x10: {  	[hbm4b:s8+s2] =	stream.linear.scatter [tilespmem:s6], [sflag:$0x2], $0x4000, $0x38;
	[tilespmem:$0x4080] =	vst v63  }
0x11: {  	_ =	swait.ge [sflag:s3], $0x4000  }
0x12: {  	s9 =	sadd.s32 $0xFFFFFFFF, s9;
	[sflag:s3] =	ssyncset.done $0x0  }
.LBB2_1:
0x13: {  	p0 =	sne.s32 s9, $0x1;
	s9 =	sadd.s32 $0xFFFFFFFF, s9;
	[sflag:s3] =	ssyncadd.s32 $0xFFFFC000  }
0x14: {  	[tilespmem:s2], [sflag:$0x2] =	stream.linear.gather [hbm4b:s4+s2], $0x80, $0x38;
	[tilespmem:$0x4080] =	vst v63  }
0x15: {  	_ =	swait.ge [sflag:s3], $0x80  }
0x16: {  	[sflag:s3] =	ssyncset.done $0x0  }
0x17: {  	[sflag:s3] =	ssyncadd.s32 $0xFFFFFF80  }
0x18: {  	[tilespmem:s6], [sflag:$0x1] =	stream.indirect.gather [hbm4b:s5+s6], $0x80, s2, s6, $0xb8;
	[tilespmem:$0x4080] =	vst v63  }
0x19: {  	_ =	swait.ge [sflag:s7], $0x4000  }
.Ltmp1:
0x1a: {  	[sflag:s7] =	ssyncset.done $0x0;
	(pc) =	sbr.rel @p0 .LBB2_1-.Ltmp1, $4  }
0x1b: {  	[sflag:s7] =	ssyncadd.s32 $0xFFFFC000  }
0x1c: {  	[hbm4b:s8+s2] =	stream.linear.scatter [tilespmem:s6], [sflag:$0x2], $0x4000, $0x38;
	[tilespmem:$0x4080] =	vst v63  }
0x1d: {  	_ =	swait.ge [sflag:s3], $0x4000  }
0x1e: {  	[sflag:s3] =	ssyncset.done $0x0  }
.LBB2_2:
0x1f: {  	[sflag:s3] =	ssyncadd.s32 $0xFFFFC000  }
0x20: {  	_ =	sfence.sel $0x180000  }
0x21: {  	[bflag:$0x0] =	sbarrier.arrive $0xFFFF  }
0x22: {  	p0 =	sne.s32 s0, $0x0;
	_ =	strace $0x90000047  }
0x23: {  	s0 =	sadd.s32 @!p0 $0x100000, s1;
	[bflag:$0x2] =	sbarrier.arrive $0xFFFF  }
0x24: {  	[sflag:s0] =	ssyncadd.tile.s32 @!p0 $0x1;
	_ =	shalt  }
.Lfunc_end2:
_tile_overlayer_lowered:
.L_overlay_start_2:
0x25: {  	(tag) =	ssettag $0x2  }
0x26: {  	s0 =	rddreg [dreg:$0x0];
	s2 =	stileid.u32  }
0x27: {  	s1 =	rddreg [dreg:$0x1];
	p0 =	sne.s32 s2, $0x0  }
0x28: {  	s3 =	rddreg [dreg:$0x2];
	[bflag:$0x3] =	sbarrier.arrive $0xFFFF;
	s2 =	simm.s32 @!p0 $0x1C02  }
0x29: {  	[timem:s3], [sflag:s2] =	dma.local @!p0 [hbm:s0], s1  }
0x2a: {  	s0 =	simm.s32 @!p0 $0x2  }
0x2b: {  	_ =	swait.ge @!p0 [sflag:s0], s1  }
0x2c: {  	s1 =	ssub.s32 @!p0 $0x0, s1;
	[sflag:s0] =	ssyncset.done @!p0 $0x0  }
0x2d: {  	[sflag:s0] =	ssyncadd.s32 @!p0 s1  }
0x2e: {  	[bflag:$0x3] =	sbarrier.arrive $0xFFFF  }
0x2f: {  	_ =	shalt  }

// kernel: kernel.16.cloned.1.call-start
scs
__scs_entry_jumppad:
0x0: {  	(pc) =	sbr.rel $0x88, $3  }
0x1: {  	(tag) =	ssettag $0x0;
	lr =	simm.s32 $0x1  }
0x2: {  	[smem:$0x3F8E] =	sst lr;
	_ =	strace $0xD0000000  }
0x3: {  	_ = 	snop  }
0x4: {  	_ = 	snop  }
0x5: {  	_ = 	snop  }
0x6: {  	_ = 	snop  }
0x7: {  	_ = 	snop  }
__scs_overlays_trampoline_lowered:
0x8: {  	[smem:$0x3F9D] =	sst s0  }
0x9: {  	[smem:$0x3F9E] =	sst s1  }
0xa: {  	[smem:$0x3F9F] =	sst s2  }
0xb: {  	[smem:$0x3FA0] =	sst s3  }
0xc: {  	[smem:$0x3FA1] =	sst s4  }
0xd: {  	[smem:$0x3FA2] =	sst s5  }
0xe: {  	[smem:$0x3FA3] =	sst s6  }
0xf: {  	[smem:$0x3FA4] =	sst s7  }
0x10: {  	[smem:$0x3FA5] =	sst s8  }
0x11: {  	[smem:$0x3FA6] =	sst s9;
	s0 =	simm.s32 @!p0 $0x0  }
0x12: {  	s1 =	sld [smem:$0x3F8C];
	s0 =	simm.s32 @p0 $0x1  }
0x13: {  	[smem:$0x3FA7] =	sst s0;
	s0 =	simm.s32 @!p1 $0x0  }
0x14: {  	s2 =	sld [smem:$0x3F8B];
	s0 =	simm.s32 @p1 $0x1  }
0x15: {  	[smem:$0x3FA8] =	sst s0;
	s0 =	simm.s32 @!p2 $0x0  }
0x16: {  	s3 =	sld [smem:$0x3FDB];
	s0 =	simm.s32 @p2 $0x1  }
0x17: {  	s4 =	simm.s32 $0x1BF5;
	[smem:$0x3FAA] =	sst s0  }
0x18: {  	s0 =	sld [smem:$0x3F8D];
	_ =	swait.ge [sflag:s4], $0x0  }
0x19: {  	s7 =	sld [smem:$0x3F8E]  }
0x1a: {  	s8 =	sadd.s32 $0xFFFFE003, lr  }
0x1b: {  	s9 =	sadd.s32 $0xFFFFFEF7, lr;
	s5 =	simm.s32 $0xFFFFFFFF;
	p2 =	slt.u32 s8, $0xFFFFF086  }
0x1c: {  	p1 =	slt.u32 s9, $0xF7A;
	s5 =	simm.s32 @!p2 $0x0  }
0x1d: {  	s5 =	simm.s32 @p1 $0x1;
	p0 =	seq.s32 s7, s2  }
0x1e: {  	s7 =	smul.u32 @!p0 $0xF7A, s2;
	p2 =	seq.s32 @!p0 s5, $0x0  }
0x1f: {  	s9 =	smul.u32 $0xF7A, s1;
	s8 =	simm.s32 @!p0 $0x1BF5;
	p2 =	por !p2, p0  }
0x20: {  	[sflag:s8] =	ssyncset.s32 @!p0 $0xFFFFF086;
	s6 =	sadd.s32 @!p0 s3, s7;
	s7 =	simm.s32 @!p0 $0x108  }
0x21: {  	s3 =	sadd.s32 s3, s9;
	s6 =	sadd.s32 @!p0 $0x88, s6;
	s7 =	simm.s32 @p2 $0x1082  }
0x22: {  	[simem:s7], [sflag:s8] =	dma.local @!p0 [hbm:s6], $0xF7A  }
0x23: {  	s9 =	sor.u32 $0xD0000000, s2;
	s6 =	simm.s32 $0x108;
	_ =	swait.ge @!p0 [sflag:s8], $0x0  }
0x24: {  	s3 =	sadd.s32 $0x88, s3;
	s6 =	simm.s32 @!p1 $0x1082;
	[sflag:s4] =	ssyncset.s32 $0xFFFFF086  }
0x25: {  	[simem:s6], [sflag:s4] =	dma.local [hbm:s3], $0xF7A  }
0x26: {  	[smem:$0x3F8E] =	sst s1;
	(tag) =	ssettag s2;
	_ =	strace s9  }
0x27: {  	s1 =	sld [smem:$0x3F9E]  }
0x28: {  	s2 =	sld [smem:$0x3F9F]  }
0x29: {  	s4 =	sld [smem:$0x3FA1]  }
0x2a: {  	p0 =	seq.s32 s5, $0x0;
	s5 =	sld [smem:$0x3FA2]  }
0x2b: {  	s6 =	sld [smem:$0x3FA3]  }
0x2c: {  	s7 =	sld [smem:$0x3FA4]  }
0x2d: {  	s3 =	simm.s32 $0x108;
	s8 =	sld [smem:$0x3FA5]  }
0x2e: {  	s3 =	simm.s32 @!p0 $0x1082;
	s9 =	sld [smem:$0x3FA6]  }
0x2f: {  	lr =	sadd.s32 s0, s3;
	s0 =	sld [smem:$0x3F9D]  }
0x30: {  	s3 =	sld [smem:$0x3FA0]  }
0x31: {  	[smem:$0x3FA9] =	sst s10  }
0x32: {  	s10 =	sld [smem:$0x3FA7];
	_ =	sdelay $0x3  }
0x33: {  	p0 =	seq.s32 s10, $0x1;
	s10 =	sld [smem:$0x3FA9];
	_ =	sdelay $0x3  }
0x34: {  	[smem:$0x3FA9] =	sst s10  }
0x35: {  	s10 =	sld [smem:$0x3FA8];
	_ =	sdelay $0x3  }
0x36: {  	p1 =	seq.s32 s10, $0x1;
	s10 =	sld [smem:$0x3FA9];
	_ =	sdelay $0x3  }
0x37: {  	[smem:$0x3FA9] =	sst s10  }
0x38: {  	s10 =	sld [smem:$0x3FAA]  }
0x39: {  	_ = 	snop;
	(pc) =	sbr.ind lr, $3  }
0x3a: {  	_ = 	snop  }
0x3b: {  	_ = 	snop  }
0x3c: {  	p2 =	seq.s32 s10, $0x1;
	s10 =	sld [smem:$0x3FA9]  }
0x3d: {  	_ =	shalt  }
0x3e: {  	_ =	shalt  }
0x3f: {  	_ =	shalt  }
0x40: {  	_ =	shalt  }
0x41: {  	_ =	shalt  }
0x42: {  	_ =	shalt  }
0x43: {  	_ =	shalt  }
0x44: {  	_ =	shalt  }
0x45: {  	_ =	shalt  }
0x46: {  	_ =	shalt  }
0x47: {  	_ =	shalt  }
0x48: {  	_ =	shalt  }
0x49: {  	_ =	shalt  }
0x4a: {  	_ =	shalt  }
0x4b: {  	_ =	shalt  }
0x4c: {  	_ =	shalt  }
0x4d: {  	_ =	shalt  }
0x4e: {  	_ =	shalt  }
0x4f: {  	_ =	shalt  }
0x50: {  	_ =	shalt  }
0x51: {  	_ =	shalt  }
0x52: {  	_ =	shalt  }
0x53: {  	_ =	shalt  }
0x54: {  	_ =	shalt  }
0x55: {  	_ =	shalt  }
0x56: {  	_ =	shalt  }
0x57: {  	_ =	shalt  }
0x58: {  	_ =	shalt  }
0x59: {  	_ =	shalt  }
0x5a: {  	_ =	shalt  }
0x5b: {  	_ =	shalt  }
0x5c: {  	_ =	shalt  }
0x5d: {  	_ =	shalt  }
0x5e: {  	_ =	shalt  }
0x5f: {  	_ =	shalt  }
0x60: {  	_ =	shalt  }
0x61: {  	_ =	shalt  }
0x62: {  	_ =	shalt  }
0x63: {  	_ =	shalt  }
0x64: {  	_ =	shalt  }
0x65: {  	_ =	shalt  }
0x66: {  	_ =	shalt  }
0x67: {  	_ =	shalt  }
0x68: {  	_ =	shalt  }
0x69: {  	_ =	shalt  }
0x6a: {  	_ =	shalt  }
0x6b: {  	_ =	shalt  }
0x6c: {  	_ =	shalt  }
0x6d: {  	_ =	shalt  }
0x6e: {  	_ =	shalt  }
0x6f: {  	_ =	shalt  }
0x70: {  	_ =	shalt  }
0x71: {  	_ =	shalt  }
0x72: {  	_ =	shalt  }
0x73: {  	_ =	shalt  }
0x74: {  	_ =	shalt  }
0x75: {  	_ =	shalt  }
0x76: {  	_ =	shalt  }
0x77: {  	_ =	shalt  }
0x78: {  	_ =	shalt  }
0x79: {  	_ =	shalt  }
0x7a: {  	_ =	shalt  }
0x7b: {  	_ =	shalt  }
0x7c: {  	_ =	shalt  }
0x7d: {  	_ =	shalt  }
0x7e: {  	_ =	shalt  }
0x7f: {  	_ =	shalt  }
0x80: {  	_ =	shalt  }
0x81: {  	_ =	shalt  }
0x82: {  	_ =	shalt  }
0x83: {  	_ =	shalt  }
0x84: {  	_ =	shalt  }
0x85: {  	_ =	shalt  }
0x86: {  	_ =	shalt  }
0x87: {  	_ =	shalt  }
.Lfunc_end0:
.L_simem_size_0:
called_computation.1_lowered:
.L_overlay_start_0:
0x88: {  	s2 =	sld [smem:$0x3FD9]  }
0x89: {  	s3 =	sld [smem:$0x3FFE];
	_ =	sdelay $0x1  }
0x8a: {  	s1 =	srdreg.scid  }
0x8b: {  	s0 =	sand.u32 $0x1, s1  }
0x8c: {  	s16 =	sshll.u32 s0, $0xA;
	s2 =	sadd.s32 s3, s2  }
0x8d: {  	s2 =	sadd.s32 s2, s16  }
0x8e: {  	[smem:$0x3FB5] =	sst s2  }
0x8f: {  	_ = 	snop  }
0x90: {  	(tm) =	ssettm $0x1  }
0x91: {  	s17 =	sld [smem:$0x3FFB];
	_ =	sdelay $0x3  }
0x92: {  	_ =	strace s17  }
0x93: {  	s2 =	sld [smem:$0x3FFC];
	_ =	sdelay $0x3  }
0x94: {  	_ =	strace s2  }
0x95: {  	s2 =	sld [smem:$0x3FFD];
	_ =	sdelay $0x3  }
0x96: {  	_ =	strace s2  }
0x97: {  	_ =	strace $0x8FFFFFFF  }
0x98: {  	s18 =	sld [smem:$0x3FDB];
	_ =	sdelay $0x1  }
0x99: {  	s19 =	simm.s32 $_scs_section_size  }
0x9a: {  	s4 =	simm.s32 $_size__tile_overlayer_lowered;
	s5 =	simm.s32 $_tile_overlayer_lowered  }
0x9b: {  	s22 =	simm.s32 $0x1BFF;
	s21 =	sshll.u32 s5, $0x1;
	s2 =	sadd.s32 s19, s18  }
0x9c: {  	s6 =	simm.s32 $0x0;
	s20 =	sshll.u32 s4, $0x1;
	s4 =	sadd.s32 s21, s2  }
0x9d: {  	[timem:s6], [sflag:s22] =	dma.local [hbm:s4], s20  }
0x9e: {  	_ =	swait.ge [sflag:s22], s20  }
0x9f: {  	s3 =	ssub.s32 $0x0, s20;
	[sflag:s22] =	ssyncset.done $0x0  }
0xa0: {  	[sflag:s22] =	ssyncadd.s32 s3;
	_ =	sdelay $0x1  }
0xa1: {  	s23 =	simm.s32 $0x1B8B  }
0xa2: {  	_ =	swait.ge [sflag:s23], $0x1  }
0xa3: {  	[sflag:s23] =	ssyncset.done $0x0  }
0xa4: {  	s25 =	simm.s32 $0x1B8E;
	s24 =	sld [smem:$0x3FFE];
	[sflag:s23] =	ssyncadd.s32 $0xFFFFFFFF  }
0xa5: {  	s26 =	simm.s32 $execute0_lowered;
	[smem:$0x3FD2] =	sst s25  }
0xa6: {  	s4 =	sshll.u32 s26, $0x1;
	_ =	strace $0x80000049;
	[dreg:$0x1] =	wrdreg $0xFFFFFFFF  }
0xa7: {  	s28 =	simm.s32 $_size_execute0_lowered;
	s2 =	sadd.s32 s2, s4;
	[dreg:$0x0] =	wrdreg $0x0  }
0xa8: {  	s4 =	sshll.u32 s28, $0x1;
	[dreg:$0x2] =	wrdreg s2  }
0xa9: {  	[dreg:$0x3] =	wrdreg s4  }
0xaa: {  	[dreg:$0x4] =	wrdreg $0xC0  }
0xab: {  	_ =	task [dreg:s6], $0x5FFFF  }
0xac: {  	[dreg:$0x1] =	wrdreg $0xFFFFFFFF  }
0xad: {  	[dreg:$0x0] =	wrdreg $0x60  }
0xae: {  	[dreg:$0x2] =	wrdreg s24  }
0xaf: {  	[dreg:$0x3] =	wrdreg $0x9  }
0xb0: {  	_ =	task.clear_ibuf [dreg:s6], $0x4FFFF;
	_ =	strace $0x90000049  }
0xb1: {  	s29 =	simm.s32 $0x9;
	_ =	strace $0x8000004B  }
0xb2: {  	_ =	swait.ge [sflag:s29], $0x1  }
0xb3: {  	[sflag:s29] =	ssyncadd.s32 $0xFFFFFFFF  }
0xb4: {  	_ =	strace $0x9000004B  }
0xb5: {  	_ =	sfence  }
0xb6: {  	s30 =	sld [smem:$0x0];
	_ =	sdelay $0x2  }
0xb7: {  	s31 =	sshll.u32 s1, $0xD;
	s1 =	sshrl.u32 s1, $0x2  }
0xb8: {  	s3 =	sand.u32 $0x4000, s31;
	s1 =	sadd.s32 s1, s30  }
0xb9: {  	s0 =	sor.u32 s3, s0;
	s1 =	sshll.u32 s1, $0x11  }
0xba: {  	s0 =	sor.u32 s1, s0  }
0xbb: {  	s0 =	sadd.s32 $0x8F2B, s0  }
0xbc: {  	[sflag:s0] =	ssyncadd.remote.s32 $0x1  }
0xbd: {  	_ =	sfence.sel $0xFFFF  }
0xbe: {  	[dreg:$0x0] =	wrdreg $0xFFFFFFFF;
	(pc) =	sbr.abs _section_cstart, $3  }
0xbf: {  	[dreg:$0x1] =	wrdreg $0xFFFFFFFF  }
0xc0: {  	_ =	task.clear_ibuf [dreg:s6], $0x2FFFF;
	_ =	strace $0x9FFFFFFF  }
0xc1: {  	(tm) =	ssettm $0x7FFFFFFF  }
tec
execute0_lowered:
.L_overlay_start_1:
0x0: {  	(tag) =	ssettag $0x1  }
0x1: {  	s4 =	rddreg [dreg:$0x0]  }
0x2: {  	s0 =	rddreg [dreg:$0x1];
	s2 =	simm.s32 $0x0;
	s3 =	srdreg.scid  }
0x3: {  	s1 =	stileid.u32;
	s10 =	simm.s32 $0x0;
	[smem:$0x7FF] =	sst s2  }
0x4: {  	s5 =	sand.u32 $0x1, s3;
	s6 =	sshll.u32 s1, $0xD;
	s3 =	sadd.s32 $0x104000, s4  }
0x5: {  	s8 =	sshll.u32 s1, $0x11;
	_ =	strace $0x8000004A;
	s7 =	sshll.u32 s5, $0xC  }
0x6: {  	s31 =	ssub.s32 $0x2, s5;
	s8 =	sadd.s32 s8, s4;
	s5 =	sshll.u32 s5, $0x10  }
0x7: {  	s6 =	sor.u32 s7, s6;
	s9 =	sshrl.u32 s31, $0x1;
	s5 =	sadd.s32 s5, s8  }
0x8: {  	s8 =	simm.s32 $0x80;
	s6 =	sshrl.u32 s6, $0x3;
	s7 =	ssub.s32 s31, s9  }
0x9: {  	s5 =	sadd.s32 $0x204000, s5;
	s9 =	simm.s32 $0x1;
	s6 =	sadd.s32 s6, s4  }
0xa: {  	s4 =	smax.u32 s7, $0x1;
	s7 =	simm.s32 $0x2;
	s6 =	sadd.s32 $0x14000, s6  }
.LBB2_1:
0xb: {  	s11 =	sadd.s32 $0x0, s6  }
0xc: {  	[tilespmem:s2], [sflag:$0x2] =	stream.linear.gather [hbm4b:s11+s2], $0x80, $0x38;
	[tilespmem:$0x4080] =	vst v63  }
0xd: {  	_ =	swait.ge [sflag:s7], $0x80  }
0xe: {  	[sflag:s7] =	ssyncset.done $0x0  }
0xf: {  	[sflag:s7] =	ssyncadd.s32 $0xFFFFFF80  }
0x10: {  	[tilespmem:s8], [sflag:$0x1] =	stream.indirect.gather [hbm4b:s3+s8], $0x80, s2, s8, $0xb8;
	[tilespmem:$0x4080] =	vst v63  }
0x11: {  	_ =	swait.ge [sflag:s9], $0x4000  }
0x12: {  	[sflag:s9] =	ssyncset.done $0x0  }
0x13: {  	[sflag:s9] =	ssyncadd.s32 $0xFFFFC000  }
0x14: {  	[hbm4b:s5+s2] =	stream.linear.scatter [tilespmem:s8], [sflag:$0x2], $0x4000, $0x38;
	[tilespmem:$0x4080] =	vst v63  }
0x15: {  	s12 =	simm.s32 $0x10;
	_ =	swait.ge [sflag:s7], $0x4000  }
0x16: {  	s13 =	simm.s32 $0x20;
	s11 =	sadd.s32 $0x800, s5;
	[sflag:s7] =	ssyncset.done $0x0  }
.LBB2_2:
0x17: {  	s14 =	sadd.s32 s12, s6  }
0x18: {  	[sflag:s7] =	ssyncadd.s32 $0xFFFFC000;
	s12 =	smov.u32 s13;
	s15 =	sadd.s32 $0x10, s13  }
0x19: {  	[tilespmem:s2], [sflag:$0x2] =	stream.linear.gather [hbm4b:s14+s2], $0x80, $0x38;
	[tilespmem:$0x4080] =	vst v63  }
0x1a: {  	p0 =	sne.s32 s13, $0x1F0;
	_ =	swait.ge [sflag:s7], $0x80  }
0x1b: {  	[sflag:s7] =	ssyncset.done $0x0  }
0x1c: {  	[sflag:s7] =	ssyncadd.s32 $0xFFFFFF80  }
0x1d: {  	[tilespmem:s8], [sflag:$0x1] =	stream.indirect.gather [hbm4b:s3+s8], $0x80, s2, s8, $0xb8;
	[tilespmem:$0x4080] =	vst v63  }
0x1e: {  	_ =	swait.ge [sflag:s9], $0x4000  }
.Ltmp0:
0x1f: {  	[sflag:s9] =	ssyncset.done $0x0;
	(pc) =	sbr.rel @p0 .LBB2_2-.Ltmp0, $4  }
0x20: {  	[sflag:s9] =	ssyncadd.s32 $0xFFFFC000  }
0x21: {  	[hbm4b:s11+s2] =	stream.linear.scatter [tilespmem:s8], [sflag:$0x2], $0x4000, $0x38;
	[tilespmem:$0x4080] =	vst v63  }
0x22: {  	_ =	swait.ge [sflag:s7], $0x4000  }
0x23: {  	s13 =	smov.u32 s15;
	s11 =	sadd.s32 $0x800, s11;
	[sflag:s7] =	ssyncset.done $0x0  }
0x24: {  	s12 =	sadd.s32 s12, s6;
	[sflag:s7] =	ssyncadd.s32 $0xFFFFC000  }
0x25: {  	[tilespmem:s2], [sflag:$0x2] =	stream.linear.gather [hbm4b:s12+s2], $0x80, $0x38;
	[tilespmem:$0x4080] =	vst v63  }
0x26: {  	_ =	swait.ge [sflag:s7], $0x80  }
0x27: {  	[sflag:s7] =	ssyncset.done $0x0  }
0x28: {  	[sflag:s7] =	ssyncadd.s32 $0xFFFFFF80  }
0x29: {  	[tilespmem:s8], [sflag:$0x1] =	stream.indirect.gather [hbm4b:s3+s8], $0x80, s2, s8, $0xb8;
	[tilespmem:$0x4080] =	vst v63  }
0x2a: {  	s10 =	sadd.s32 $0x1, s10;
	_ =	swait.ge [sflag:s9], $0x4000  }
0x2b: {  	p0 =	sne.s32 s10, s4;
	[sflag:s9] =	ssyncset.done $0x0  }
.Ltmp1:
0x2c: {  	[sflag:s9] =	ssyncadd.s32 $0xFFFFC000;
	(pc) =	sbr.rel @p0 .LBB2_1-.Ltmp1, $4  }
0x2d: {  	[hbm4b:s11+s2] =	stream.linear.scatter [tilespmem:s8], [sflag:$0x2], $0x4000, $0x38;
	[tilespmem:$0x4080] =	vst v63  }
0x2e: {  	_ =	swait.ge [sflag:s7], $0x4000  }
0x2f: {  	[sflag:s7] =	ssyncset.done $0x0  }
0x30: {  	[sflag:s7] =	ssyncadd.s32 $0xFFFFC000  }
0x31: {  	_ =	sfence.sel $0x180000  }
0x32: {  	[bflag:$0x0] =	sbarrier.arrive $0xFFFF  }
0x33: {  	p0 =	sne.s32 s1, $0x0;
	_ =	strace $0x9000004A  }
0x34: {  	s0 =	sadd.s32 @!p0 $0x100000, s0;
	[bflag:$0x2] =	sbarrier.arrive $0xFFFF  }
0x35: {  	[sflag:s0] =	ssyncadd.tile.s32 @!p0 $0x1;
	_ =	shalt  }
.Lfunc_end2:
_tile_overlayer_lowered:
.L_overlay_start_2:
0x36: {  	(tag) =	ssettag $0x2  }
0x37: {  	s0 =	rddreg [dreg:$0x0];
	s2 =	stileid.u32  }
0x38: {  	s1 =	rddreg [dreg:$0x1];
	p0 =	sne.s32 s2, $0x0  }
0x39: {  	s3 =	rddreg [dreg:$0x2];
	[bflag:$0x3] =	sbarrier.arrive $0xFFFF;
	s2 =	simm.s32 @!p0 $0x1C02  }
0x3a: {  	[timem:s3], [sflag:s2] =	dma.local @!p0 [hbm:s0], s1  }
0x3b: {  	s0 =	simm.s32 @!p0 $0x2  }
0x3c: {  	_ =	swait.ge @!p0 [sflag:s0], s1  }
0x3d: {  	s1 =	ssub.s32 @!p0 $0x0, s1;
	[sflag:s0] =	ssyncset.done @!p0 $0x0  }
0x3e: {  	[sflag:s0] =	ssyncadd.s32 @!p0 s1  }
0x3f: {  	[bflag:$0x3] =	sbarrier.arrive $0xFFFF  }
0x40: {  	_ =	shalt  }

// kernel: kernel.19.cloned.1.call-start
scs
__scs_entry_jumppad:
0x0: {  	(pc) =	sbr.rel $0x88, $3  }
0x1: {  	(tag) =	ssettag $0x0;
	lr =	simm.s32 $0x1  }
0x2: {  	[smem:$0x3F8E] =	sst lr;
	_ =	strace $0xD0000000  }
0x3: {  	_ = 	snop  }
0x4: {  	_ = 	snop  }
0x5: {  	_ = 	snop  }
0x6: {  	_ = 	snop  }
0x7: {  	_ = 	snop  }
__scs_overlays_trampoline_lowered:
0x8: {  	[smem:$0x3F9D] =	sst s0  }
0x9: {  	[smem:$0x3F9E] =	sst s1  }
0xa: {  	[smem:$0x3F9F] =	sst s2  }
0xb: {  	[smem:$0x3FA0] =	sst s3  }
0xc: {  	[smem:$0x3FA1] =	sst s4  }
0xd: {  	[smem:$0x3FA2] =	sst s5  }
0xe: {  	[smem:$0x3FA3] =	sst s6  }
0xf: {  	[smem:$0x3FA4] =	sst s7  }
0x10: {  	[smem:$0x3FA5] =	sst s8  }
0x11: {  	[smem:$0x3FA6] =	sst s9;
	s0 =	simm.s32 @!p0 $0x0  }
0x12: {  	s1 =	sld [smem:$0x3F8C];
	s0 =	simm.s32 @p0 $0x1  }
0x13: {  	[smem:$0x3FA7] =	sst s0;
	s0 =	simm.s32 @!p1 $0x0  }
0x14: {  	s2 =	sld [smem:$0x3F8B];
	s0 =	simm.s32 @p1 $0x1  }
0x15: {  	[smem:$0x3FA8] =	sst s0;
	s0 =	simm.s32 @!p2 $0x0  }
0x16: {  	s3 =	sld [smem:$0x3FDB];
	s0 =	simm.s32 @p2 $0x1  }
0x17: {  	s4 =	simm.s32 $0x1BF5;
	[smem:$0x3FAA] =	sst s0  }
0x18: {  	s0 =	sld [smem:$0x3F8D];
	_ =	swait.ge [sflag:s4], $0x0  }
0x19: {  	s7 =	sld [smem:$0x3F8E]  }
0x1a: {  	s8 =	sadd.s32 $0xFFFFE003, lr  }
0x1b: {  	s9 =	sadd.s32 $0xFFFFFEF7, lr;
	s5 =	simm.s32 $0xFFFFFFFF;
	p2 =	slt.u32 s8, $0xFFFFF086  }
0x1c: {  	p1 =	slt.u32 s9, $0xF7A;
	s5 =	simm.s32 @!p2 $0x0  }
0x1d: {  	s5 =	simm.s32 @p1 $0x1;
	p0 =	seq.s32 s7, s2  }
0x1e: {  	s7 =	smul.u32 @!p0 $0xF7A, s2;
	p2 =	seq.s32 @!p0 s5, $0x0  }
0x1f: {  	s9 =	smul.u32 $0xF7A, s1;
	s8 =	simm.s32 @!p0 $0x1BF5;
	p2 =	por !p2, p0  }
0x20: {  	[sflag:s8] =	ssyncset.s32 @!p0 $0xFFFFF086;
	s6 =	sadd.s32 @!p0 s3, s7;
	s7 =	simm.s32 @!p0 $0x108  }
0x21: {  	s3 =	sadd.s32 s3, s9;
	s6 =	sadd.s32 @!p0 $0x88, s6;
	s7 =	simm.s32 @p2 $0x1082  }
0x22: {  	[simem:s7], [sflag:s8] =	dma.local @!p0 [hbm:s6], $0xF7A  }
0x23: {  	s9 =	sor.u32 $0xD0000000, s2;
	s6 =	simm.s32 $0x108;
	_ =	swait.ge @!p0 [sflag:s8], $0x0  }
0x24: {  	s3 =	sadd.s32 $0x88, s3;
	s6 =	simm.s32 @!p1 $0x1082;
	[sflag:s4] =	ssyncset.s32 $0xFFFFF086  }
0x25: {  	[simem:s6], [sflag:s4] =	dma.local [hbm:s3], $0xF7A  }
0x26: {  	[smem:$0x3F8E] =	sst s1;
	(tag) =	ssettag s2;
	_ =	strace s9  }
0x27: {  	s1 =	sld [smem:$0x3F9E]  }
0x28: {  	s2 =	sld [smem:$0x3F9F]  }
0x29: {  	s4 =	sld [smem:$0x3FA1]  }
0x2a: {  	p0 =	seq.s32 s5, $0x0;
	s5 =	sld [smem:$0x3FA2]  }
0x2b: {  	s6 =	sld [smem:$0x3FA3]  }
0x2c: {  	s7 =	sld [smem:$0x3FA4]  }
0x2d: {  	s3 =	simm.s32 $0x108;
	s8 =	sld [smem:$0x3FA5]  }
0x2e: {  	s3 =	simm.s32 @!p0 $0x1082;
	s9 =	sld [smem:$0x3FA6]  }
0x2f: {  	lr =	sadd.s32 s0, s3;
	s0 =	sld [smem:$0x3F9D]  }
0x30: {  	s3 =	sld [smem:$0x3FA0]  }
0x31: {  	[smem:$0x3FA9] =	sst s10  }
0x32: {  	s10 =	sld [smem:$0x3FA7];
	_ =	sdelay $0x3  }
0x33: {  	p0 =	seq.s32 s10, $0x1;
	s10 =	sld [smem:$0x3FA9];
	_ =	sdelay $0x3  }
0x34: {  	[smem:$0x3FA9] =	sst s10  }
0x35: {  	s10 =	sld [smem:$0x3FA8];
	_ =	sdelay $0x3  }
0x36: {  	p1 =	seq.s32 s10, $0x1;
	s10 =	sld [smem:$0x3FA9];
	_ =	sdelay $0x3  }
0x37: {  	[smem:$0x3FA9] =	sst s10  }
0x38: {  	s10 =	sld [smem:$0x3FAA]  }
0x39: {  	_ = 	snop;
	(pc) =	sbr.ind lr, $3  }
0x3a: {  	_ = 	snop  }
0x3b: {  	_ = 	snop  }
0x3c: {  	p2 =	seq.s32 s10, $0x1;
	s10 =	sld [smem:$0x3FA9]  }
0x3d: {  	_ =	shalt  }
0x3e: {  	_ =	shalt  }
0x3f: {  	_ =	shalt  }
0x40: {  	_ =	shalt  }
0x41: {  	_ =	shalt  }
0x42: {  	_ =	shalt  }
0x43: {  	_ =	shalt  }
0x44: {  	_ =	shalt  }
0x45: {  	_ =	shalt  }
0x46: {  	_ =	shalt  }
0x47: {  	_ =	shalt  }
0x48: {  	_ =	shalt  }
0x49: {  	_ =	shalt  }
0x4a: {  	_ =	shalt  }
0x4b: {  	_ =	shalt  }
0x4c: {  	_ =	shalt  }
0x4d: {  	_ =	shalt  }
0x4e: {  	_ =	shalt  }
0x4f: {  	_ =	shalt  }
0x50: {  	_ =	shalt  }
0x51: {  	_ =	shalt  }
0x52: {  	_ =	shalt  }
0x53: {  	_ =	shalt  }
0x54: {  	_ =	shalt  }
0x55: {  	_ =	shalt  }
0x56: {  	_ =	shalt  }
0x57: {  	_ =	shalt  }
0x58: {  	_ =	shalt  }
0x59: {  	_ =	shalt  }
0x5a: {  	_ =	shalt  }
0x5b: {  	_ =	shalt  }
0x5c: {  	_ =	shalt  }
0x5d: {  	_ =	shalt  }
0x5e: {  	_ =	shalt  }
0x5f: {  	_ =	shalt  }
0x60: {  	_ =	shalt  }
0x61: {  	_ =	shalt  }
0x62: {  	_ =	shalt  }
0x63: {  	_ =	shalt  }
0x64: {  	_ =	shalt  }
0x65: {  	_ =	shalt  }
0x66: {  	_ =	shalt  }
0x67: {  	_ =	shalt  }
0x68: {  	_ =	shalt  }
0x69: {  	_ =	shalt  }
0x6a: {  	_ =	shalt  }
0x6b: {  	_ =	shalt  }
0x6c: {  	_ =	shalt  }
0x6d: {  	_ =	shalt  }
0x6e: {  	_ =	shalt  }
0x6f: {  	_ =	shalt  }
0x70: {  	_ =	shalt  }
0x71: {  	_ =	shalt  }
0x72: {  	_ =	shalt  }
0x73: {  	_ =	shalt  }
0x74: {  	_ =	shalt  }
0x75: {  	_ =	shalt  }
0x76: {  	_ =	shalt  }
0x77: {  	_ =	shalt  }
0x78: {  	_ =	shalt  }
0x79: {  	_ =	shalt  }
0x7a: {  	_ =	shalt  }
0x7b: {  	_ =	shalt  }
0x7c: {  	_ =	shalt  }
0x7d: {  	_ =	shalt  }
0x7e: {  	_ =	shalt  }
0x7f: {  	_ =	shalt  }
0x80: {  	_ =	shalt  }
0x81: {  	_ =	shalt  }
0x82: {  	_ =	shalt  }
0x83: {  	_ =	shalt  }
0x84: {  	_ =	shalt  }
0x85: {  	_ =	shalt  }
0x86: {  	_ =	shalt  }
0x87: {  	_ =	shalt  }
.Lfunc_end0:
.L_simem_size_0:
called_computation.2_lowered:
.L_overlay_start_0:
0x88: {  	s2 =	sld [smem:$0x3FD9]  }
0x89: {  	s3 =	sld [smem:$0x3FFE];
	_ =	sdelay $0x1  }
0x8a: {  	s1 =	srdreg.scid  }
0x8b: {  	s0 =	sand.u32 $0x1, s1  }
0x8c: {  	s17 =	sshll.u32 s0, $0xA;
	s2 =	sadd.s32 s3, s2  }
0x8d: {  	s2 =	sadd.s32 s2, s17  }
0x8e: {  	[smem:$0x3FB5] =	sst s2  }
0x8f: {  	_ = 	snop  }
0x90: {  	s2 =	sld [smem:$0x3FD0];
	(tm) =	ssettm $0x1  }
0x91: {  	s18 =	sld [smem:$0x3FFB];
	_ =	sdelay $0x3  }
0x92: {  	_ =	strace s18  }
0x93: {  	s3 =	sld [smem:$0x3FFC];
	_ =	sdelay $0x3  }
0x94: {  	_ =	strace s3  }
0x95: {  	s3 =	sld [smem:$0x3FFD];
	_ =	sdelay $0x3  }
0x96: {  	_ =	strace s3  }
0x97: {  	_ =	strace $0x8FFFFFFF  }
0x98: {  	s19 =	sld [smem:$0x3FDB];
	_ =	sdelay $0x1  }
0x99: {  	s4 =	simm.s32 $_scs_section_size  }
0x9a: {  	s5 =	simm.s32 $_size__tile_overlayer_lowered;
	s6 =	simm.s32 $_tile_overlayer_lowered  }
0x9b: {  	s22 =	simm.s32 $0x1BFF;
	s21 =	sshll.u32 s6, $0x1;
	s3 =	sadd.s32 s4, s19  }
0x9c: {  	s7 =	simm.s32 $0x0;
	s20 =	sshll.u32 s5, $0x1;
	s5 =	sadd.s32 s21, s3  }
0x9d: {  	[timem:s7], [sflag:s22] =	dma.local [hbm:s5], s20  }
0x9e: {  	_ =	swait.ge [sflag:s22], s20  }
0x9f: {  	s4 =	ssub.s32 $0x0, s20;
	[sflag:s22] =	ssyncset.done $0x0  }
0xa0: {  	[sflag:s22] =	ssyncadd.s32 s4;
	_ =	sdelay $0x1  }
0xa1: {  	s23 =	simm.s32 $0x1B8B  }
0xa2: {  	_ =	swait.ge [sflag:s23], $0x1  }
0xa3: {  	[sflag:s23] =	ssyncset.done $0x0  }
0xa4: {  	s25 =	simm.s32 $0x1B8E;
	s24 =	sld [smem:$0x3FFE];
	[sflag:s23] =	ssyncadd.s32 $0xFFFFFFFF  }
0xa5: {  	s26 =	simm.s32 $execute0_lowered;
	[smem:$0x3FD2] =	sst s25  }
0xa6: {  	s5 =	sshll.u32 s26, $0x1;
	_ =	strace $0x8000004C;
	[dreg:$0x1] =	wrdreg $0xFFFFFFFF  }
0xa7: {  	s28 =	simm.s32 $_size_execute0_lowered;
	s3 =	sadd.s32 s3, s5;
	[dreg:$0x0] =	wrdreg $0x0  }
0xa8: {  	s5 =	sshll.u32 s28, $0x1;
	[dreg:$0x2] =	wrdreg s3  }
0xa9: {  	[dreg:$0x3] =	wrdreg s5  }
0xaa: {  	[dreg:$0x4] =	wrdreg $0xC0  }
0xab: {  	_ =	task [dreg:s7], $0x5FFFF  }
0xac: {  	[dreg:$0x1] =	wrdreg $0xFFFFFFFF  }
0xad: {  	[dreg:$0x0] =	wrdreg $0x60  }
0xae: {  	[dreg:$0x2] =	wrdreg s24  }
0xaf: {  	[dreg:$0x3] =	wrdreg s2  }
0xb0: {  	[dreg:$0x4] =	wrdreg $0x9  }
0xb1: {  	_ =	task.clear_ibuf [dreg:s7], $0x5FFFF;
	_ =	strace $0x9000004C  }
0xb2: {  	s29 =	simm.s32 $0x9;
	_ =	strace $0x8000004E  }
0xb3: {  	_ =	swait.ge [sflag:s29], $0x1  }
0xb4: {  	[sflag:s29] =	ssyncadd.s32 $0xFFFFFFFF  }
0xb5: {  	_ =	strace $0x9000004E  }
0xb6: {  	_ =	sfence  }
0xb7: {  	s30 =	sld [smem:$0x0];
	_ =	sdelay $0x2  }
0xb8: {  	s31 =	sshll.u32 s1, $0xD;
	s1 =	sshrl.u32 s1, $0x2  }
0xb9: {  	s3 =	sand.u32 $0x4000, s31;
	s1 =	sadd.s32 s1, s30  }
0xba: {  	s0 =	sor.u32 s3, s0;
	s1 =	sshll.u32 s1, $0x11  }
0xbb: {  	s0 =	sor.u32 s1, s0  }
0xbc: {  	s0 =	sadd.s32 $0x8F2B, s0  }
0xbd: {  	[sflag:s0] =	ssyncadd.remote.s32 $0x1  }
0xbe: {  	_ =	sfence.sel $0xFFFF  }
0xbf: {  	[dreg:$0x0] =	wrdreg $0xFFFFFFFF;
	(pc) =	sbr.abs _section_cstart, $3  }
0xc0: {  	[dreg:$0x1] =	wrdreg $0xFFFFFFFF  }
0xc1: {  	_ =	task.clear_ibuf [dreg:s7], $0x2FFFF;
	_ =	strace $0x9FFFFFFF  }
0xc2: {  	(tm) =	ssettm $0x7FFFFFFF  }
0xc3: {  	_ =	shalt  }
tec
execute0_lowered:
.L_overlay_start_1:
0x0: {  	(tag) =	ssettag $0x1  }
0x1: {  	s4 =	rddreg [dreg:$0x0]  }
0x2: {  	s5 =	rddreg [dreg:$0x1]  }
0x3: {  	s0 =	rddreg [dreg:$0x2];
	s3 =	srdreg.scid  }
0x4: {  	s2 =	simm.s32 $0x0;
	s1 =	stileid.u32;
	s10 =	simm.s32 $0x1080  }
0x5: {  	s11 =	simm.s32 $0x1880;
	s12 =	simm.s32 $0x1;
	s3 =	sand.u32 $0x1, s3  }
0x6: {  	[smem:$0x7FF] =	sst s2;
	s6 =	sshll.u32 s1, $0x6;
	s7 =	sshll.u32 s3, $0x5  }
0x7: {  	_ =	strace $0x8000004D;
	s30 =	ssub.s32 $0x2, s3;
	s6 =	sor.u32 s7, s6  }
0x8: {  	s3 =	sadd.s32 $0x4000, s4;
	s9 =	sshrl.u32 s30, $0x1;
	s8 =	sshll.u32 s6, $0x5  }
0x9: {  	v2 =	vlaneseq.u32;
	s7 =	ssub.s32 s30, s9;
	s31 =	sshrl.u32 s6, $0x3;
	s9 =	simm.s32 $0x880  }
0xa: {  	vm0 =	vmmov $0xffff;
	v1 =	vshrl.u32 v2, $0x3;
	s8 =	sadd.s32 s8, s4;
	s4 =	sadd.s32 s5, s31;
	s6 =	smax.u32 s7, $0x1  }
0xb: {  	v0 =	vand.u32 $0x7, v2;
	v2 =	vor.u32 $0x8, v2;
	v1 =	vmul.u32 $0x8, v1;
	s7 =	simm.s32 $0x2;
	s5 =	sadd.s32 $0x24000, s8;
	s8 =	simm.s32 $0x80  }
.LBB2_1:
0xc: {  	[tilespmem:s2], [sflag:$0x2] =	stream.linear.gather [hbm4b:s4+s2], $0x20, $0x38;
	[tilespmem:$0x2080] =	vst v63  }
0xd: {  	_ =	swait.ge [sflag:s7], $0x20  }
0xe: {  	[sflag:s7] =	ssyncset.done $0x0  }
0xf: {  	[sflag:s7] =	ssyncadd.s32 $0xFFFFFFE0  }
0x10: {  	v3 =	vld [tilespmem:$0x0];
	_ =	sdelay $0x4  }
0x11: {  	v4 =	vshll.u32 v3, $0x1  }
0x12: {  	v3 =	vand.u32 $0x7, v3;
	v4 =	vand.u32 $0xFFFFFFF0, v4  }
0x13: {  	v3 =	vor.u32 v3, v4  }
0x14: {  	v4 =	vperm.xlane v3, v0;
	_ =	sdelay $0x1  }
0x15: {  	v3 =	vperm.xlane v3, v2;
	v4 =	vadd.s32 v1, v4;
	_ =	sdelay $0x1  }
0x16: {  	v3 =	vadd.s32 v1, v3;
	_ =	sdelay $0x2  }
0x17: {  	[tilespmem:s8], [sflag:$0x1] =	stream.indirect_vreg.gather [hbm4b:s3+s2], $0x80, v4, vm0, $0xb8;
	[tilespmem:$0x2080] =	vst v63  }
0x18: {  	_ = 	snop  }
0x19: {  	[tilespmem:s9], [sflag:$0x1] =	stream.indirect_vreg.gather [hbm4b:s3+s2], $0x80, v3, vm0, $0xb8;
	[tilespmem:$0x2080] =	vst v63  }
0x1a: {  	v3 =	vld [tilespmem:$0x10];
	_ =	sdelay $0x4  }
0x1b: {  	v63 =	vshll.u32 v3, $0x1  }
0x1c: {  	v3 =	vand.u32 $0x7, v3;
	v4 =	vand.u32 $0xFFFFFFF0, v63  }
0x1d: {  	v3 =	vor.u32 v3, v4  }
0x1e: {  	v4 =	vperm.xlane v3, v0;
	_ =	sdelay $0x1  }
0x1f: {  	v3 =	vperm.xlane v3, v2;
	v4 =	vadd.s32 v1, v4;
	_ =	sdelay $0x1  }
0x20: {  	v3 =	vadd.s32 v1, v3;
	_ =	sdelay $0x2  }
0x21: {  	[tilespmem:s10], [sflag:$0x1] =	stream.indirect_vreg.gather [hbm4b:s3+s2], $0x80, v4, vm0, $0xb8;
	[tilespmem:$0x2080] =	vst v63  }
0x22: {  	_ = 	snop  }
0x23: {  	[tilespmem:s11], [sflag:$0x1] =	stream.indirect_vreg.gather [hbm4b:s3+s2], $0x80, v3, vm0, $0xb8;
	[tilespmem:$0x2080] =	vst v63  }
0x24: {  	_ =	swait.ge [sflag:s12], $0x2000  }
0x25: {  	p0 =	sne.s32 s6, $0x1;
	[sflag:s12] =	ssyncset.done $0x0  }
.Ltmp0:
0x26: {  	[sflag:s12] =	ssyncadd.s32 $0xFFFFE000;
	(pc) =	sbr.rel @p0 .LBB2_1-.Ltmp0, $4  }
0x27: {  	[hbm4b:s5+s2] =	stream.linear.scatter [tilespmem:s8], [sflag:$0x2], $0x2000, $0x38;
	[tilespmem:$0x2080] =	vst v63  }
0x28: {  	_ =	swait.ge [sflag:s7], $0x2000  }
0x29: {  	[sflag:s7] =	ssyncset.done $0x0  }
0x2a: {  	s6 =	sadd.s32 $0xFFFFFFFF, s6;
	[sflag:s7] =	ssyncadd.s32 $0xFFFFE000  }
0x2b: {  	_ =	sfence.sel $0x180000  }
0x2c: {  	[bflag:$0x0] =	sbarrier.arrive $0xFFFF  }
0x2d: {  	p0 =	sne.s32 s1, $0x0;
	_ =	strace $0x9000004D  }
0x2e: {  	s0 =	sadd.s32 @!p0 $0x100000, s0;
	[bflag:$0x2] =	sbarrier.arrive $0xFFFF  }
0x2f: {  	[sflag:s0] =	ssyncadd.tile.s32 @!p0 $0x1;
	_ =	shalt  }
.Lfunc_end2:
_tile_overlayer_lowered:
.L_overlay_start_2:
0x30: {  	(tag) =	ssettag $0x2  }
0x31: {  	s0 =	rddreg [dreg:$0x0];
	s2 =	stileid.u32  }
0x32: {  	s1 =	rddreg [dreg:$0x1];
	p0 =	sne.s32 s2, $0x0  }
0x33: {  	s3 =	rddreg [dreg:$0x2];
	[bflag:$0x3] =	sbarrier.arrive $0xFFFF;
	s2 =	simm.s32 @!p0 $0x1C02  }
0x34: {  	[timem:s3], [sflag:s2] =	dma.local @!p0 [hbm:s0], s1  }
0x35: {  	s0 =	simm.s32 @!p0 $0x2  }
0x36: {  	_ =	swait.ge @!p0 [sflag:s0], s1  }
0x37: {  	s1 =	ssub.s32 @!p0 $0x0, s1;
	[sflag:s0] =	ssyncset.done @!p0 $0x0  }
0x38: {  	[sflag:s0] =	ssyncadd.s32 @!p0 s1  }
0x39: {  	[bflag:$0x3] =	sbarrier.arrive $0xFFFF  }
0x3a: {  	_ =	shalt  }

// kernel: kernel.22.cloned.1.call-start
scs
__scs_entry_jumppad:
0x0: {  	(pc) =	sbr.rel $0x88, $3  }
0x1: {  	(tag) =	ssettag $0x0;
	lr =	simm.s32 $0x1  }
0x2: {  	[smem:$0x3F8E] =	sst lr;
	_ =	strace $0xD0000000  }
0x3: {  	_ = 	snop  }
0x4: {  	_ = 	snop  }
0x5: {  	_ = 	snop  }
0x6: {  	_ = 	snop  }
0x7: {  	_ = 	snop  }
__scs_overlays_trampoline_lowered:
0x8: {  	[smem:$0x3F9D] =	sst s0  }
0x9: {  	[smem:$0x3F9E] =	sst s1  }
0xa: {  	[smem:$0x3F9F] =	sst s2  }
0xb: {  	[smem:$0x3FA0] =	sst s3  }
0xc: {  	[smem:$0x3FA1] =	sst s4  }
0xd: {  	[smem:$0x3FA2] =	sst s5  }
0xe: {  	[smem:$0x3FA3] =	sst s6  }
0xf: {  	[smem:$0x3FA4] =	sst s7  }
0x10: {  	[smem:$0x3FA5] =	sst s8  }
0x11: {  	[smem:$0x3FA6] =	sst s9;
	s0 =	simm.s32 @!p0 $0x0  }
0x12: {  	s1 =	sld [smem:$0x3F8C];
	s0 =	simm.s32 @p0 $0x1  }
0x13: {  	[smem:$0x3FA7] =	sst s0;
	s0 =	simm.s32 @!p1 $0x0  }
0x14: {  	s2 =	sld [smem:$0x3F8B];
	s0 =	simm.s32 @p1 $0x1  }
0x15: {  	[smem:$0x3FA8] =	sst s0;
	s0 =	simm.s32 @!p2 $0x0  }
0x16: {  	s3 =	sld [smem:$0x3FDB];
	s0 =	simm.s32 @p2 $0x1  }
0x17: {  	s4 =	simm.s32 $0x1BF5;
	[smem:$0x3FAA] =	sst s0  }
0x18: {  	s0 =	sld [smem:$0x3F8D];
	_ =	swait.ge [sflag:s4], $0x0  }
0x19: {  	s7 =	sld [smem:$0x3F8E]  }
0x1a: {  	s8 =	sadd.s32 $0xFFFFE003, lr  }
0x1b: {  	s9 =	sadd.s32 $0xFFFFFEF7, lr;
	s5 =	simm.s32 $0xFFFFFFFF;
	p2 =	slt.u32 s8, $0xFFFFF086  }
0x1c: {  	p1 =	slt.u32 s9, $0xF7A;
	s5 =	simm.s32 @!p2 $0x0  }
0x1d: {  	s5 =	simm.s32 @p1 $0x1;
	p0 =	seq.s32 s7, s2  }
0x1e: {  	s7 =	smul.u32 @!p0 $0xF7A, s2;
	p2 =	seq.s32 @!p0 s5, $0x0  }
0x1f: {  	s9 =	smul.u32 $0xF7A, s1;
	s8 =	simm.s32 @!p0 $0x1BF5;
	p2 =	por !p2, p0  }
0x20: {  	[sflag:s8] =	ssyncset.s32 @!p0 $0xFFFFF086;
	s6 =	sadd.s32 @!p0 s3, s7;
	s7 =	simm.s32 @!p0 $0x108  }
0x21: {  	s3 =	sadd.s32 s3, s9;
	s6 =	sadd.s32 @!p0 $0x88, s6;
	s7 =	simm.s32 @p2 $0x1082  }
0x22: {  	[simem:s7], [sflag:s8] =	dma.local @!p0 [hbm:s6], $0xF7A  }
0x23: {  	s9 =	sor.u32 $0xD0000000, s2;
	s6 =	simm.s32 $0x108;
	_ =	swait.ge @!p0 [sflag:s8], $0x0  }
0x24: {  	s3 =	sadd.s32 $0x88, s3;
	s6 =	simm.s32 @!p1 $0x1082;
	[sflag:s4] =	ssyncset.s32 $0xFFFFF086  }
0x25: {  	[simem:s6], [sflag:s4] =	dma.local [hbm:s3], $0xF7A  }
0x26: {  	[smem:$0x3F8E] =	sst s1;
	(tag) =	ssettag s2;
	_ =	strace s9  }
0x27: {  	s1 =	sld [smem:$0x3F9E]  }
0x28: {  	s2 =	sld [smem:$0x3F9F]  }
0x29: {  	s4 =	sld [smem:$0x3FA1]  }
0x2a: {  	p0 =	seq.s32 s5, $0x0;
	s5 =	sld [smem:$0x3FA2]  }
0x2b: {  	s6 =	sld [smem:$0x3FA3]  }
0x2c: {  	s7 =	sld [smem:$0x3FA4]  }
0x2d: {  	s3 =	simm.s32 $0x108;
	s8 =	sld [smem:$0x3FA5]  }
0x2e: {  	s3 =	simm.s32 @!p0 $0x1082;
	s9 =	sld [smem:$0x3FA6]  }
0x2f: {  	lr =	sadd.s32 s0, s3;
	s0 =	sld [smem:$0x3F9D]  }
0x30: {  	s3 =	sld [smem:$0x3FA0]  }
0x31: {  	[smem:$0x3FA9] =	sst s10  }
0x32: {  	s10 =	sld [smem:$0x3FA7];
	_ =	sdelay $0x3  }
0x33: {  	p0 =	seq.s32 s10, $0x1;
	s10 =	sld [smem:$0x3FA9];
	_ =	sdelay $0x3  }
0x34: {  	[smem:$0x3FA9] =	sst s10  }
0x35: {  	s10 =	sld [smem:$0x3FA8];
	_ =	sdelay $0x3  }
0x36: {  	p1 =	seq.s32 s10, $0x1;
	s10 =	sld [smem:$0x3FA9];
	_ =	sdelay $0x3  }
0x37: {  	[smem:$0x3FA9] =	sst s10  }
0x38: {  	s10 =	sld [smem:$0x3FAA]  }
0x39: {  	_ = 	snop;
	(pc) =	sbr.ind lr, $3  }
0x3a: {  	_ = 	snop  }
0x3b: {  	_ = 	snop  }
0x3c: {  	p2 =	seq.s32 s10, $0x1;
	s10 =	sld [smem:$0x3FA9]  }
0x3d: {  	_ =	shalt  }
0x3e: {  	_ =	shalt  }
0x3f: {  	_ =	shalt  }
0x40: {  	_ =	shalt  }
0x41: {  	_ =	shalt  }
0x42: {  	_ =	shalt  }
0x43: {  	_ =	shalt  }
0x44: {  	_ =	shalt  }
0x45: {  	_ =	shalt  }
0x46: {  	_ =	shalt  }
0x47: {  	_ =	shalt  }
0x48: {  	_ =	shalt  }
0x49: {  	_ =	shalt  }
0x4a: {  	_ =	shalt  }
0x4b: {  	_ =	shalt  }
0x4c: {  	_ =	shalt  }
0x4d: {  	_ =	shalt  }
0x4e: {  	_ =	shalt  }
0x4f: {  	_ =	shalt  }
0x50: {  	_ =	shalt  }
0x51: {  	_ =	shalt  }
0x52: {  	_ =	shalt  }
0x53: {  	_ =	shalt  }
0x54: {  	_ =	shalt  }
0x55: {  	_ =	shalt  }
0x56: {  	_ =	shalt  }
0x57: {  	_ =	shalt  }
0x58: {  	_ =	shalt  }
0x59: {  	_ =	shalt  }
0x5a: {  	_ =	shalt  }
0x5b: {  	_ =	shalt  }
0x5c: {  	_ =	shalt  }
0x5d: {  	_ =	shalt  }
0x5e: {  	_ =	shalt  }
0x5f: {  	_ =	shalt  }
0x60: {  	_ =	shalt  }
0x61: {  	_ =	shalt  }
0x62: {  	_ =	shalt  }
0x63: {  	_ =	shalt  }
0x64: {  	_ =	shalt  }
0x65: {  	_ =	shalt  }
0x66: {  	_ =	shalt  }
0x67: {  	_ =	shalt  }
0x68: {  	_ =	shalt  }
0x69: {  	_ =	shalt  }
0x6a: {  	_ =	shalt  }
0x6b: {  	_ =	shalt  }
0x6c: {  	_ =	shalt  }
0x6d: {  	_ =	shalt  }
0x6e: {  	_ =	shalt  }
0x6f: {  	_ =	shalt  }
0x70: {  	_ =	shalt  }
0x71: {  	_ =	shalt  }
0x72: {  	_ =	shalt  }
0x73: {  	_ =	shalt  }
0x74: {  	_ =	shalt  }
0x75: {  	_ =	shalt  }
0x76: {  	_ =	shalt  }
0x77: {  	_ =	shalt  }
0x78: {  	_ =	shalt  }
0x79: {  	_ =	shalt  }
0x7a: {  	_ =	shalt  }
0x7b: {  	_ =	shalt  }
0x7c: {  	_ =	shalt  }
0x7d: {  	_ =	shalt  }
0x7e: {  	_ =	shalt  }
0x7f: {  	_ =	shalt  }
0x80: {  	_ =	shalt  }
0x81: {  	_ =	shalt  }
0x82: {  	_ =	shalt  }
0x83: {  	_ =	shalt  }
0x84: {  	_ =	shalt  }
0x85: {  	_ =	shalt  }
0x86: {  	_ =	shalt  }
0x87: {  	_ =	shalt  }
.Lfunc_end0:
.L_simem_size_0:
called_computation.3_lowered:
.L_overlay_start_0:
0x88: {  	s2 =	sld [smem:$0x3FD9]  }
0x89: {  	s3 =	sld [smem:$0x3FFE];
	_ =	sdelay $0x1  }
0x8a: {  	s1 =	srdreg.scid  }
0x8b: {  	s0 =	sand.u32 $0x1, s1  }
0x8c: {  	s16 =	sshll.u32 s0, $0xA;
	s2 =	sadd.s32 s3, s2  }
0x8d: {  	s2 =	sadd.s32 s2, s16  }
0x8e: {  	[smem:$0x3FB5] =	sst s2  }
0x8f: {  	_ = 	snop  }
0x90: {  	(tm) =	ssettm $0x1  }
0x91: {  	s17 =	sld [smem:$0x3FFB];
	_ =	sdelay $0x3  }
0x92: {  	_ =	strace s17  }
0x93: {  	s2 =	sld [smem:$0x3FFC];
	_ =	sdelay $0x3  }
0x94: {  	_ =	strace s2  }
0x95: {  	s2 =	sld [smem:$0x3FFD];
	_ =	sdelay $0x3  }
0x96: {  	_ =	strace s2  }
0x97: {  	_ =	strace $0x8FFFFFFF  }
0x98: {  	s18 =	sld [smem:$0x3FDB];
	_ =	sdelay $0x1  }
0x99: {  	s19 =	simm.s32 $_scs_section_size  }
0x9a: {  	s4 =	simm.s32 $_size__tile_overlayer_lowered;
	s5 =	simm.s32 $_tile_overlayer_lowered  }
0x9b: {  	s22 =	simm.s32 $0x1BFF;
	s21 =	sshll.u32 s5, $0x1;
	s2 =	sadd.s32 s19, s18  }
0x9c: {  	s6 =	simm.s32 $0x0;
	s20 =	sshll.u32 s4, $0x1;
	s4 =	sadd.s32 s21, s2  }
0x9d: {  	[timem:s6], [sflag:s22] =	dma.local [hbm:s4], s20  }
0x9e: {  	_ =	swait.ge [sflag:s22], s20  }
0x9f: {  	s3 =	ssub.s32 $0x0, s20;
	[sflag:s22] =	ssyncset.done $0x0  }
0xa0: {  	[sflag:s22] =	ssyncadd.s32 s3;
	_ =	sdelay $0x1  }
0xa1: {  	s23 =	simm.s32 $0x1B8B  }
0xa2: {  	_ =	swait.ge [sflag:s23], $0x1  }
0xa3: {  	[sflag:s23] =	ssyncset.done $0x0  }
0xa4: {  	s25 =	simm.s32 $0x1B8E;
	s24 =	sld [smem:$0x3FFE];
	[sflag:s23] =	ssyncadd.s32 $0xFFFFFFFF  }
0xa5: {  	s26 =	simm.s32 $execute0_lowered;
	[smem:$0x3FD2] =	sst s25  }
0xa6: {  	s4 =	sshll.u32 s26, $0x1;
	_ =	strace $0x8000004F;
	[dreg:$0x1] =	wrdreg $0xFFFFFFFF  }
0xa7: {  	s28 =	simm.s32 $_size_execute0_lowered;
	s2 =	sadd.s32 s2, s4;
	[dreg:$0x0] =	wrdreg $0x0  }
0xa8: {  	s4 =	sshll.u32 s28, $0x1;
	[dreg:$0x2] =	wrdreg s2  }
0xa9: {  	[dreg:$0x3] =	wrdreg s4  }
0xaa: {  	[dreg:$0x4] =	wrdreg $0xC0  }
0xab: {  	_ =	task [dreg:s6], $0x5FFFF  }
0xac: {  	[dreg:$0x1] =	wrdreg $0xFFFFFFFF  }
0xad: {  	[dreg:$0x0] =	wrdreg $0x60  }
0xae: {  	[dreg:$0x2] =	wrdreg s24  }
0xaf: {  	[dreg:$0x3] =	wrdreg $0x9  }
0xb0: {  	_ =	task.clear_ibuf [dreg:s6], $0x4FFFF;
	_ =	strace $0x9000004F  }
0xb1: {  	s29 =	simm.s32 $0x9;
	_ =	strace $0x80000051  }
0xb2: {  	_ =	swait.ge [sflag:s29], $0x1  }
0xb3: {  	[sflag:s29] =	ssyncadd.s32 $0xFFFFFFFF  }
0xb4: {  	_ =	strace $0x90000051  }
0xb5: {  	_ =	sfence  }
0xb6: {  	s30 =	sld [smem:$0x0];
	_ =	sdelay $0x2  }
0xb7: {  	s31 =	sshll.u32 s1, $0xD;
	s1 =	sshrl.u32 s1, $0x2  }
0xb8: {  	s3 =	sand.u32 $0x4000, s31;
	s1 =	sadd.s32 s1, s30  }
0xb9: {  	s0 =	sor.u32 s3, s0;
	s1 =	sshll.u32 s1, $0x11  }
0xba: {  	s0 =	sor.u32 s1, s0  }
0xbb: {  	s0 =	sadd.s32 $0x8F2B, s0  }
0xbc: {  	[sflag:s0] =	ssyncadd.remote.s32 $0x1  }
0xbd: {  	_ =	sfence.sel $0xFFFF  }
0xbe: {  	[dreg:$0x0] =	wrdreg $0xFFFFFFFF;
	(pc) =	sbr.abs _section_cstart, $3  }
0xbf: {  	[dreg:$0x1] =	wrdreg $0xFFFFFFFF  }
0xc0: {  	_ =	task.clear_ibuf [dreg:s6], $0x2FFFF;
	_ =	strace $0x9FFFFFFF  }
0xc1: {  	(tm) =	ssettm $0x7FFFFFFF  }
tec
execute0_lowered:
.L_overlay_start_1:
0x0: {  	(tag) =	ssettag $0x1  }
0x1: {  	s4 =	rddreg [dreg:$0x0]  }
0x2: {  	s0 =	rddreg [dreg:$0x1];
	s2 =	simm.s32 $0x0;
	s3 =	srdreg.scid  }
0x3: {  	s1 =	stileid.u32;
	s10 =	simm.s32 $0x1080;
	s11 =	simm.s32 $0x1880  }
0x4: {  	s12 =	simm.s32 $0x2080;
	s13 =	simm.s32 $0x2880;
	s14 =	simm.s32 $0x3080  }
0x5: {  	s15 =	simm.s32 $0x3880;
	s16 =	simm.s32 $0x4080;
	s17 =	simm.s32 $0x4880  }
0x6: {  	s18 =	simm.s32 $0x5080;
	s19 =	simm.s32 $0x5880;
	s20 =	simm.s32 $0x6080  }
0x7: {  	s21 =	simm.s32 $0x6880;
	s22 =	simm.s32 $0x7080;
	s23 =	simm.s32 $0x7880  }
0x8: {  	s24 =	simm.s32 $0x1;
	s25 =	simm.s32 $0x0;
	[smem:$0x7FF] =	sst s2  }
0x9: {  	s5 =	sand.u32 $0x1, s3;
	s6 =	sshll.u32 s1, $0xC;
	s3 =	sadd.s32 $0x4000, s4  }
0xa: {  	s8 =	sshll.u32 s1, $0x11;
	_ =	strace $0x80000050;
	s7 =	sshll.u32 s5, $0xB  }
0xb: {  	s31 =	ssub.s32 $0x2, s5;
	s8 =	sadd.s32 s8, s4;
	s5 =	sshll.u32 s5, $0x10  }
0xc: {  	s6 =	sor.u32 s7, s6;
	s9 =	sshrl.u32 s31, $0x1;
	s5 =	sadd.s32 s5, s8  }
0xd: {  	v2 =	vlaneseq.u32;
	s8 =	simm.s32 $0x80;
	s6 =	sshrl.u32 s6, $0x3;
	s7 =	ssub.s32 s31, s9  }
0xe: {  	vm0 =	vmmov $0xffff;
	v1 =	vshrl.u32 v2, $0x3;
	s5 =	sadd.s32 $0x26000, s5;
	s9 =	simm.s32 $0x880;
	s6 =	sadd.s32 s6, s4  }
0xf: {  	v0 =	vand.u32 $0x7, v2;
	v2 =	vor.u32 $0x8, v2;
	v1 =	vmul.u32 $0x8, v1;
	s4 =	smax.u32 s7, $0x1;
	s7 =	simm.s32 $0x2;
	s6 =	sadd.s32 $0x24000, s6  }
.LBB2_1:
0x10: {  	s26 =	smov.u32 s5;
	s28 =	simm.s32 $0x0  }
.LBB2_2:
0x11: {  	s29 =	sadd.s32 s28, s6  }
0x12: {  	[tilespmem:s2], [sflag:$0x2] =	stream.linear.gather [hbm4b:s29+s2], $0x80, $0x38;
	[tilespmem:$0x8080] =	vst v63  }
0x13: {  	_ =	swait.ge [sflag:s7], $0x80  }
0x14: {  	[sflag:s7] =	ssyncset.done $0x0  }
0x15: {  	[sflag:s7] =	ssyncadd.s32 $0xFFFFFF80  }
0x16: {  	v3 =	vld [tilespmem:$0x0];
	_ =	sdelay $0x4  }
0x17: {  	v4 =	vshll.u32 v3, $0x1  }
0x18: {  	v3 =	vand.u32 $0x7, v3;
	v4 =	vand.u32 $0xFFFFFFF0, v4  }
0x19: {  	v3 =	vor.u32 v3, v4  }
0x1a: {  	v4 =	vperm.xlane v3, v0;
	_ =	sdelay $0x1  }
0x1b: {  	v3 =	vperm.xlane v3, v2;
	v4 =	vadd.s32 v1, v4;
	_ =	sdelay $0x1  }
0x1c: {  	v3 =	vadd.s32 v1, v3;
	_ =	sdelay $0x2  }
0x1d: {  	[tilespmem:s8], [sflag:$0x1] =	stream.indirect_vreg.gather [hbm4b:s3+s2], $0x80, v4, vm0, $0xb8;
	[tilespmem:$0x8080] =	vst v63  }
0x1e: {  	_ = 	snop  }
0x1f: {  	[tilespmem:s9], [sflag:$0x1] =	stream.indirect_vreg.gather [hbm4b:s3+s2], $0x80, v3, vm0, $0xb8;
	[tilespmem:$0x8080] =	vst v63  }
0x20: {  	v3 =	vld [tilespmem:$0x10];
	_ =	sdelay $0x4  }
0x21: {  	v57 =	vshll.u32 v3, $0x1  }
0x22: {  	v3 =	vand.u32 $0x7, v3;
	v4 =	vand.u32 $0xFFFFFFF0, v57  }
0x23: {  	v3 =	vor.u32 v3, v4  }
0x24: {  	v4 =	vperm.xlane v3, v0;
	_ =	sdelay $0x1  }
0x25: {  	v3 =	vperm.xlane v3, v2;
	v4 =	vadd.s32 v1, v4;
	_ =	sdelay $0x1  }
0x26: {  	v3 =	vadd.s32 v1, v3;
	_ =	sdelay $0x2  }
0x27: {  	[tilespmem:s10], [sflag:$0x1] =	stream.indirect_vreg.gather [hbm4b:s3+s2], $0x80, v4, vm0, $0xb8;
	[tilespmem:$0x8080] =	vst v63  }
0x28: {  	_ = 	snop  }
0x29: {  	[tilespmem:s11], [sflag:$0x1] =	stream.indirect_vreg.gather [hbm4b:s3+s2], $0x80, v3, vm0, $0xb8;
	[tilespmem:$0x8080] =	vst v63  }
0x2a: {  	v3 =	vld [tilespmem:$0x20];
	_ =	sdelay $0x4  }
0x2b: {  	v58 =	vshll.u32 v3, $0x1  }
0x2c: {  	v3 =	vand.u32 $0x7, v3;
	v4 =	vand.u32 $0xFFFFFFF0, v58  }
0x2d: {  	v3 =	vor.u32 v3, v4  }
0x2e: {  	v4 =	vperm.xlane v3, v0;
	_ =	sdelay $0x1  }
0x2f: {  	v3 =	vperm.xlane v3, v2;
	v4 =	vadd.s32 v1, v4;
	_ =	sdelay $0x1  }
0x30: {  	v3 =	vadd.s32 v1, v3;
	_ =	sdelay $0x2  }
0x31: {  	[tilespmem:s12], [sflag:$0x1] =	stream.indirect_vreg.gather [hbm4b:s3+s2], $0x80, v4, vm0, $0xb8;
	[tilespmem:$0x8080] =	vst v63  }
0x32: {  	_ = 	snop  }
0x33: {  	[tilespmem:s13], [sflag:$0x1] =	stream.indirect_vreg.gather [hbm4b:s3+s2], $0x80, v3, vm0, $0xb8;
	[tilespmem:$0x8080] =	vst v63  }
0x34: {  	v3 =	vld [tilespmem:$0x30];
	_ =	sdelay $0x4  }
0x35: {  	v59 =	vshll.u32 v3, $0x1  }
0x36: {  	v3 =	vand.u32 $0x7, v3;
	v4 =	vand.u32 $0xFFFFFFF0, v59  }
0x37: {  	v3 =	vor.u32 v3, v4  }
0x38: {  	v4 =	vperm.xlane v3, v0;
	_ =	sdelay $0x1  }
0x39: {  	v3 =	vperm.xlane v3, v2;
	v4 =	vadd.s32 v1, v4;
	_ =	sdelay $0x1  }
0x3a: {  	v3 =	vadd.s32 v1, v3;
	_ =	sdelay $0x2  }
0x3b: {  	[tilespmem:s14], [sflag:$0x1] =	stream.indirect_vreg.gather [hbm4b:s3+s2], $0x80, v4, vm0, $0xb8;
	[tilespmem:$0x8080] =	vst v63  }
0x3c: {  	_ = 	snop  }
0x3d: {  	[tilespmem:s15], [sflag:$0x1] =	stream.indirect_vreg.gather [hbm4b:s3+s2], $0x80, v3, vm0, $0xb8;
	[tilespmem:$0x8080] =	vst v63  }
0x3e: {  	v3 =	vld [tilespmem:$0x40];
	_ =	sdelay $0x4  }
0x3f: {  	v60 =	vshll.u32 v3, $0x1  }
0x40: {  	v3 =	vand.u32 $0x7, v3;
	v4 =	vand.u32 $0xFFFFFFF0, v60  }
0x41: {  	v3 =	vor.u32 v3, v4  }
0x42: {  	v4 =	vperm.xlane v3, v0;
	_ =	sdelay $0x1  }
0x43: {  	v3 =	vperm.xlane v3, v2;
	v4 =	vadd.s32 v1, v4;
	_ =	sdelay $0x1  }
0x44: {  	v3 =	vadd.s32 v1, v3;
	_ =	sdelay $0x2  }
0x45: {  	[tilespmem:s16], [sflag:$0x1] =	stream.indirect_vreg.gather [hbm4b:s3+s2], $0x80, v4, vm0, $0xb8;
	[tilespmem:$0x8080] =	vst v63  }
0x46: {  	_ = 	snop  }
0x47: {  	[tilespmem:s17], [sflag:$0x1] =	stream.indirect_vreg.gather [hbm4b:s3+s2], $0x80, v3, vm0, $0xb8;
	[tilespmem:$0x8080] =	vst v63  }
0x48: {  	v3 =	vld [tilespmem:$0x50];
	_ =	sdelay $0x4  }
0x49: {  	v61 =	vshll.u32 v3, $0x1  }
0x4a: {  	v3 =	vand.u32 $0x7, v3;
	v4 =	vand.u32 $0xFFFFFFF0, v61  }
0x4b: {  	v3 =	vor.u32 v3, v4  }
0x4c: {  	v4 =	vperm.xlane v3, v0;
	_ =	sdelay $0x1  }
0x4d: {  	v3 =	vperm.xlane v3, v2;
	v4 =	vadd.s32 v1, v4;
	_ =	sdelay $0x1  }
0x4e: {  	v3 =	vadd.s32 v1, v3;
	_ =	sdelay $0x2  }
0x4f: {  	[tilespmem:s18], [sflag:$0x1] =	stream.indirect_vreg.gather [hbm4b:s3+s2], $0x80, v4, vm0, $0xb8;
	[tilespmem:$0x8080] =	vst v63  }
0x50: {  	_ = 	snop  }
0x51: {  	[tilespmem:s19], [sflag:$0x1] =	stream.indirect_vreg.gather [hbm4b:s3+s2], $0x80, v3, vm0, $0xb8;
	[tilespmem:$0x8080] =	vst v63  }
0x52: {  	v3 =	vld [tilespmem:$0x60];
	_ =	sdelay $0x4  }
0x53: {  	v62 =	vshll.u32 v3, $0x1  }
0x54: {  	v3 =	vand.u32 $0x7, v3;
	v4 =	vand.u32 $0xFFFFFFF0, v62  }
0x55: {  	v3 =	vor.u32 v3, v4  }
0x56: {  	v4 =	vperm.xlane v3, v0;
	_ =	sdelay $0x1  }
0x57: {  	v3 =	vperm.xlane v3, v2;
	v4 =	vadd.s32 v1, v4;
	_ =	sdelay $0x1  }
0x58: {  	v3 =	vadd.s32 v1, v3;
	_ =	sdelay $0x2  }
0x59: {  	[tilespmem:s20], [sflag:$0x1] =	stream.indirect_vreg.gather [hbm4b:s3+s2], $0x80, v4, vm0, $0xb8;
	[tilespmem:$0x8080] =	vst v63  }
0x5a: {  	_ = 	snop  }
0x5b: {  	[tilespmem:s21], [sflag:$0x1] =	stream.indirect_vreg.gather [hbm4b:s3+s2], $0x80, v3, vm0, $0xb8;
	[tilespmem:$0x8080] =	vst v63  }
0x5c: {  	v3 =	vld [tilespmem:$0x70];
	_ =	sdelay $0x4  }
0x5d: {  	v63 =	vshll.u32 v3, $0x1  }
0x5e: {  	v3 =	vand.u32 $0x7, v3;
	v4 =	vand.u32 $0xFFFFFFF0, v63  }
0x5f: {  	v3 =	vor.u32 v3, v4  }
0x60: {  	v4 =	vperm.xlane v3, v0;
	_ =	sdelay $0x1  }
0x61: {  	v3 =	vperm.xlane v3, v2;
	v4 =	vadd.s32 v1, v4;
	_ =	sdelay $0x1  }
0x62: {  	v3 =	vadd.s32 v1, v3;
	_ =	sdelay $0x2  }
0x63: {  	[tilespmem:s22], [sflag:$0x1] =	stream.indirect_vreg.gather [hbm4b:s3+s2], $0x80, v4, vm0, $0xb8;
	[tilespmem:$0x8080] =	vst v63  }
0x64: {  	_ = 	snop  }
0x65: {  	[tilespmem:s23], [sflag:$0x1] =	stream.indirect_vreg.gather [hbm4b:s3+s2], $0x80, v3, vm0, $0xb8;
	[tilespmem:$0x8080] =	vst v63  }
0x66: {  	_ =	swait.ge [sflag:s24], $0x8000  }
0x67: {  	p0 =	sne.s32 s28, $0xF0;
	[sflag:s24] =	ssyncset.done $0x0  }
.Ltmp0:
0x68: {  	[sflag:s24] =	ssyncadd.s32 $0xFFFF8000;
	(pc) =	sbr.rel @p0 .LBB2_2-.Ltmp0, $4  }
0x69: {  	[hbm4b:s26+s2] =	stream.linear.scatter [tilespmem:s8], [sflag:$0x2], $0x8000, $0x38;
	[tilespmem:$0x8080] =	vst v63  }
0x6a: {  	_ =	swait.ge [sflag:s7], $0x8000  }
0x6b: {  	[sflag:s7] =	ssyncset.done $0x0  }
0x6c: {  	s28 =	sadd.s32 $0x10, s28;
	s26 =	sadd.s32 $0x1000, s26;
	[sflag:s7] =	ssyncadd.s32 $0xFFFF8000  }
0x6d: {  	s25 =	sadd.s32 $0x1, s25  }
0x6e: {  	p0 =	sne.s32 s25, s4  }
.Ltmp1:
0x6f: {  	_ = 	snop;
	(pc) =	sbr.rel @p0 .LBB2_1-.Ltmp1, $1  }
0x70: {  	_ =	sdelay $0x3  }
0x71: {  	_ =	sfence.sel $0x180000  }
0x72: {  	[bflag:$0x0] =	sbarrier.arrive $0xFFFF  }
0x73: {  	p0 =	sne.s32 s1, $0x0;
	_ =	strace $0x90000050  }
0x74: {  	s0 =	sadd.s32 @!p0 $0x100000, s0;
	[bflag:$0x2] =	sbarrier.arrive $0xFFFF  }
0x75: {  	[sflag:s0] =	ssyncadd.tile.s32 @!p0 $0x1;
	_ =	shalt  }
.Lfunc_end2:
_tile_overlayer_lowered:
.L_overlay_start_2:
0x76: {  	(tag) =	ssettag $0x2  }
0x77: {  	s0 =	rddreg [dreg:$0x0];
	s2 =	stileid.u32  }
0x78: {  	s1 =	rddreg [dreg:$0x1];
	p0 =	sne.s32 s2, $0x0  }
0x79: {  	s3 =	rddreg [dreg:$0x2];
	[bflag:$0x3] =	sbarrier.arrive $0xFFFF;
	s2 =	simm.s32 @!p0 $0x1C02  }
0x7a: {  	[timem:s3], [sflag:s2] =	dma.local @!p0 [hbm:s0], s1  }
0x7b: {  	s0 =	simm.s32 @!p0 $0x2  }
0x7c: {  	_ =	swait.ge @!p0 [sflag:s0], s1  }
0x7d: {  	s1 =	ssub.s32 @!p0 $0x0, s1;
	[sflag:s0] =	ssyncset.done @!p0 $0x0  }
0x7e: {  	[sflag:s0] =	ssyncadd.s32 @!p0 s1  }
0x7f: {  	[bflag:$0x3] =	sbarrier.arrive $0xFFFF  }
0x80: {  	_ =	shalt  }

</sc_bundles>
